<compile_context>
chip_gen: v7x
topology: tpu7x:2x2x1
jax: 0.10.2.dev20260603
libtpu: 0.0.44.dev20260713+nightly
codegen_flags: <defaults>
</compile_context>

<pallas_src>
import dataclasses
import functools

import jax
import jax.numpy as jnp
from jax import lax
from jax.experimental import pallas as pl
from jax.experimental.pallas import tpu as pltpu
from jax.experimental.pallas import tpu_sc as plsc

N = 320000
D = 128
G = 512

SC_CORES = 2
SC_SUBCORES = 16
L = 16
NW = SC_CORES * SC_SUBCORES

YW = 128
_ROWS = 16384
GRID = (N + _ROWS - 1) // _ROWS
N_PAD = GRID * _ROWS
Y_ROWS_TOTAL = N_PAD // YW
BLOCK_Y_ROWS = _ROWS // YW

CHUNK_STEPS = (6, 6, 6, 2)
assert sum(CHUNK_STEPS) == GRID


def _matvec_body(block_off, x_ref, w_ref, y_ref):
    i = pl.program_id(0)
    x = x_ref[...]
    w = w_ref[...]
    prod = x * w
    y2 = jnp.sum(prod.reshape(_ROWS // YW, YW, D), axis=2)
    flat = (
        (block_off + i) * _ROWS
        + jax.lax.broadcasted_iota(jnp.int32, y2.shape, 0) * YW
        + jax.lax.broadcasted_iota(jnp.int32, y2.shape, 1)
    )
    y_ref[...] = jnp.where(flat < N, y2, 0.0)


def _matvec_chunk(x, w, block_off, steps):
    return pl.pallas_call(
        functools.partial(_matvec_body, block_off),
        grid=(steps,),
        in_specs=[
            pl.BlockSpec((_ROWS, D), lambda i: (i + block_off, 0)),
            pl.BlockSpec((1, D), lambda i: (0, 0)),
        ],
        out_specs=pl.BlockSpec((_ROWS // YW, YW), lambda i: (i, 0)),
        out_shape=jax.ShapeDtypeStruct((steps * BLOCK_Y_ROWS, YW), jnp.float32),
    )(x, w)


_SC_MESH = plsc.VectorSubcoreMesh(
    core_axis_name="c", subcore_axis_name="s",
    num_cores=SC_CORES, num_subcores=SC_SUBCORES,
)

_SC_PARAMS = pltpu.CompilerParams()
if "needs_layout_passes" in pltpu.CompilerParams.__dataclass_fields__:
    _SC_PARAMS = dataclasses.replace(_SC_PARAMS, needs_layout_passes=False)


def _segsum_body(chunk_row_off, rows_pw, ids_hbm, y_hbm, out_hbm, ids_v, y_v,
                 acc_v, part_v, sem):
    wid = lax.axis_index("s") * SC_CORES + lax.axis_index("c")
    base_row = wid * rows_pw
    cp_ids = pltpu.async_copy(
        ids_hbm.at[pl.ds(chunk_row_off + base_row, rows_pw)], ids_v, sem)
    cp_y = pltpu.async_copy(y_hbm.at[pl.ds(base_row, rows_pw)], y_v, sem)

    zeros = jnp.zeros((L,), jnp.float32)

    @pl.loop(0, L)
    def _zero_row(r):
        for c in range(0, G, L):
            acc_v[r, pl.ds(c, L)] = zeros

    cp_ids.wait()
    cp_y.wait()

    lane = lax.iota(jnp.int32, L)

    @pl.loop(0, rows_pw)
    def _accum_row(r):
        for j in range(0, YW, L):
            plsc.addupdate_scatter(
                acc_v, [lane, ids_v[r, pl.ds(j, L)]], y_v[r, pl.ds(j, L)])

    @pl.loop(0, G, step=L)
    def _fold_col(c):
        s = acc_v[0, pl.ds(c, L)]
        for r in range(1, L):
            s = s + acc_v[r, pl.ds(c, L)]
        part_v[pl.ds(c, L)] = s

    pltpu.sync_copy(part_v, out_hbm.at[wid])


def _make_segsum(chunk_row_off, chunk_y_rows):
    rows_pw = chunk_y_rows // NW
    return functools.partial(
        pl.kernel,
        out_type=jax.ShapeDtypeStruct((NW, G), jnp.float32),
        mesh=_SC_MESH,
        compiler_params=_SC_PARAMS,
        scratch_types=[
            pltpu.VMEM((rows_pw, YW), jnp.int32),
            pltpu.VMEM((rows_pw, YW), jnp.float32),
            pltpu.VMEM((L, G), jnp.float32),
            pltpu.VMEM((G,), jnp.float32),
            pltpu.SemaphoreType.DMA,
        ],
    )(functools.partial(_segsum_body, chunk_row_off, rows_pw))


def _fold_body(pa_ref, pb_ref, pc_ref, pd_ref, b_ref, o_ref):
    s = jnp.sum(pa_ref[...], axis=0, keepdims=True)
    s = s + jnp.sum(pb_ref[...], axis=0, keepdims=True)
    s = s + jnp.sum(pc_ref[...], axis=0, keepdims=True)
    s = s + jnp.sum(pd_ref[...], axis=0, keepdims=True)
    o_ref[...] = s + b_ref[0, 0]


def _fold(parts, b):
    return pl.pallas_call(
        _fold_body,
        in_specs=[pl.BlockSpec((NW, G), lambda: (0, 0)) for _ in parts]
        + [pl.BlockSpec((1, 1), lambda: (0, 0))],
        out_specs=pl.BlockSpec((1, G), lambda: (0, 0)),
        out_shape=jax.ShapeDtypeStruct((1, G), jnp.float32),
    )(*parts, b)


def kernel(cell_features, cell_batches, W, b):
    ids_raw = cell_batches.reshape(N // YW, YW)
    ids_pad = jnp.concatenate(
        [cell_batches, jnp.zeros((N_PAD - N,), jnp.int32)]
    ).reshape(Y_ROWS_TOTAL, YW)
    parts = []
    block_off = 0
    for steps in CHUNK_STEPS:
        row_off = block_off * BLOCK_Y_ROWS
        rows = steps * BLOCK_Y_ROWS
        ids_src = ids_raw if (row_off + rows) <= N // YW else ids_pad
        y_c = _matvec_chunk(cell_features, W, block_off, steps)
        parts.append(_make_segsum(row_off, rows)(ids_src, y_c))
        block_off += steps
    out = _fold(parts, b.reshape(1, 1))
    return out.reshape(G)

# --- scband reference (transcript-rebuilt; emitter-appended) ---
"""Pipeline reference for scband-cwnhead-79783312490691 (READ-ONLY COPY).

The authoritative reference and input builder live on the scoring server;
editing this copy changes nothing except your own understanding.
"""

import jax, jax.numpy as jnp
import numpy as np

N = 320000
D = 128  # 2 * num_hidden
NUM_GRAPHS = 512

def setup_inputs(seed: int = 0) -> dict:
    key = jax.random.key(seed)
    k1, k2, k3 = jax.random.split(key, 3)
    cell_features = jax.random.normal(k1, (N, D), dtype=jnp.float32)
    cell_batches = jnp.sort(jax.random.randint(k2, (N,), 0, NUM_GRAPHS)).astype(jnp.int32)
    # nn.Linear(2*num_hidden, 1) parameters
    bound = 1.0 / np.sqrt(D)
    W = jax.random.uniform(k3, (1, D), dtype=jnp.float32, minval=-bound, maxval=bound)
    b = jnp.zeros((1,), dtype=jnp.float32)
    return {"cell_features": cell_features, "cell_batches": cell_batches, "W": W, "b": b}

def reference(cell_features, cell_batches, W, b):
    # torch.cat over the list of cell tensors is a no-op here since the harness
    # supplies the already-concatenated tensors (single-element lists).
    # global_add_pool == segment sum over graph ids
    graph_reprs = jax.ops.segment_sum(cell_features, cell_batches, num_segments=NUM_GRAPHS)
    final_prediction = graph_reprs @ W.T + b  # [NUM_GRAPHS, 1]
    return final_prediction[:, 0]

if __name__ == "__main__":
    import jax
    _d = setup_inputs()
    print(jax.jit(kernel)(*tuple(_d.values())))

</pallas_src>

<mosaic_0001>
#map = affine_map<(d0, d1) -> (0, 0)>
module attributes {stable_mosaic.version = 14 : i64} {
  func.func @_segsum_body(%arg0: i32, %arg1: i32, %arg2: memref<2500x128xi32, #tpu.memory_space<hbm>>, %arg3: memref<768x128xf32, #tpu.memory_space<hbm>>, %arg4: memref<32x512xf32, #tpu.memory_space<hbm>>, %arg5: memref<24x128xi32, #tpu.memory_space<vmem>>, %arg6: memref<24x128xf32, #tpu.memory_space<vmem>>, %arg7: memref<16x512xf32, #tpu.memory_space<vmem>>, %arg8: memref<512xf32, #tpu.memory_space<vmem>>, %arg9: memref<!tpu.dma_semaphore, #tpu.memory_space<semaphore_mem>>) attributes {dimension_semantics = [#tpu.dimension_semantics<core_parallel>, #tpu.dimension_semantics<subcore_parallel>], iteration_bounds = array<i64: 2, 16>, scalar_prefetch = 0 : i64, scratch_operands = 5 : i64, tpu.core_type = #tpu.core_type<sc_vector_subcore>, window_params = [{transform_indices = #map}, {transform_indices = #map}, {transform_indices = #map}]} {
    %mul3A = arith.constant 2 : i32
    %mul3A_0 = arith.muli %arg1, %mul3A : i32
    %add3A = arith.addi %mul3A_0, %arg0 : i32
    %mul3A_1 = arith.constant 24 : i32
    %mul3A_2 = arith.muli %add3A, %mul3A_1 : i32
    %add3A_3 = arith.constant 768 : i32
    %add3A_4 = arith.addi %add3A_3, %mul3A_2 : i32
    %dma_start3A = arith.constant 0 : i32
    %dma_start3A_5 = tpu.memref_slice %arg2[%add3A_4, %dma_start3A] : memref<2500x128xi32, #tpu.memory_space<hbm>> -> memref<24x128xi32, #tpu.memory_space<hbm>>
    %dma_start3A_6 = arith.constant 0 : i32
    %dma_start3A_7 = tpu.memref_slice %arg2[%add3A_4, %dma_start3A_6] : memref<2500x128xi32, #tpu.memory_space<hbm>> -> memref<24x128xi32, #tpu.memory_space<hbm>>
    tpu.enqueue_dma source(%dma_start3A_7 : memref<24x128xi32, #tpu.memory_space<hbm>>) target(%arg5 : memref<24x128xi32, #tpu.memory_space<vmem>>) target_semaphore(%arg9 : memref<!tpu.dma_semaphore, #tpu.memory_space<semaphore_mem>>)
    %dma_start3A_8 = arith.constant 0 : i32
    %dma_start3A_9 = tpu.memref_slice %arg3[%mul3A_2, %dma_start3A_8] : memref<768x128xf32, #tpu.memory_space<hbm>> -> memref<24x128xf32, #tpu.memory_space<hbm>>
    %dma_start3A_10 = arith.constant 0 : i32
    %dma_start3A_11 = tpu.memref_slice %arg3[%mul3A_2, %dma_start3A_10] : memref<768x128xf32, #tpu.memory_space<hbm>> -> memref<24x128xf32, #tpu.memory_space<hbm>>
    tpu.enqueue_dma source(%dma_start3A_11 : memref<24x128xf32, #tpu.memory_space<hbm>>) target(%arg6 : memref<24x128xf32, #tpu.memory_space<vmem>>) target_semaphore(%arg9 : memref<!tpu.dma_semaphore, #tpu.memory_space<semaphore_mem>>)
    %broadcast_in_dim3A = arith.constant 0.000000e+00 : f32
    %broadcast_in_dim3A_12 = vector.broadcast %broadcast_in_dim3A : f32 to vector<16xf32>
    %scan3A = arith.constant 0 : i32
    %scan3A_13 = arith.constant 16 : i32
    %scan3A_14 = arith.addi %scan3A, %scan3A_13 : i32
    %scan3A_15 = arith.constant 1 : i32
    scf.for %scan3A_34 = %scan3A to %scan3A_14 step %scan3A_15  : i32 {
      %mul3A_35 = arith.constant 1 : i32
      %mul3A_36 = arith.muli %scan3A_34, %mul3A_35 : i32
      %add3A_37 = arith.constant 0 : i32
      %add3A_38 = arith.addi %add3A_37, %mul3A_36 : i32
      %swap3A = arith.index_cast %add3A_38 : i32 to index
      %swap3A_39 = arith.constant 0 : index
      %swap3A_40 = tpu.vector_load %arg7[%swap3A, %swap3A_39] {strides = array<i32>} : memref<16x512xf32, #tpu.memory_space<vmem>>, vector<16xf32>,
      tpu.vector_store %arg7[%swap3A, %swap3A_39], %broadcast_in_dim3A_12 {strides = array<i32>} : memref<16x512xf32, #tpu.memory_space<vmem>>, vector<16xf32>,
      %swap3A_41 = arith.index_cast %add3A_38 : i32 to index
      %swap3A_42 = arith.constant 16 : index
      %swap3A_43 = tpu.vector_load %arg7[%swap3A_41, %swap3A_42] {strides = array<i32>} : memref<16x512xf32, #tpu.memory_space<vmem>>, vector<16xf32>,
      tpu.vector_store %arg7[%swap3A_41, %swap3A_42], %broadcast_in_dim3A_12 {strides = array<i32>} : memref<16x512xf32, #tpu.memory_space<vmem>>, vector<16xf32>,
      %swap3A_44 = arith.index_cast %add3A_38 : i32 to index
      %swap3A_45 = arith.constant 32 : index
      %swap3A_46 = tpu.vector_load %arg7[%swap3A_44, %swap3A_45] {strides = array<i32>} : memref<16x512xf32, #tpu.memory_space<vmem>>, vector<16xf32>,
      tpu.vector_store %arg7[%swap3A_44, %swap3A_45], %broadcast_in_dim3A_12 {strides = array<i32>} : memref<16x512xf32, #tpu.memory_space<vmem>>, vector<16xf32>,
      %swap3A_47 = arith.index_cast %add3A_38 : i32 to index
      %swap3A_48 = arith.constant 48 : index
      %swap3A_49 = tpu.vector_load %arg7[%swap3A_47, %swap3A_48] {strides = array<i32>} : memref<16x512xf32, #tpu.memory_space<vmem>>, vector<16xf32>,
      tpu.vector_store %arg7[%swap3A_47, %swap3A_48], %broadcast_in_dim3A_12 {strides = array<i32>} : memref<16x512xf32, #tpu.memory_space<vmem>>, vector<16xf32>,
      %swap3A_50 = arith.index_cast %add3A_38 : i32 to index
      %swap3A_51 = arith.constant 64 : index
      %swap3A_52 = tpu.vector_load %arg7[%swap3A_50, %swap3A_51] {strides = array<i32>} : memref<16x512xf32, #tpu.memory_space<vmem>>, vector<16xf32>,
      tpu.vector_store %arg7[%swap3A_50, %swap3A_51], %broadcast_in_dim3A_12 {strides = array<i32>} : memref<16x512xf32, #tpu.memory_space<vmem>>, vector<16xf32>,
      %swap3A_53 = arith.index_cast %add3A_38 : i32 to index
      %swap3A_54 = arith.constant 80 : index
      %swap3A_55 = tpu.vector_load %arg7[%swap3A_53, %swap3A_54] {strides = array<i32>} : memref<16x512xf32, #tpu.memory_space<vmem>>, vector<16xf32>,
      tpu.vector_store %arg7[%swap3A_53, %swap3A_54], %broadcast_in_dim3A_12 {strides = array<i32>} : memref<16x512xf32, #tpu.memory_space<vmem>>, vector<16xf32>,
      %swap3A_56 = arith.index_cast %add3A_38 : i32 to index
      %swap3A_57 = arith.constant 96 : index
      %swap3A_58 = tpu.vector_load %arg7[%swap3A_56, %swap3A_57] {strides = array<i32>} : memref<16x512xf32, #tpu.memory_space<vmem>>, vector<16xf32>,
      tpu.vector_store %arg7[%swap3A_56, %swap3A_57], %broadcast_in_dim3A_12 {strides = array<i32>} : memref<16x512xf32, #tpu.memory_space<vmem>>, vector<16xf32>,
      %swap3A_59 = arith.index_cast %add3A_38 : i32 to index
      %swap3A_60 = arith.constant 112 : index
      %swap3A_61 = tpu.vector_load %arg7[%swap3A_59, %swap3A_60] {strides = array<i32>} : memref<16x512xf32, #tpu.memory_space<vmem>>, vector<16xf32>,
      tpu.vector_store %arg7[%swap3A_59, %swap3A_60], %broadcast_in_dim3A_12 {strides = array<i32>} : memref<16x512xf32, #tpu.memory_space<vmem>>, vector<16xf32>,
      %swap3A_62 = arith.index_cast %add3A_38 : i32 to index
      %swap3A_63 = arith.constant 128 : index
      %swap3A_64 = tpu.vector_load %arg7[%swap3A_62, %swap3A_63] {strides = array<i32>} : memref<16x512xf32, #tpu.memory_space<vmem>>, vector<16xf32>,
      tpu.vector_store %arg7[%swap3A_62, %swap3A_63], %broadcast_in_dim3A_12 {strides = array<i32>} : memref<16x512xf32, #tpu.memory_space<vmem>>, vector<16xf32>,
      %swap3A_65 = arith.index_cast %add3A_38 : i32 to index
      %swap3A_66 = arith.constant 144 : index
      %swap3A_67 = tpu.vector_load %arg7[%swap3A_65, %swap3A_66] {strides = array<i32>} : memref<16x512xf32, #tpu.memory_space<vmem>>, vector<16xf32>,
      tpu.vector_store %arg7[%swap3A_65, %swap3A_66], %broadcast_in_dim3A_12 {strides = array<i32>} : memref<16x512xf32, #tpu.memory_space<vmem>>, vector<16xf32>,
      %swap3A_68 = arith.index_cast %add3A_38 : i32 to index
      %swap3A_69 = arith.constant 160 : index
      %swap3A_70 = tpu.vector_load %arg7[%swap3A_68, %swap3A_69] {strides = array<i32>} : memref<16x512xf32, #tpu.memory_space<vmem>>, vector<16xf32>,
      tpu.vector_store %arg7[%swap3A_68, %swap3A_69], %broadcast_in_dim3A_12 {strides = array<i32>} : memref<16x512xf32, #tpu.memory_space<vmem>>, vector<16xf32>,
      %swap3A_71 = arith.index_cast %add3A_38 : i32 to index
      %swap3A_72 = arith.constant 176 : index
      %swap3A_73 = tpu.vector_load %arg7[%swap3A_71, %swap3A_72] {strides = array<i32>} : memref<16x512xf32, #tpu.memory_space<vmem>>, vector<16xf32>,
      tpu.vector_store %arg7[%swap3A_71, %swap3A_72], %broadcast_in_dim3A_12 {strides = array<i32>} : memref<16x512xf32, #tpu.memory_space<vmem>>, vector<16xf32>,
      %swap3A_74 = arith.index_cast %add3A_38 : i32 to index
      %swap3A_75 = arith.constant 192 : index
      %swap3A_76 = tpu.vector_load %arg7[%swap3A_74, %swap3A_75] {strides = array<i32>} : memref<16x512xf32, #tpu.memory_space<vmem>>, vector<16xf32>,
      tpu.vector_store %arg7[%swap3A_74, %swap3A_75], %broadcast_in_dim3A_12 {strides = array<i32>} : memref<16x512xf32, #tpu.memory_space<vmem>>, vector<16xf32>,
      %swap3A_77 = arith.index_cast %add3A_38 : i32 to index
      %swap3A_78 = arith.constant 208 : index
      %swap3A_79 = tpu.vector_load %arg7[%swap3A_77, %swap3A_78] {strides = array<i32>} : memref<16x512xf32, #tpu.memory_space<vmem>>, vector<16xf32>,
      tpu.vector_store %arg7[%swap3A_77, %swap3A_78], %broadcast_in_dim3A_12 {strides = array<i32>} : memref<16x512xf32, #tpu.memory_space<vmem>>, vector<16xf32>,
      %swap3A_80 = arith.index_cast %add3A_38 : i32 to index
      %swap3A_81 = arith.constant 224 : index
      %swap3A_82 = tpu.vector_load %arg7[%swap3A_80, %swap3A_81] {strides = array<i32>} : memref<16x512xf32, #tpu.memory_space<vmem>>, vector<16xf32>,
      tpu.vector_store %arg7[%swap3A_80, %swap3A_81], %broadcast_in_dim3A_12 {strides = array<i32>} : memref<16x512xf32, #tpu.memory_space<vmem>>, vector<16xf32>,
      %swap3A_83 = arith.index_cast %add3A_38 : i32 to index
      %swap3A_84 = arith.constant 240 : index
      %swap3A_85 = tpu.vector_load %arg7[%swap3A_83, %swap3A_84] {strides = array<i32>} : memref<16x512xf32, #tpu.memory_space<vmem>>, vector<16xf32>,
      tpu.vector_store %arg7[%swap3A_83, %swap3A_84], %broadcast_in_dim3A_12 {strides = array<i32>} : memref<16x512xf32, #tpu.memory_space<vmem>>, vector<16xf32>,
      %swap3A_86 = arith.index_cast %add3A_38 : i32 to index
      %swap3A_87 = arith.constant 256 : index
      %swap3A_88 = tpu.vector_load %arg7[%swap3A_86, %swap3A_87] {strides = array<i32>} : memref<16x512xf32, #tpu.memory_space<vmem>>, vector<16xf32>,
      tpu.vector_store %arg7[%swap3A_86, %swap3A_87], %broadcast_in_dim3A_12 {strides = array<i32>} : memref<16x512xf32, #tpu.memory_space<vmem>>, vector<16xf32>,
      %swap3A_89 = arith.index_cast %add3A_38 : i32 to index
      %swap3A_90 = arith.constant 272 : index
      %swap3A_91 = tpu.vector_load %arg7[%swap3A_89, %swap3A_90] {strides = array<i32>} : memref<16x512xf32, #tpu.memory_space<vmem>>, vector<16xf32>,
      tpu.vector_store %arg7[%swap3A_89, %swap3A_90], %broadcast_in_dim3A_12 {strides = array<i32>} : memref<16x512xf32, #tpu.memory_space<vmem>>, vector<16xf32>,
      %swap3A_92 = arith.index_cast %add3A_38 : i32 to index
      %swap3A_93 = arith.constant 288 : index
      %swap3A_94 = tpu.vector_load %arg7[%swap3A_92, %swap3A_93] {strides = array<i32>} : memref<16x512xf32, #tpu.memory_space<vmem>>, vector<16xf32>,
      tpu.vector_store %arg7[%swap3A_92, %swap3A_93], %broadcast_in_dim3A_12 {strides = array<i32>} : memref<16x512xf32, #tpu.memory_space<vmem>>, vector<16xf32>,
      %swap3A_95 = arith.index_cast %add3A_38 : i32 to index
      %swap3A_96 = arith.constant 304 : index
      %swap3A_97 = tpu.vector_load %arg7[%swap3A_95, %swap3A_96] {strides = array<i32>} : memref<16x512xf32, #tpu.memory_space<vmem>>, vector<16xf32>,
      tpu.vector_store %arg7[%swap3A_95, %swap3A_96], %broadcast_in_dim3A_12 {strides = array<i32>} : memref<16x512xf32, #tpu.memory_space<vmem>>, vector<16xf32>,
      %swap3A_98 = arith.index_cast %add3A_38 : i32 to index
      %swap3A_99 = arith.constant 320 : index
      %swap3A_100 = tpu.vector_load %arg7[%swap3A_98, %swap3A_99] {strides = array<i32>} : memref<16x512xf32, #tpu.memory_space<vmem>>, vector<16xf32>,
      tpu.vector_store %arg7[%swap3A_98, %swap3A_99], %broadcast_in_dim3A_12 {strides = array<i32>} : memref<16x512xf32, #tpu.memory_space<vmem>>, vector<16xf32>,
      %swap3A_101 = arith.index_cast %add3A_38 : i32 to index
      %swap3A_102 = arith.constant 336 : index
      %swap3A_103 = tpu.vector_load %arg7[%swap3A_101, %swap3A_102] {strides = array<i32>} : memref<16x512xf32, #tpu.memory_space<vmem>>, vector<16xf32>,
      tpu.vector_store %arg7[%swap3A_101, %swap3A_102], %broadcast_in_dim3A_12 {strides = array<i32>} : memref<16x512xf32, #tpu.memory_space<vmem>>, vector<16xf32>,
      %swap3A_104 = arith.index_cast %add3A_38 : i32 to index
      %swap3A_105 = arith.constant 352 : index
      %swap3A_106 = tpu.vector_load %arg7[%swap3A_104, %swap3A_105] {strides = array<i32>} : memref<16x512xf32, #tpu.memory_space<vmem>>, vector<16xf32>,
      tpu.vector_store %arg7[%swap3A_104, %swap3A_105], %broadcast_in_dim3A_12 {strides = array<i32>} : memref<16x512xf32, #tpu.memory_space<vmem>>, vector<16xf32>,
      %swap3A_107 = arith.index_cast %add3A_38 : i32 to index
      %swap3A_108 = arith.constant 368 : index
      %swap3A_109 = tpu.vector_load %arg7[%swap3A_107, %swap3A_108] {strides = array<i32>} : memref<16x512xf32, #tpu.memory_space<vmem>>, vector<16xf32>,
      tpu.vector_store %arg7[%swap3A_107, %swap3A_108], %broadcast_in_dim3A_12 {strides = array<i32>} : memref<16x512xf32, #tpu.memory_space<vmem>>, vector<16xf32>,
      %swap3A_110 = arith.index_cast %add3A_38 : i32 to index
      %swap3A_111 = arith.constant 384 : index
      %swap3A_112 = tpu.vector_load %arg7[%swap3A_110, %swap3A_111] {strides = array<i32>} : memref<16x512xf32, #tpu.memory_space<vmem>>, vector<16xf32>,
      tpu.vector_store %arg7[%swap3A_110, %swap3A_111], %broadcast_in_dim3A_12 {strides = array<i32>} : memref<16x512xf32, #tpu.memory_space<vmem>>, vector<16xf32>,
      %swap3A_113 = arith.index_cast %add3A_38 : i32 to index
      %swap3A_114 = arith.constant 400 : index
      %swap3A_115 = tpu.vector_load %arg7[%swap3A_113, %swap3A_114] {strides = array<i32>} : memref<16x512xf32, #tpu.memory_space<vmem>>, vector<16xf32>,
      tpu.vector_store %arg7[%swap3A_113, %swap3A_114], %broadcast_in_dim3A_12 {strides = array<i32>} : memref<16x512xf32, #tpu.memory_space<vmem>>, vector<16xf32>,
      %swap3A_116 = arith.index_cast %add3A_38 : i32 to index
      %swap3A_117 = arith.constant 416 : index
      %swap3A_118 = tpu.vector_load %arg7[%swap3A_116, %swap3A_117] {strides = array<i32>} : memref<16x512xf32, #tpu.memory_space<vmem>>, vector<16xf32>,
      tpu.vector_store %arg7[%swap3A_116, %swap3A_117], %broadcast_in_dim3A_12 {strides = array<i32>} : memref<16x512xf32, #tpu.memory_space<vmem>>, vector<16xf32>,
      %swap3A_119 = arith.index_cast %add3A_38 : i32 to index
      %swap3A_120 = arith.constant 432 : index
      %swap3A_121 = tpu.vector_load %arg7[%swap3A_119, %swap3A_120] {strides = array<i32>} : memref<16x512xf32, #tpu.memory_space<vmem>>, vector<16xf32>,
      tpu.vector_store %arg7[%swap3A_119, %swap3A_120], %broadcast_in_dim3A_12 {strides = array<i32>} : memref<16x512xf32, #tpu.memory_space<vmem>>, vector<16xf32>,
      %swap3A_122 = arith.index_cast %add3A_38 : i32 to index
      %swap3A_123 = arith.constant 448 : index
      %swap3A_124 = tpu.vector_load %arg7[%swap3A_122, %swap3A_123] {strides = array<i32>} : memref<16x512xf32, #tpu.memory_space<vmem>>, vector<16xf32>,
      tpu.vector_store %arg7[%swap3A_122, %swap3A_123], %broadcast_in_dim3A_12 {strides = array<i32>} : memref<16x512xf32, #tpu.memory_space<vmem>>, vector<16xf32>,
      %swap3A_125 = arith.index_cast %add3A_38 : i32 to index
      %swap3A_126 = arith.constant 464 : index
      %swap3A_127 = tpu.vector_load %arg7[%swap3A_125, %swap3A_126] {strides = array<i32>} : memref<16x512xf32, #tpu.memory_space<vmem>>, vector<16xf32>,
      tpu.vector_store %arg7[%swap3A_125, %swap3A_126], %broadcast_in_dim3A_12 {strides = array<i32>} : memref<16x512xf32, #tpu.memory_space<vmem>>, vector<16xf32>,
      %swap3A_128 = arith.index_cast %add3A_38 : i32 to index
      %swap3A_129 = arith.constant 480 : index
      %swap3A_130 = tpu.vector_load %arg7[%swap3A_128, %swap3A_129] {strides = array<i32>} : memref<16x512xf32, #tpu.memory_space<vmem>>, vector<16xf32>,
      tpu.vector_store %arg7[%swap3A_128, %swap3A_129], %broadcast_in_dim3A_12 {strides = array<i32>} : memref<16x512xf32, #tpu.memory_space<vmem>>, vector<16xf32>,
      %swap3A_131 = arith.index_cast %add3A_38 : i32 to index
      %swap3A_132 = arith.constant 496 : index
      %swap3A_133 = tpu.vector_load %arg7[%swap3A_131, %swap3A_132] {strides = array<i32>} : memref<16x512xf32, #tpu.memory_space<vmem>>, vector<16xf32>,
      tpu.vector_store %arg7[%swap3A_131, %swap3A_132], %broadcast_in_dim3A_12 {strides = array<i32>} : memref<16x512xf32, #tpu.memory_space<vmem>>, vector<16xf32>,
    }
    %scan3A_16 = arith.constant 16 : i32
    %dma_wait3A = arith.constant 0 : i32
    %dma_wait3A_17 = tpu.memref_slice %arg2[%add3A_4, %dma_wait3A] : memref<2500x128xi32, #tpu.memory_space<hbm>> -> memref<24x128xi32, #tpu.memory_space<hbm>>
    %dma_wait3A_18 = arith.constant 0 : i32
    %dma_wait3A_19 = tpu.memref_slice %arg2[%add3A_4, %dma_wait3A_18] : memref<2500x128xi32, #tpu.memory_space<hbm>> -> memref<24x128xi32, #tpu.memory_space<hbm>>
    tpu.wait_dma2 semaphore(%arg9 : memref<!tpu.dma_semaphore, #tpu.memory_space<semaphore_mem>>) src(%dma_wait3A_19 : memref<24x128xi32, #tpu.memory_space<hbm>>) dst(%arg5 : memref<24x128xi32, #tpu.memory_space<vmem>>)
    %dma_wait3A_20 = arith.constant 0 : i32
    %dma_wait3A_21 = tpu.memref_slice %arg3[%mul3A_2, %dma_wait3A_20] : memref<768x128xf32, #tpu.memory_space<hbm>> -> memref<24x128xf32, #tpu.memory_space<hbm>>
    %dma_wait3A_22 = arith.constant 0 : i32
    %dma_wait3A_23 = tpu.memref_slice %arg3[%mul3A_2, %dma_wait3A_22] : memref<768x128xf32, #tpu.memory_space<hbm>> -> memref<24x128xf32, #tpu.memory_space<hbm>>
    tpu.wait_dma2 semaphore(%arg9 : memref<!tpu.dma_semaphore, #tpu.memory_space<semaphore_mem>>) src(%dma_wait3A_23 : memref<24x128xf32, #tpu.memory_space<hbm>>) dst(%arg6 : memref<24x128xf32, #tpu.memory_space<vmem>>)
    %iota3A = tpu.iota {dimensions = array<i32: 0>} : vector<16xi32>
    %scan3A_24 = arith.constant 0 : i32
    %scan3A_25 = arith.constant 24 : i32
    %scan3A_26 = arith.addi %scan3A_24, %scan3A_25 : i32
    %scan3A_27 = arith.constant 1 : i32
    scf.for %scan3A_34 = %scan3A_24 to %scan3A_26 step %scan3A_27  : i32 {
      %mul3A_35 = arith.constant 1 : i32
      %mul3A_36 = arith.muli %scan3A_34, %mul3A_35 : i32
      %add3A_37 = arith.constant 0 : i32
      %add3A_38 = arith.addi %add3A_37, %mul3A_36 : i32
      %get3A = arith.index_cast %add3A_38 : i32 to index
      %get3A_39 = arith.constant 0 : index
      %get3A_40 = tpu.vector_load %arg5[%get3A, %get3A_39] {strides = array<i32>} : memref<24x128xi32, #tpu.memory_space<vmem>>, vector<16xi32>,
      %get3A_41 = arith.index_cast %add3A_38 : i32 to index
      %get3A_42 = arith.constant 0 : index
      %get3A_43 = tpu.vector_load %arg6[%get3A_41, %get3A_42] {strides = array<i32>} : memref<24x128xf32, #tpu.memory_space<vmem>>, vector<16xf32>,
      tpu.vector_store_idx %arg7[%iota3A, %get3A_40], %get3A_43 {add = true} : memref<16x512xf32, #tpu.memory_space<vmem>>[vector<16xi32>, vector<16xi32>], vector<16xf32>,
      %get3A_44 = arith.index_cast %add3A_38 : i32 to index
      %get3A_45 = arith.constant 16 : index
      %get3A_46 = tpu.vector_load %arg5[%get3A_44, %get3A_45] {strides = array<i32>} : memref<24x128xi32, #tpu.memory_space<vmem>>, vector<16xi32>,
      %get3A_47 = arith.index_cast %add3A_38 : i32 to index
      %get3A_48 = arith.constant 16 : index
      %get3A_49 = tpu.vector_load %arg6[%get3A_47, %get3A_48] {strides = array<i32>} : memref<24x128xf32, #tpu.memory_space<vmem>>, vector<16xf32>,
      tpu.vector_store_idx %arg7[%iota3A, %get3A_46], %get3A_49 {add = true} : memref<16x512xf32, #tpu.memory_space<vmem>>[vector<16xi32>, vector<16xi32>], vector<16xf32>,
      %get3A_50 = arith.index_cast %add3A_38 : i32 to index
      %get3A_51 = arith.constant 32 : index
      %get3A_52 = tpu.vector_load %arg5[%get3A_50, %get3A_51] {strides = array<i32>} : memref<24x128xi32, #tpu.memory_space<vmem>>, vector<16xi32>,
      %get3A_53 = arith.index_cast %add3A_38 : i32 to index
      %get3A_54 = arith.constant 32 : index
      %get3A_55 = tpu.vector_load %arg6[%get3A_53, %get3A_54] {strides = array<i32>} : memref<24x128xf32, #tpu.memory_space<vmem>>, vector<16xf32>,
      tpu.vector_store_idx %arg7[%iota3A, %get3A_52], %get3A_55 {add = true} : memref<16x512xf32, #tpu.memory_space<vmem>>[vector<16xi32>, vector<16xi32>], vector<16xf32>,
      %get3A_56 = arith.index_cast %add3A_38 : i32 to index
      %get3A_57 = arith.constant 48 : index
      %get3A_58 = tpu.vector_load %arg5[%get3A_56, %get3A_57] {strides = array<i32>} : memref<24x128xi32, #tpu.memory_space<vmem>>, vector<16xi32>,
      %get3A_59 = arith.index_cast %add3A_38 : i32 to index
      %get3A_60 = arith.constant 48 : index
      %get3A_61 = tpu.vector_load %arg6[%get3A_59, %get3A_60] {strides = array<i32>} : memref<24x128xf32, #tpu.memory_space<vmem>>, vector<16xf32>,
      tpu.vector_store_idx %arg7[%iota3A, %get3A_58], %get3A_61 {add = true} : memref<16x512xf32, #tpu.memory_space<vmem>>[vector<16xi32>, vector<16xi32>], vector<16xf32>,
      %get3A_62 = arith.index_cast %add3A_38 : i32 to index
      %get3A_63 = arith.constant 64 : index
      %get3A_64 = tpu.vector_load %arg5[%get3A_62, %get3A_63] {strides = array<i32>} : memref<24x128xi32, #tpu.memory_space<vmem>>, vector<16xi32>,
      %get3A_65 = arith.index_cast %add3A_38 : i32 to index
      %get3A_66 = arith.constant 64 : index
      %get3A_67 = tpu.vector_load %arg6[%get3A_65, %get3A_66] {strides = array<i32>} : memref<24x128xf32, #tpu.memory_space<vmem>>, vector<16xf32>,
      tpu.vector_store_idx %arg7[%iota3A, %get3A_64], %get3A_67 {add = true} : memref<16x512xf32, #tpu.memory_space<vmem>>[vector<16xi32>, vector<16xi32>], vector<16xf32>,
      %get3A_68 = arith.index_cast %add3A_38 : i32 to index
      %get3A_69 = arith.constant 80 : index
      %get3A_70 = tpu.vector_load %arg5[%get3A_68, %get3A_69] {strides = array<i32>} : memref<24x128xi32, #tpu.memory_space<vmem>>, vector<16xi32>,
      %get3A_71 = arith.index_cast %add3A_38 : i32 to index
      %get3A_72 = arith.constant 80 : index
      %get3A_73 = tpu.vector_load %arg6[%get3A_71, %get3A_72] {strides = array<i32>} : memref<24x128xf32, #tpu.memory_space<vmem>>, vector<16xf32>,
      tpu.vector_store_idx %arg7[%iota3A, %get3A_70], %get3A_73 {add = true} : memref<16x512xf32, #tpu.memory_space<vmem>>[vector<16xi32>, vector<16xi32>], vector<16xf32>,
      %get3A_74 = arith.index_cast %add3A_38 : i32 to index
      %get3A_75 = arith.constant 96 : index
      %get3A_76 = tpu.vector_load %arg5[%get3A_74, %get3A_75] {strides = array<i32>} : memref<24x128xi32, #tpu.memory_space<vmem>>, vector<16xi32>,
      %get3A_77 = arith.index_cast %add3A_38 : i32 to index
      %get3A_78 = arith.constant 96 : index
      %get3A_79 = tpu.vector_load %arg6[%get3A_77, %get3A_78] {strides = array<i32>} : memref<24x128xf32, #tpu.memory_space<vmem>>, vector<16xf32>,
      tpu.vector_store_idx %arg7[%iota3A, %get3A_76], %get3A_79 {add = true} : memref<16x512xf32, #tpu.memory_space<vmem>>[vector<16xi32>, vector<16xi32>], vector<16xf32>,
      %get3A_80 = arith.index_cast %add3A_38 : i32 to index
      %get3A_81 = arith.constant 112 : index
      %get3A_82 = tpu.vector_load %arg5[%get3A_80, %get3A_81] {strides = array<i32>} : memref<24x128xi32, #tpu.memory_space<vmem>>, vector<16xi32>,
      %get3A_83 = arith.index_cast %add3A_38 : i32 to index
      %get3A_84 = arith.constant 112 : index
      %get3A_85 = tpu.vector_load %arg6[%get3A_83, %get3A_84] {strides = array<i32>} : memref<24x128xf32, #tpu.memory_space<vmem>>, vector<16xf32>,
      tpu.vector_store_idx %arg7[%iota3A, %get3A_82], %get3A_85 {add = true} : memref<16x512xf32, #tpu.memory_space<vmem>>[vector<16xi32>, vector<16xi32>], vector<16xf32>,
    }
    %scan3A_28 = arith.constant 24 : i32
    %scan3A_29 = arith.constant 0 : i32
    %scan3A_30 = arith.constant 32 : i32
    %scan3A_31 = arith.addi %scan3A_29, %scan3A_30 : i32
    %scan3A_32 = arith.constant 1 : i32
    scf.for %scan3A_34 = %scan3A_29 to %scan3A_31 step %scan3A_32  : i32 {
      %mul3A_35 = arith.constant 16 : i32
      %mul3A_36 = arith.muli %scan3A_34, %mul3A_35 : i32
      %add3A_37 = arith.constant 0 : i32
      %add3A_38 = arith.addi %add3A_37, %mul3A_36 : i32
      %get3A = arith.constant 0 : i32
      %get3A_39 = arith.index_cast %get3A : i32 to index
      %get3A_40 = arith.index_cast %add3A_38 : i32 to index
      %get3A_41 = tpu.vector_load %arg7[%get3A_39, %get3A_40] {strides = array<i32>} : memref<16x512xf32, #tpu.memory_space<vmem>>, vector<16xf32>,
      %get3A_42 = arith.constant 1 : i32
      %get3A_43 = arith.index_cast %get3A_42 : i32 to index
      %get3A_44 = arith.index_cast %add3A_38 : i32 to index
      %get3A_45 = tpu.vector_load %arg7[%get3A_43, %get3A_44] {strides = array<i32>} : memref<16x512xf32, #tpu.memory_space<vmem>>, vector<16xf32>,
      %add3A_46 = arith.addf %get3A_41, %get3A_45 : vector<16xf32>
      %get3A_47 = arith.constant 2 : i32
      %get3A_48 = arith.index_cast %get3A_47 : i32 to index
      %get3A_49 = arith.index_cast %add3A_38 : i32 to index
      %get3A_50 = tpu.vector_load %arg7[%get3A_48, %get3A_49] {strides = array<i32>} : memref<16x512xf32, #tpu.memory_space<vmem>>, vector<16xf32>,
      %add3A_51 = arith.addf %add3A_46, %get3A_50 : vector<16xf32>
      %get3A_52 = arith.constant 3 : i32
      %get3A_53 = arith.index_cast %get3A_52 : i32 to index
      %get3A_54 = arith.index_cast %add3A_38 : i32 to index
      %get3A_55 = tpu.vector_load %arg7[%get3A_53, %get3A_54] {strides = array<i32>} : memref<16x512xf32, #tpu.memory_space<vmem>>, vector<16xf32>,
      %add3A_56 = arith.addf %add3A_51, %get3A_55 : vector<16xf32>
      %get3A_57 = arith.constant 4 : i32
      %get3A_58 = arith.index_cast %get3A_57 : i32 to index
      %get3A_59 = arith.index_cast %add3A_38 : i32 to index
      %get3A_60 = tpu.vector_load %arg7[%get3A_58, %get3A_59] {strides = array<i32>} : memref<16x512xf32, #tpu.memory_space<vmem>>, vector<16xf32>,
      %add3A_61 = arith.addf %add3A_56, %get3A_60 : vector<16xf32>
      %get3A_62 = arith.constant 5 : i32
      %get3A_63 = arith.index_cast %get3A_62 : i32 to index
      %get3A_64 = arith.index_cast %add3A_38 : i32 to index
      %get3A_65 = tpu.vector_load %arg7[%get3A_63, %get3A_64] {strides = array<i32>} : memref<16x512xf32, #tpu.memory_space<vmem>>, vector<16xf32>,
      %add3A_66 = arith.addf %add3A_61, %get3A_65 : vector<16xf32>
      %get3A_67 = arith.constant 6 : i32
      %get3A_68 = arith.index_cast %get3A_67 : i32 to index
      %get3A_69 = arith.index_cast %add3A_38 : i32 to index
      %get3A_70 = tpu.vector_load %arg7[%get3A_68, %get3A_69] {strides = array<i32>} : memref<16x512xf32, #tpu.memory_space<vmem>>, vector<16xf32>,
      %add3A_71 = arith.addf %add3A_66, %get3A_70 : vector<16xf32>
      %get3A_72 = arith.constant 7 : i32
      %get3A_73 = arith.index_cast %get3A_72 : i32 to index
      %get3A_74 = arith.index_cast %add3A_38 : i32 to index
      %get3A_75 = tpu.vector_load %arg7[%get3A_73, %get3A_74] {strides = array<i32>} : memref<16x512xf32, #tpu.memory_space<vmem>>, vector<16xf32>,
      %add3A_76 = arith.addf %add3A_71, %get3A_75 : vector<16xf32>
      %get3A_77 = arith.constant 8 : i32
      %get3A_78 = arith.index_cast %get3A_77 : i32 to index
      %get3A_79 = arith.index_cast %add3A_38 : i32 to index
      %get3A_80 = tpu.vector_load %arg7[%get3A_78, %get3A_79] {strides = array<i32>} : memref<16x512xf32, #tpu.memory_space<vmem>>, vector<16xf32>,
      %add3A_81 = arith.addf %add3A_76, %get3A_80 : vector<16xf32>
      %get3A_82 = arith.constant 9 : i32
      %get3A_83 = arith.index_cast %get3A_82 : i32 to index
      %get3A_84 = arith.index_cast %add3A_38 : i32 to index
      %get3A_85 = tpu.vector_load %arg7[%get3A_83, %get3A_84] {strides = array<i32>} : memref<16x512xf32, #tpu.memory_space<vmem>>, vector<16xf32>,
      %add3A_86 = arith.addf %add3A_81, %get3A_85 : vector<16xf32>
      %get3A_87 = arith.constant 10 : i32
      %get3A_88 = arith.index_cast %get3A_87 : i32 to index
      %get3A_89 = arith.index_cast %add3A_38 : i32 to index
      %get3A_90 = tpu.vector_load %arg7[%get3A_88, %get3A_89] {strides = array<i32>} : memref<16x512xf32, #tpu.memory_space<vmem>>, vector<16xf32>,
      %add3A_91 = arith.addf %add3A_86, %get3A_90 : vector<16xf32>
      %get3A_92 = arith.constant 11 : i32
      %get3A_93 = arith.index_cast %get3A_92 : i32 to index
      %get3A_94 = arith.index_cast %add3A_38 : i32 to index
      %get3A_95 = tpu.vector_load %arg7[%get3A_93, %get3A_94] {strides = array<i32>} : memref<16x512xf32, #tpu.memory_space<vmem>>, vector<16xf32>,
      %add3A_96 = arith.addf %add3A_91, %get3A_95 : vector<16xf32>
      %get3A_97 = arith.constant 12 : i32
      %get3A_98 = arith.index_cast %get3A_97 : i32 to index
      %get3A_99 = arith.index_cast %add3A_38 : i32 to index
      %get3A_100 = tpu.vector_load %arg7[%get3A_98, %get3A_99] {strides = array<i32>} : memref<16x512xf32, #tpu.memory_space<vmem>>, vector<16xf32>,
      %add3A_101 = arith.addf %add3A_96, %get3A_100 : vector<16xf32>
      %get3A_102 = arith.constant 13 : i32
      %get3A_103 = arith.index_cast %get3A_102 : i32 to index
      %get3A_104 = arith.index_cast %add3A_38 : i32 to index
      %get3A_105 = tpu.vector_load %arg7[%get3A_103, %get3A_104] {strides = array<i32>} : memref<16x512xf32, #tpu.memory_space<vmem>>, vector<16xf32>,
      %add3A_106 = arith.addf %add3A_101, %get3A_105 : vector<16xf32>
      %get3A_107 = arith.constant 14 : i32
      %get3A_108 = arith.index_cast %get3A_107 : i32 to index
      %get3A_109 = arith.index_cast %add3A_38 : i32 to index
      %get3A_110 = tpu.vector_load %arg7[%get3A_108, %get3A_109] {strides = array<i32>} : memref<16x512xf32, #tpu.memory_space<vmem>>, vector<16xf32>,
      %add3A_111 = arith.addf %add3A_106, %get3A_110 : vector<16xf32>
      %get3A_112 = arith.constant 15 : i32
      %get3A_113 = arith.index_cast %get3A_112 : i32 to index
      %get3A_114 = arith.index_cast %add3A_38 : i32 to index
      %get3A_115 = tpu.vector_load %arg7[%get3A_113, %get3A_114] {strides = array<i32>} : memref<16x512xf32, #tpu.memory_space<vmem>>, vector<16xf32>,
      %add3A_116 = arith.addf %add3A_111, %get3A_115 : vector<16xf32>
      %swap3A = arith.index_cast %add3A_38 : i32 to index
      %swap3A_117 = tpu.vector_load %arg8[%swap3A] {strides = array<i32>} : memref<512xf32, #tpu.memory_space<vmem>>, vector<16xf32>,
      tpu.vector_store %arg8[%swap3A], %add3A_116 {strides = array<i32>} : memref<512xf32, #tpu.memory_space<vmem>>, vector<16xf32>,
    }
    %scan3A_33 = arith.constant 32 : i32
    "tpu.region"() ({
      %run_scoped3A = tpu.sem_alloc : memref<!tpu.dma_semaphore, #tpu.memory_space<semaphore_mem>>
      %dma_start3A_34 = arith.constant 0 : i32
      %dma_start3A_35 = tpu.memref_slice %arg4[%add3A, %dma_start3A_34] : memref<32x512xf32, #tpu.memory_space<hbm>> -> memref<1x512xf32, #tpu.memory_space<hbm>>
      %dma_start3A_36 = tpu.memref_squeeze %dma_start3A_35 : memref<1x512xf32, #tpu.memory_space<hbm>> -> memref<512xf32, #tpu.memory_space<hbm>>
      %dma_start3A_37 = arith.constant 0 : i32
      %dma_start3A_38 = tpu.memref_slice %arg4[%add3A, %dma_start3A_37] : memref<32x512xf32, #tpu.memory_space<hbm>> -> memref<1x512xf32, #tpu.memory_space<hbm>>
      %dma_start3A_39 = tpu.memref_squeeze %dma_start3A_38 : memref<1x512xf32, #tpu.memory_space<hbm>> -> memref<512xf32, #tpu.memory_space<hbm>>
      tpu.enqueue_dma source(%arg8 : memref<512xf32, #tpu.memory_space<vmem>>) target(%dma_start3A_39 : memref<512xf32, #tpu.memory_space<hbm>>) target_semaphore(%run_scoped3A : memref<!tpu.dma_semaphore, #tpu.memory_space<semaphore_mem>>)
      %dma_wait3A_40 = arith.constant 0 : i32
      %dma_wait3A_41 = tpu.memref_slice %arg4[%add3A, %dma_wait3A_40] : memref<32x512xf32, #tpu.memory_space<hbm>> -> memref<1x512xf32, #tpu.memory_space<hbm>>
      %dma_wait3A_42 = tpu.memref_squeeze %dma_wait3A_41 : memref<1x512xf32, #tpu.memory_space<hbm>> -> memref<512xf32, #tpu.memory_space<hbm>>
      %dma_wait3A_43 = arith.constant 0 : i32
      %dma_wait3A_44 = tpu.memref_slice %arg4[%add3A, %dma_wait3A_43] : memref<32x512xf32, #tpu.memory_space<hbm>> -> memref<1x512xf32, #tpu.memory_space<hbm>>
      %dma_wait3A_45 = tpu.memref_squeeze %dma_wait3A_44 : memref<1x512xf32, #tpu.memory_space<hbm>> -> memref<512xf32, #tpu.memory_space<hbm>>
      tpu.wait_dma2 semaphore(%run_scoped3A : memref<!tpu.dma_semaphore, #tpu.memory_space<semaphore_mem>>) src(%arg8 : memref<512xf32, #tpu.memory_space<vmem>>) dst(%dma_wait3A_45 : memref<512xf32, #tpu.memory_space<hbm>>)
      tpu.yield
    }) : () -> ()
    return
  }
}

#map = affine_map<(d0, d1) -> (0, 0)>
module attributes {stable_mosaic.version = 14 : i64} {
  func.func @_segsum_body(%arg0: i32, %arg1: i32, %arg2: memref<2560x128xi32, #tpu.memory_space<hbm>>, %arg3: memref<256x128xf32, #tpu.memory_space<hbm>>, %arg4: memref<32x512xf32, #tpu.memory_space<hbm>>, %arg5: memref<8x128xi32, #tpu.memory_space<vmem>>, %arg6: memref<8x128xf32, #tpu.memory_space<vmem>>, %arg7: memref<16x512xf32, #tpu.memory_space<vmem>>, %arg8: memref<512xf32, #tpu.memory_space<vmem>>, %arg9: memref<!tpu.dma_semaphore, #tpu.memory_space<semaphore_mem>>) attributes {dimension_semantics = [#tpu.dimension_semantics<core_parallel>, #tpu.dimension_semantics<subcore_parallel>], iteration_bounds = array<i64: 2, 16>, scalar_prefetch = 0 : i64, scratch_operands = 5 : i64, tpu.core_type = #tpu.core_type<sc_vector_subcore>, window_params = [{transform_indices = #map}, {transform_indices = #map}, {transform_indices = #map}]} {
    %mul3A = arith.constant 2 : i32
    %mul3A_0 = arith.muli %arg1, %mul3A : i32
    %add3A = arith.addi %mul3A_0, %arg0 : i32
    %mul3A_1 = arith.constant 8 : i32
    %mul3A_2 = arith.muli %add3A, %mul3A_1 : i32
    %add3A_3 = arith.constant 2304 : i32
    %add3A_4 = arith.addi %add3A_3, %mul3A_2 : i32
    %dma_start3A = arith.constant 0 : i32
    %dma_start3A_5 = tpu.memref_slice %arg2[%add3A_4, %dma_start3A] : memref<2560x128xi32, #tpu.memory_space<hbm>> -> memref<8x128xi32, #tpu.memory_space<hbm>>
    %dma_start3A_6 = arith.constant 0 : i32
    %dma_start3A_7 = tpu.memref_slice %arg2[%add3A_4, %dma_start3A_6] : memref<2560x128xi32, #tpu.memory_space<hbm>> -> memref<8x128xi32, #tpu.memory_space<hbm>>
    tpu.enqueue_dma source(%dma_start3A_7 : memref<8x128xi32, #tpu.memory_space<hbm>>) target(%arg5 : memref<8x128xi32, #tpu.memory_space<vmem>>) target_semaphore(%arg9 : memref<!tpu.dma_semaphore, #tpu.memory_space<semaphore_mem>>)
    %dma_start3A_8 = arith.constant 0 : i32
    %dma_start3A_9 = tpu.memref_slice %arg3[%mul3A_2, %dma_start3A_8] : memref<256x128xf32, #tpu.memory_space<hbm>> -> memref<8x128xf32, #tpu.memory_space<hbm>>
    %dma_start3A_10 = arith.constant 0 : i32
    %dma_start3A_11 = tpu.memref_slice %arg3[%mul3A_2, %dma_start3A_10] : memref<256x128xf32, #tpu.memory_space<hbm>> -> memref<8x128xf32, #tpu.memory_space<hbm>>
    tpu.enqueue_dma source(%dma_start3A_11 : memref<8x128xf32, #tpu.memory_space<hbm>>) target(%arg6 : memref<8x128xf32, #tpu.memory_space<vmem>>) target_semaphore(%arg9 : memref<!tpu.dma_semaphore, #tpu.memory_space<semaphore_mem>>)
    %broadcast_in_dim3A = arith.constant 0.000000e+00 : f32
    %broadcast_in_dim3A_12 = vector.broadcast %broadcast_in_dim3A : f32 to vector<16xf32>
    %scan3A = arith.constant 0 : i32
    %scan3A_13 = arith.constant 16 : i32
    %scan3A_14 = arith.addi %scan3A, %scan3A_13 : i32
    %scan3A_15 = arith.constant 1 : i32
    scf.for %scan3A_34 = %scan3A to %scan3A_14 step %scan3A_15  : i32 {
      %mul3A_35 = arith.constant 1 : i32
      %mul3A_36 = arith.muli %scan3A_34, %mul3A_35 : i32
      %add3A_37 = arith.constant 0 : i32
      %add3A_38 = arith.addi %add3A_37, %mul3A_36 : i32
      %swap3A = arith.index_cast %add3A_38 : i32 to index
      %swap3A_39 = arith.constant 0 : index
      %swap3A_40 = tpu.vector_load %arg7[%swap3A, %swap3A_39] {strides = array<i32>} : memref<16x512xf32, #tpu.memory_space<vmem>>, vector<16xf32>,
      tpu.vector_store %arg7[%swap3A, %swap3A_39], %broadcast_in_dim3A_12 {strides = array<i32>} : memref<16x512xf32, #tpu.memory_space<vmem>>, vector<16xf32>,
      %swap3A_41 = arith.index_cast %add3A_38 : i32 to index
      %swap3A_42 = arith.constant 16 : index
      %swap3A_43 = tpu.vector_load %arg7[%swap3A_41, %swap3A_42] {strides = array<i32>} : memref<16x512xf32, #tpu.memory_space<vmem>>, vector<16xf32>,
      tpu.vector_store %arg7[%swap3A_41, %swap3A_42], %broadcast_in_dim3A_12 {strides = array<i32>} : memref<16x512xf32, #tpu.memory_space<vmem>>, vector<16xf32>,
      %swap3A_44 = arith.index_cast %add3A_38 : i32 to index
      %swap3A_45 = arith.constant 32 : index
      %swap3A_46 = tpu.vector_load %arg7[%swap3A_44, %swap3A_45] {strides = array<i32>} : memref<16x512xf32, #tpu.memory_space<vmem>>, vector<16xf32>,
      tpu.vector_store %arg7[%swap3A_44, %swap3A_45], %broadcast_in_dim3A_12 {strides = array<i32>} : memref<16x512xf32, #tpu.memory_space<vmem>>, vector<16xf32>,
      %swap3A_47 = arith.index_cast %add3A_38 : i32 to index
      %swap3A_48 = arith.constant 48 : index
      %swap3A_49 = tpu.vector_load %arg7[%swap3A_47, %swap3A_48] {strides = array<i32>} : memref<16x512xf32, #tpu.memory_space<vmem>>, vector<16xf32>,
      tpu.vector_store %arg7[%swap3A_47, %swap3A_48], %broadcast_in_dim3A_12 {strides = array<i32>} : memref<16x512xf32, #tpu.memory_space<vmem>>, vector<16xf32>,
      %swap3A_50 = arith.index_cast %add3A_38 : i32 to index
      %swap3A_51 = arith.constant 64 : index
      %swap3A_52 = tpu.vector_load %arg7[%swap3A_50, %swap3A_51] {strides = array<i32>} : memref<16x512xf32, #tpu.memory_space<vmem>>, vector<16xf32>,
      tpu.vector_store %arg7[%swap3A_50, %swap3A_51], %broadcast_in_dim3A_12 {strides = array<i32>} : memref<16x512xf32, #tpu.memory_space<vmem>>, vector<16xf32>,
      %swap3A_53 = arith.index_cast %add3A_38 : i32 to index
      %swap3A_54 = arith.constant 80 : index
      %swap3A_55 = tpu.vector_load %arg7[%swap3A_53, %swap3A_54] {strides = array<i32>} : memref<16x512xf32, #tpu.memory_space<vmem>>, vector<16xf32>,
      tpu.vector_store %arg7[%swap3A_53, %swap3A_54], %broadcast_in_dim3A_12 {strides = array<i32>} : memref<16x512xf32, #tpu.memory_space<vmem>>, vector<16xf32>,
      %swap3A_56 = arith.index_cast %add3A_38 : i32 to index
      %swap3A_57 = arith.constant 96 : index
      %swap3A_58 = tpu.vector_load %arg7[%swap3A_56, %swap3A_57] {strides = array<i32>} : memref<16x512xf32, #tpu.memory_space<vmem>>, vector<16xf32>,
      tpu.vector_store %arg7[%swap3A_56, %swap3A_57], %broadcast_in_dim3A_12 {strides = array<i32>} : memref<16x512xf32, #tpu.memory_space<vmem>>, vector<16xf32>,
      %swap3A_59 = arith.index_cast %add3A_38 : i32 to index
      %swap3A_60 = arith.constant 112 : index
      %swap3A_61 = tpu.vector_load %arg7[%swap3A_59, %swap3A_60] {strides = array<i32>} : memref<16x512xf32, #tpu.memory_space<vmem>>, vector<16xf32>,
      tpu.vector_store %arg7[%swap3A_59, %swap3A_60], %broadcast_in_dim3A_12 {strides = array<i32>} : memref<16x512xf32, #tpu.memory_space<vmem>>, vector<16xf32>,
      %swap3A_62 = arith.index_cast %add3A_38 : i32 to index
      %swap3A_63 = arith.constant 128 : index
      %swap3A_64 = tpu.vector_load %arg7[%swap3A_62, %swap3A_63] {strides = array<i32>} : memref<16x512xf32, #tpu.memory_space<vmem>>, vector<16xf32>,
      tpu.vector_store %arg7[%swap3A_62, %swap3A_63], %broadcast_in_dim3A_12 {strides = array<i32>} : memref<16x512xf32, #tpu.memory_space<vmem>>, vector<16xf32>,
      %swap3A_65 = arith.index_cast %add3A_38 : i32 to index
      %swap3A_66 = arith.constant 144 : index
      %swap3A_67 = tpu.vector_load %arg7[%swap3A_65, %swap3A_66] {strides = array<i32>} : memref<16x512xf32, #tpu.memory_space<vmem>>, vector<16xf32>,
      tpu.vector_store %arg7[%swap3A_65, %swap3A_66], %broadcast_in_dim3A_12 {strides = array<i32>} : memref<16x512xf32, #tpu.memory_space<vmem>>, vector<16xf32>,
      %swap3A_68 = arith.index_cast %add3A_38 : i32 to index
      %swap3A_69 = arith.constant 160 : index
      %swap3A_70 = tpu.vector_load %arg7[%swap3A_68, %swap3A_69] {strides = array<i32>} : memref<16x512xf32, #tpu.memory_space<vmem>>, vector<16xf32>,
      tpu.vector_store %arg7[%swap3A_68, %swap3A_69], %broadcast_in_dim3A_12 {strides = array<i32>} : memref<16x512xf32, #tpu.memory_space<vmem>>, vector<16xf32>,
      %swap3A_71 = arith.index_cast %add3A_38 : i32 to index
      %swap3A_72 = arith.constant 176 : index
      %swap3A_73 = tpu.vector_load %arg7[%swap3A_71, %swap3A_72] {strides = array<i32>} : memref<16x512xf32, #tpu.memory_space<vmem>>, vector<16xf32>,
      tpu.vector_store %arg7[%swap3A_71, %swap3A_72], %broadcast_in_dim3A_12 {strides = array<i32>} : memref<16x512xf32, #tpu.memory_space<vmem>>, vector<16xf32>,
      %swap3A_74 = arith.index_cast %add3A_38 : i32 to index
      %swap3A_75 = arith.constant 192 : index
      %swap3A_76 = tpu.vector_load %arg7[%swap3A_74, %swap3A_75] {strides = array<i32>} : memref<16x512xf32, #tpu.memory_space<vmem>>, vector<16xf32>,
      tpu.vector_store %arg7[%swap3A_74, %swap3A_75], %broadcast_in_dim3A_12 {strides = array<i32>} : memref<16x512xf32, #tpu.memory_space<vmem>>, vector<16xf32>,
      %swap3A_77 = arith.index_cast %add3A_38 : i32 to index
      %swap3A_78 = arith.constant 208 : index
      %swap3A_79 = tpu.vector_load %arg7[%swap3A_77, %swap3A_78] {strides = array<i32>} : memref<16x512xf32, #tpu.memory_space<vmem>>, vector<16xf32>,
      tpu.vector_store %arg7[%swap3A_77, %swap3A_78], %broadcast_in_dim3A_12 {strides = array<i32>} : memref<16x512xf32, #tpu.memory_space<vmem>>, vector<16xf32>,
      %swap3A_80 = arith.index_cast %add3A_38 : i32 to index
      %swap3A_81 = arith.constant 224 : index
      %swap3A_82 = tpu.vector_load %arg7[%swap3A_80, %swap3A_81] {strides = array<i32>} : memref<16x512xf32, #tpu.memory_space<vmem>>, vector<16xf32>,
      tpu.vector_store %arg7[%swap3A_80, %swap3A_81], %broadcast_in_dim3A_12 {strides = array<i32>} : memref<16x512xf32, #tpu.memory_space<vmem>>, vector<16xf32>,
      %swap3A_83 = arith.index_cast %add3A_38 : i32 to index
      %swap3A_84 = arith.constant 240 : index
      %swap3A_85 = tpu.vector_load %arg7[%swap3A_83, %swap3A_84] {strides = array<i32>} : memref<16x512xf32, #tpu.memory_space<vmem>>, vector<16xf32>,
      tpu.vector_store %arg7[%swap3A_83, %swap3A_84], %broadcast_in_dim3A_12 {strides = array<i32>} : memref<16x512xf32, #tpu.memory_space<vmem>>, vector<16xf32>,
      %swap3A_86 = arith.index_cast %add3A_38 : i32 to index
      %swap3A_87 = arith.constant 256 : index
      %swap3A_88 = tpu.vector_load %arg7[%swap3A_86, %swap3A_87] {strides = array<i32>} : memref<16x512xf32, #tpu.memory_space<vmem>>, vector<16xf32>,
      tpu.vector_store %arg7[%swap3A_86, %swap3A_87], %broadcast_in_dim3A_12 {strides = array<i32>} : memref<16x512xf32, #tpu.memory_space<vmem>>, vector<16xf32>,
      %swap3A_89 = arith.index_cast %add3A_38 : i32 to index
      %swap3A_90 = arith.constant 272 : index
      %swap3A_91 = tpu.vector_load %arg7[%swap3A_89, %swap3A_90] {strides = array<i32>} : memref<16x512xf32, #tpu.memory_space<vmem>>, vector<16xf32>,
      tpu.vector_store %arg7[%swap3A_89, %swap3A_90], %broadcast_in_dim3A_12 {strides = array<i32>} : memref<16x512xf32, #tpu.memory_space<vmem>>, vector<16xf32>,
      %swap3A_92 = arith.index_cast %add3A_38 : i32 to index
      %swap3A_93 = arith.constant 288 : index
      %swap3A_94 = tpu.vector_load %arg7[%swap3A_92, %swap3A_93] {strides = array<i32>} : memref<16x512xf32, #tpu.memory_space<vmem>>, vector<16xf32>,
      tpu.vector_store %arg7[%swap3A_92, %swap3A_93], %broadcast_in_dim3A_12 {strides = array<i32>} : memref<16x512xf32, #tpu.memory_space<vmem>>, vector<16xf32>,
      %swap3A_95 = arith.index_cast %add3A_38 : i32 to index
      %swap3A_96 = arith.constant 304 : index
      %swap3A_97 = tpu.vector_load %arg7[%swap3A_95, %swap3A_96] {strides = array<i32>} : memref<16x512xf32, #tpu.memory_space<vmem>>, vector<16xf32>,
      tpu.vector_store %arg7[%swap3A_95, %swap3A_96], %broadcast_in_dim3A_12 {strides = array<i32>} : memref<16x512xf32, #tpu.memory_space<vmem>>, vector<16xf32>,
      %swap3A_98 = arith.index_cast %add3A_38 : i32 to index
      %swap3A_99 = arith.constant 320 : index
      %swap3A_100 = tpu.vector_load %arg7[%swap3A_98, %swap3A_99] {strides = array<i32>} : memref<16x512xf32, #tpu.memory_space<vmem>>, vector<16xf32>,
      tpu.vector_store %arg7[%swap3A_98, %swap3A_99], %broadcast_in_dim3A_12 {strides = array<i32>} : memref<16x512xf32, #tpu.memory_space<vmem>>, vector<16xf32>,
      %swap3A_101 = arith.index_cast %add3A_38 : i32 to index
      %swap3A_102 = arith.constant 336 : index
      %swap3A_103 = tpu.vector_load %arg7[%swap3A_101, %swap3A_102] {strides = array<i32>} : memref<16x512xf32, #tpu.memory_space<vmem>>, vector<16xf32>,
      tpu.vector_store %arg7[%swap3A_101, %swap3A_102], %broadcast_in_dim3A_12 {strides = array<i32>} : memref<16x512xf32, #tpu.memory_space<vmem>>, vector<16xf32>,
      %swap3A_104 = arith.index_cast %add3A_38 : i32 to index
      %swap3A_105 = arith.constant 352 : index
      %swap3A_106 = tpu.vector_load %arg7[%swap3A_104, %swap3A_105] {strides = array<i32>} : memref<16x512xf32, #tpu.memory_space<vmem>>, vector<16xf32>,
      tpu.vector_store %arg7[%swap3A_104, %swap3A_105], %broadcast_in_dim3A_12 {strides = array<i32>} : memref<16x512xf32, #tpu.memory_space<vmem>>, vector<16xf32>,
      %swap3A_107 = arith.index_cast %add3A_38 : i32 to index
      %swap3A_108 = arith.constant 368 : index
      %swap3A_109 = tpu.vector_load %arg7[%swap3A_107, %swap3A_108] {strides = array<i32>} : memref<16x512xf32, #tpu.memory_space<vmem>>, vector<16xf32>,
      tpu.vector_store %arg7[%swap3A_107, %swap3A_108], %broadcast_in_dim3A_12 {strides = array<i32>} : memref<16x512xf32, #tpu.memory_space<vmem>>, vector<16xf32>,
      %swap3A_110 = arith.index_cast %add3A_38 : i32 to index
      %swap3A_111 = arith.constant 384 : index
      %swap3A_112 = tpu.vector_load %arg7[%swap3A_110, %swap3A_111] {strides = array<i32>} : memref<16x512xf32, #tpu.memory_space<vmem>>, vector<16xf32>,
      tpu.vector_store %arg7[%swap3A_110, %swap3A_111], %broadcast_in_dim3A_12 {strides = array<i32>} : memref<16x512xf32, #tpu.memory_space<vmem>>, vector<16xf32>,
      %swap3A_113 = arith.index_cast %add3A_38 : i32 to index
      %swap3A_114 = arith.constant 400 : index
      %swap3A_115 = tpu.vector_load %arg7[%swap3A_113, %swap3A_114] {strides = array<i32>} : memref<16x512xf32, #tpu.memory_space<vmem>>, vector<16xf32>,
      tpu.vector_store %arg7[%swap3A_113, %swap3A_114], %broadcast_in_dim3A_12 {strides = array<i32>} : memref<16x512xf32, #tpu.memory_space<vmem>>, vector<16xf32>,
      %swap3A_116 = arith.index_cast %add3A_38 : i32 to index
      %swap3A_117 = arith.constant 416 : index
      %swap3A_118 = tpu.vector_load %arg7[%swap3A_116, %swap3A_117] {strides = array<i32>} : memref<16x512xf32, #tpu.memory_space<vmem>>, vector<16xf32>,
      tpu.vector_store %arg7[%swap3A_116, %swap3A_117], %broadcast_in_dim3A_12 {strides = array<i32>} : memref<16x512xf32, #tpu.memory_space<vmem>>, vector<16xf32>,
      %swap3A_119 = arith.index_cast %add3A_38 : i32 to index
      %swap3A_120 = arith.constant 432 : index
      %swap3A_121 = tpu.vector_load %arg7[%swap3A_119, %swap3A_120] {strides = array<i32>} : memref<16x512xf32, #tpu.memory_space<vmem>>, vector<16xf32>,
      tpu.vector_store %arg7[%swap3A_119, %swap3A_120], %broadcast_in_dim3A_12 {strides = array<i32>} : memref<16x512xf32, #tpu.memory_space<vmem>>, vector<16xf32>,
      %swap3A_122 = arith.index_cast %add3A_38 : i32 to index
      %swap3A_123 = arith.constant 448 : index
      %swap3A_124 = tpu.vector_load %arg7[%swap3A_122, %swap3A_123] {strides = array<i32>} : memref<16x512xf32, #tpu.memory_space<vmem>>, vector<16xf32>,
      tpu.vector_store %arg7[%swap3A_122, %swap3A_123], %broadcast_in_dim3A_12 {strides = array<i32>} : memref<16x512xf32, #tpu.memory_space<vmem>>, vector<16xf32>,
      %swap3A_125 = arith.index_cast %add3A_38 : i32 to index
      %swap3A_126 = arith.constant 464 : index
      %swap3A_127 = tpu.vector_load %arg7[%swap3A_125, %swap3A_126] {strides = array<i32>} : memref<16x512xf32, #tpu.memory_space<vmem>>, vector<16xf32>,
      tpu.vector_store %arg7[%swap3A_125, %swap3A_126], %broadcast_in_dim3A_12 {strides = array<i32>} : memref<16x512xf32, #tpu.memory_space<vmem>>, vector<16xf32>,
      %swap3A_128 = arith.index_cast %add3A_38 : i32 to index
      %swap3A_129 = arith.constant 480 : index
      %swap3A_130 = tpu.vector_load %arg7[%swap3A_128, %swap3A_129] {strides = array<i32>} : memref<16x512xf32, #tpu.memory_space<vmem>>, vector<16xf32>,
      tpu.vector_store %arg7[%swap3A_128, %swap3A_129], %broadcast_in_dim3A_12 {strides = array<i32>} : memref<16x512xf32, #tpu.memory_space<vmem>>, vector<16xf32>,
      %swap3A_131 = arith.index_cast %add3A_38 : i32 to index
      %swap3A_132 = arith.constant 496 : index
      %swap3A_133 = tpu.vector_load %arg7[%swap3A_131, %swap3A_132] {strides = array<i32>} : memref<16x512xf32, #tpu.memory_space<vmem>>, vector<16xf32>,
      tpu.vector_store %arg7[%swap3A_131, %swap3A_132], %broadcast_in_dim3A_12 {strides = array<i32>} : memref<16x512xf32, #tpu.memory_space<vmem>>, vector<16xf32>,
    }
    %scan3A_16 = arith.constant 16 : i32
    %dma_wait3A = arith.constant 0 : i32
    %dma_wait3A_17 = tpu.memref_slice %arg2[%add3A_4, %dma_wait3A] : memref<2560x128xi32, #tpu.memory_space<hbm>> -> memref<8x128xi32, #tpu.memory_space<hbm>>
    %dma_wait3A_18 = arith.constant 0 : i32
    %dma_wait3A_19 = tpu.memref_slice %arg2[%add3A_4, %dma_wait3A_18] : memref<2560x128xi32, #tpu.memory_space<hbm>> -> memref<8x128xi32, #tpu.memory_space<hbm>>
    tpu.wait_dma2 semaphore(%arg9 : memref<!tpu.dma_semaphore, #tpu.memory_space<semaphore_mem>>) src(%dma_wait3A_19 : memref<8x128xi32, #tpu.memory_space<hbm>>) dst(%arg5 : memref<8x128xi32, #tpu.memory_space<vmem>>)
    %dma_wait3A_20 = arith.constant 0 : i32
    %dma_wait3A_21 = tpu.memref_slice %arg3[%mul3A_2, %dma_wait3A_20] : memref<256x128xf32, #tpu.memory_space<hbm>> -> memref<8x128xf32, #tpu.memory_space<hbm>>
    %dma_wait3A_22 = arith.constant 0 : i32
    %dma_wait3A_23 = tpu.memref_slice %arg3[%mul3A_2, %dma_wait3A_22] : memref<256x128xf32, #tpu.memory_space<hbm>> -> memref<8x128xf32, #tpu.memory_space<hbm>>
    tpu.wait_dma2 semaphore(%arg9 : memref<!tpu.dma_semaphore, #tpu.memory_space<semaphore_mem>>) src(%dma_wait3A_23 : memref<8x128xf32, #tpu.memory_space<hbm>>) dst(%arg6 : memref<8x128xf32, #tpu.memory_space<vmem>>)
    %iota3A = tpu.iota {dimensions = array<i32: 0>} : vector<16xi32>
    %scan3A_24 = arith.constant 0 : i32
    %scan3A_25 = arith.constant 8 : i32
    %scan3A_26 = arith.addi %scan3A_24, %scan3A_25 : i32
    %scan3A_27 = arith.constant 1 : i32
    scf.for %scan3A_34 = %scan3A_24 to %scan3A_26 step %scan3A_27  : i32 {
      %mul3A_35 = arith.constant 1 : i32
      %mul3A_36 = arith.muli %scan3A_34, %mul3A_35 : i32
      %add3A_37 = arith.constant 0 : i32
      %add3A_38 = arith.addi %add3A_37, %mul3A_36 : i32
      %get3A = arith.index_cast %add3A_38 : i32 to index
      %get3A_39 = arith.constant 0 : index
      %get3A_40 = tpu.vector_load %arg5[%get3A, %get3A_39] {strides = array<i32>} : memref<8x128xi32, #tpu.memory_space<vmem>>, vector<16xi32>,
      %get3A_41 = arith.index_cast %add3A_38 : i32 to index
      %get3A_42 = arith.constant 0 : index
      %get3A_43 = tpu.vector_load %arg6[%get3A_41, %get3A_42] {strides = array<i32>} : memref<8x128xf32, #tpu.memory_space<vmem>>, vector<16xf32>,
      tpu.vector_store_idx %arg7[%iota3A, %get3A_40], %get3A_43 {add = true} : memref<16x512xf32, #tpu.memory_space<vmem>>[vector<16xi32>, vector<16xi32>], vector<16xf32>,
      %get3A_44 = arith.index_cast %add3A_38 : i32 to index
      %get3A_45 = arith.constant 16 : index
      %get3A_46 = tpu.vector_load %arg5[%get3A_44, %get3A_45] {strides = array<i32>} : memref<8x128xi32, #tpu.memory_space<vmem>>, vector<16xi32>,
      %get3A_47 = arith.index_cast %add3A_38 : i32 to index
      %get3A_48 = arith.constant 16 : index
      %get3A_49 = tpu.vector_load %arg6[%get3A_47, %get3A_48] {strides = array<i32>} : memref<8x128xf32, #tpu.memory_space<vmem>>, vector<16xf32>,
      tpu.vector_store_idx %arg7[%iota3A, %get3A_46], %get3A_49 {add = true} : memref<16x512xf32, #tpu.memory_space<vmem>>[vector<16xi32>, vector<16xi32>], vector<16xf32>,
      %get3A_50 = arith.index_cast %add3A_38 : i32 to index
      %get3A_51 = arith.constant 32 : index
      %get3A_52 = tpu.vector_load %arg5[%get3A_50, %get3A_51] {strides = array<i32>} : memref<8x128xi32, #tpu.memory_space<vmem>>, vector<16xi32>,
      %get3A_53 = arith.index_cast %add3A_38 : i32 to index
      %get3A_54 = arith.constant 32 : index
      %get3A_55 = tpu.vector_load %arg6[%get3A_53, %get3A_54] {strides = array<i32>} : memref<8x128xf32, #tpu.memory_space<vmem>>, vector<16xf32>,
      tpu.vector_store_idx %arg7[%iota3A, %get3A_52], %get3A_55 {add = true} : memref<16x512xf32, #tpu.memory_space<vmem>>[vector<16xi32>, vector<16xi32>], vector<16xf32>,
      %get3A_56 = arith.index_cast %add3A_38 : i32 to index
      %get3A_57 = arith.constant 48 : index
      %get3A_58 = tpu.vector_load %arg5[%get3A_56, %get3A_57] {strides = array<i32>} : memref<8x128xi32, #tpu.memory_space<vmem>>, vector<16xi32>,
      %get3A_59 = arith.index_cast %add3A_38 : i32 to index
      %get3A_60 = arith.constant 48 : index
      %get3A_61 = tpu.vector_load %arg6[%get3A_59, %get3A_60] {strides = array<i32>} : memref<8x128xf32, #tpu.memory_space<vmem>>, vector<16xf32>,
      tpu.vector_store_idx %arg7[%iota3A, %get3A_58], %get3A_61 {add = true} : memref<16x512xf32, #tpu.memory_space<vmem>>[vector<16xi32>, vector<16xi32>], vector<16xf32>,
      %get3A_62 = arith.index_cast %add3A_38 : i32 to index
      %get3A_63 = arith.constant 64 : index
      %get3A_64 = tpu.vector_load %arg5[%get3A_62, %get3A_63] {strides = array<i32>} : memref<8x128xi32, #tpu.memory_space<vmem>>, vector<16xi32>,
      %get3A_65 = arith.index_cast %add3A_38 : i32 to index
      %get3A_66 = arith.constant 64 : index
      %get3A_67 = tpu.vector_load %arg6[%get3A_65, %get3A_66] {strides = array<i32>} : memref<8x128xf32, #tpu.memory_space<vmem>>, vector<16xf32>,
      tpu.vector_store_idx %arg7[%iota3A, %get3A_64], %get3A_67 {add = true} : memref<16x512xf32, #tpu.memory_space<vmem>>[vector<16xi32>, vector<16xi32>], vector<16xf32>,
      %get3A_68 = arith.index_cast %add3A_38 : i32 to index
      %get3A_69 = arith.constant 80 : index
      %get3A_70 = tpu.vector_load %arg5[%get3A_68, %get3A_69] {strides = array<i32>} : memref<8x128xi32, #tpu.memory_space<vmem>>, vector<16xi32>,
      %get3A_71 = arith.index_cast %add3A_38 : i32 to index
      %get3A_72 = arith.constant 80 : index
      %get3A_73 = tpu.vector_load %arg6[%get3A_71, %get3A_72] {strides = array<i32>} : memref<8x128xf32, #tpu.memory_space<vmem>>, vector<16xf32>,
      tpu.vector_store_idx %arg7[%iota3A, %get3A_70], %get3A_73 {add = true} : memref<16x512xf32, #tpu.memory_space<vmem>>[vector<16xi32>, vector<16xi32>], vector<16xf32>,
      %get3A_74 = arith.index_cast %add3A_38 : i32 to index
      %get3A_75 = arith.constant 96 : index
      %get3A_76 = tpu.vector_load %arg5[%get3A_74, %get3A_75] {strides = array<i32>} : memref<8x128xi32, #tpu.memory_space<vmem>>, vector<16xi32>,
      %get3A_77 = arith.index_cast %add3A_38 : i32 to index
      %get3A_78 = arith.constant 96 : index
      %get3A_79 = tpu.vector_load %arg6[%get3A_77, %get3A_78] {strides = array<i32>} : memref<8x128xf32, #tpu.memory_space<vmem>>, vector<16xf32>,
      tpu.vector_store_idx %arg7[%iota3A, %get3A_76], %get3A_79 {add = true} : memref<16x512xf32, #tpu.memory_space<vmem>>[vector<16xi32>, vector<16xi32>], vector<16xf32>,
      %get3A_80 = arith.index_cast %add3A_38 : i32 to index
      %get3A_81 = arith.constant 112 : index
      %get3A_82 = tpu.vector_load %arg5[%get3A_80, %get3A_81] {strides = array<i32>} : memref<8x128xi32, #tpu.memory_space<vmem>>, vector<16xi32>,
      %get3A_83 = arith.index_cast %add3A_38 : i32 to index
      %get3A_84 = arith.constant 112 : index
      %get3A_85 = tpu.vector_load %arg6[%get3A_83, %get3A_84] {strides = array<i32>} : memref<8x128xf32, #tpu.memory_space<vmem>>, vector<16xf32>,
      tpu.vector_store_idx %arg7[%iota3A, %get3A_82], %get3A_85 {add = true} : memref<16x512xf32, #tpu.memory_space<vmem>>[vector<16xi32>, vector<16xi32>], vector<16xf32>,
    }
    %scan3A_28 = arith.constant 8 : i32
    %scan3A_29 = arith.constant 0 : i32
    %scan3A_30 = arith.constant 32 : i32
    %scan3A_31 = arith.addi %scan3A_29, %scan3A_30 : i32
    %scan3A_32 = arith.constant 1 : i32
    scf.for %scan3A_34 = %scan3A_29 to %scan3A_31 step %scan3A_32  : i32 {
      %mul3A_35 = arith.constant 16 : i32
      %mul3A_36 = arith.muli %scan3A_34, %mul3A_35 : i32
      %add3A_37 = arith.constant 0 : i32
      %add3A_38 = arith.addi %add3A_37, %mul3A_36 : i32
      %get3A = arith.constant 0 : i32
      %get3A_39 = arith.index_cast %get3A : i32 to index
      %get3A_40 = arith.index_cast %add3A_38 : i32 to index
      %get3A_41 = tpu.vector_load %arg7[%get3A_39, %get3A_40] {strides = array<i32>} : memref<16x512xf32, #tpu.memory_space<vmem>>, vector<16xf32>,
      %get3A_42 = arith.constant 1 : i32
      %get3A_43 = arith.index_cast %get3A_42 : i32 to index
      %get3A_44 = arith.index_cast %add3A_38 : i32 to index
      %get3A_45 = tpu.vector_load %arg7[%get3A_43, %get3A_44] {strides = array<i32>} : memref<16x512xf32, #tpu.memory_space<vmem>>, vector<16xf32>,
      %add3A_46 = arith.addf %get3A_41, %get3A_45 : vector<16xf32>
      %get3A_47 = arith.constant 2 : i32
      %get3A_48 = arith.index_cast %get3A_47 : i32 to index
      %get3A_49 = arith.index_cast %add3A_38 : i32 to index
      %get3A_50 = tpu.vector_load %arg7[%get3A_48, %get3A_49] {strides = array<i32>} : memref<16x512xf32, #tpu.memory_space<vmem>>, vector<16xf32>,
      %add3A_51 = arith.addf %add3A_46, %get3A_50 : vector<16xf32>
      %get3A_52 = arith.constant 3 : i32
      %get3A_53 = arith.index_cast %get3A_52 : i32 to index
      %get3A_54 = arith.index_cast %add3A_38 : i32 to index
      %get3A_55 = tpu.vector_load %arg7[%get3A_53, %get3A_54] {strides = array<i32>} : memref<16x512xf32, #tpu.memory_space<vmem>>, vector<16xf32>,
      %add3A_56 = arith.addf %add3A_51, %get3A_55 : vector<16xf32>
      %get3A_57 = arith.constant 4 : i32
      %get3A_58 = arith.index_cast %get3A_57 : i32 to index
      %get3A_59 = arith.index_cast %add3A_38 : i32 to index
      %get3A_60 = tpu.vector_load %arg7[%get3A_58, %get3A_59] {strides = array<i32>} : memref<16x512xf32, #tpu.memory_space<vmem>>, vector<16xf32>,
      %add3A_61 = arith.addf %add3A_56, %get3A_60 : vector<16xf32>
      %get3A_62 = arith.constant 5 : i32
      %get3A_63 = arith.index_cast %get3A_62 : i32 to index
      %get3A_64 = arith.index_cast %add3A_38 : i32 to index
      %get3A_65 = tpu.vector_load %arg7[%get3A_63, %get3A_64] {strides = array<i32>} : memref<16x512xf32, #tpu.memory_space<vmem>>, vector<16xf32>,
      %add3A_66 = arith.addf %add3A_61, %get3A_65 : vector<16xf32>
      %get3A_67 = arith.constant 6 : i32
      %get3A_68 = arith.index_cast %get3A_67 : i32 to index
      %get3A_69 = arith.index_cast %add3A_38 : i32 to index
      %get3A_70 = tpu.vector_load %arg7[%get3A_68, %get3A_69] {strides = array<i32>} : memref<16x512xf32, #tpu.memory_space<vmem>>, vector<16xf32>,
      %add3A_71 = arith.addf %add3A_66, %get3A_70 : vector<16xf32>
      %get3A_72 = arith.constant 7 : i32
      %get3A_73 = arith.index_cast %get3A_72 : i32 to index
      %get3A_74 = arith.index_cast %add3A_38 : i32 to index
      %get3A_75 = tpu.vector_load %arg7[%get3A_73, %get3A_74] {strides = array<i32>} : memref<16x512xf32, #tpu.memory_space<vmem>>, vector<16xf32>,
      %add3A_76 = arith.addf %add3A_71, %get3A_75 : vector<16xf32>
      %get3A_77 = arith.constant 8 : i32
      %get3A_78 = arith.index_cast %get3A_77 : i32 to index
      %get3A_79 = arith.index_cast %add3A_38 : i32 to index
      %get3A_80 = tpu.vector_load %arg7[%get3A_78, %get3A_79] {strides = array<i32>} : memref<16x512xf32, #tpu.memory_space<vmem>>, vector<16xf32>,
      %add3A_81 = arith.addf %add3A_76, %get3A_80 : vector<16xf32>
      %get3A_82 = arith.constant 9 : i32
      %get3A_83 = arith.index_cast %get3A_82 : i32 to index
      %get3A_84 = arith.index_cast %add3A_38 : i32 to index
      %get3A_85 = tpu.vector_load %arg7[%get3A_83, %get3A_84] {strides = array<i32>} : memref<16x512xf32, #tpu.memory_space<vmem>>, vector<16xf32>,
      %add3A_86 = arith.addf %add3A_81, %get3A_85 : vector<16xf32>
      %get3A_87 = arith.constant 10 : i32
      %get3A_88 = arith.index_cast %get3A_87 : i32 to index
      %get3A_89 = arith.index_cast %add3A_38 : i32 to index
      %get3A_90 = tpu.vector_load %arg7[%get3A_88, %get3A_89] {strides = array<i32>} : memref<16x512xf32, #tpu.memory_space<vmem>>, vector<16xf32>,
      %add3A_91 = arith.addf %add3A_86, %get3A_90 : vector<16xf32>
      %get3A_92 = arith.constant 11 : i32
      %get3A_93 = arith.index_cast %get3A_92 : i32 to index
      %get3A_94 = arith.index_cast %add3A_38 : i32 to index
      %get3A_95 = tpu.vector_load %arg7[%get3A_93, %get3A_94] {strides = array<i32>} : memref<16x512xf32, #tpu.memory_space<vmem>>, vector<16xf32>,
      %add3A_96 = arith.addf %add3A_91, %get3A_95 : vector<16xf32>
      %get3A_97 = arith.constant 12 : i32
      %get3A_98 = arith.index_cast %get3A_97 : i32 to index
      %get3A_99 = arith.index_cast %add3A_38 : i32 to index
      %get3A_100 = tpu.vector_load %arg7[%get3A_98, %get3A_99] {strides = array<i32>} : memref<16x512xf32, #tpu.memory_space<vmem>>, vector<16xf32>,
      %add3A_101 = arith.addf %add3A_96, %get3A_100 : vector<16xf32>
      %get3A_102 = arith.constant 13 : i32
      %get3A_103 = arith.index_cast %get3A_102 : i32 to index
      %get3A_104 = arith.index_cast %add3A_38 : i32 to index
      %get3A_105 = tpu.vector_load %arg7[%get3A_103, %get3A_104] {strides = array<i32>} : memref<16x512xf32, #tpu.memory_space<vmem>>, vector<16xf32>,
      %add3A_106 = arith.addf %add3A_101, %get3A_105 : vector<16xf32>
      %get3A_107 = arith.constant 14 : i32
      %get3A_108 = arith.index_cast %get3A_107 : i32 to index
      %get3A_109 = arith.index_cast %add3A_38 : i32 to index
      %get3A_110 = tpu.vector_load %arg7[%get3A_108, %get3A_109] {strides = array<i32>} : memref<16x512xf32, #tpu.memory_space<vmem>>, vector<16xf32>,
      %add3A_111 = arith.addf %add3A_106, %get3A_110 : vector<16xf32>
      %get3A_112 = arith.constant 15 : i32
      %get3A_113 = arith.index_cast %get3A_112 : i32 to index
      %get3A_114 = arith.index_cast %add3A_38 : i32 to index
      %get3A_115 = tpu.vector_load %arg7[%get3A_113, %get3A_114] {strides = array<i32>} : memref<16x512xf32, #tpu.memory_space<vmem>>, vector<16xf32>,
      %add3A_116 = arith.addf %add3A_111, %get3A_115 : vector<16xf32>
      %swap3A = arith.index_cast %add3A_38 : i32 to index
      %swap3A_117 = tpu.vector_load %arg8[%swap3A] {strides = array<i32>} : memref<512xf32, #tpu.memory_space<vmem>>, vector<16xf32>,
      tpu.vector_store %arg8[%swap3A], %add3A_116 {strides = array<i32>} : memref<512xf32, #tpu.memory_space<vmem>>, vector<16xf32>,
    }
    %scan3A_33 = arith.constant 32 : i32
    "tpu.region"() ({
      %run_scoped3A = tpu.sem_alloc : memref<!tpu.dma_semaphore, #tpu.memory_space<semaphore_mem>>
      %dma_start3A_34 = arith.constant 0 : i32
      %dma_start3A_35 = tpu.memref_slice %arg4[%add3A, %dma_start3A_34] : memref<32x512xf32, #tpu.memory_space<hbm>> -> memref<1x512xf32, #tpu.memory_space<hbm>>
      %dma_start3A_36 = tpu.memref_squeeze %dma_start3A_35 : memref<1x512xf32, #tpu.memory_space<hbm>> -> memref<512xf32, #tpu.memory_space<hbm>>
      %dma_start3A_37 = arith.constant 0 : i32
      %dma_start3A_38 = tpu.memref_slice %arg4[%add3A, %dma_start3A_37] : memref<32x512xf32, #tpu.memory_space<hbm>> -> memref<1x512xf32, #tpu.memory_space<hbm>>
      %dma_start3A_39 = tpu.memref_squeeze %dma_start3A_38 : memref<1x512xf32, #tpu.memory_space<hbm>> -> memref<512xf32, #tpu.memory_space<hbm>>
      tpu.enqueue_dma source(%arg8 : memref<512xf32, #tpu.memory_space<vmem>>) target(%dma_start3A_39 : memref<512xf32, #tpu.memory_space<hbm>>) target_semaphore(%run_scoped3A : memref<!tpu.dma_semaphore, #tpu.memory_space<semaphore_mem>>)
      %dma_wait3A_40 = arith.constant 0 : i32
      %dma_wait3A_41 = tpu.memref_slice %arg4[%add3A, %dma_wait3A_40] : memref<32x512xf32, #tpu.memory_space<hbm>> -> memref<1x512xf32, #tpu.memory_space<hbm>>
      %dma_wait3A_42 = tpu.memref_squeeze %dma_wait3A_41 : memref<1x512xf32, #tpu.memory_space<hbm>> -> memref<512xf32, #tpu.memory_space<hbm>>
      %dma_wait3A_43 = arith.constant 0 : i32
      %dma_wait3A_44 = tpu.memref_slice %arg4[%add3A, %dma_wait3A_43] : memref<32x512xf32, #tpu.memory_space<hbm>> -> memref<1x512xf32, #tpu.memory_space<hbm>>
      %dma_wait3A_45 = tpu.memref_squeeze %dma_wait3A_44 : memref<1x512xf32, #tpu.memory_space<hbm>> -> memref<512xf32, #tpu.memory_space<hbm>>
      tpu.wait_dma2 semaphore(%run_scoped3A : memref<!tpu.dma_semaphore, #tpu.memory_space<semaphore_mem>>) src(%arg8 : memref<512xf32, #tpu.memory_space<vmem>>) dst(%dma_wait3A_45 : memref<512xf32, #tpu.memory_space<hbm>>)
      tpu.yield
    }) : () -> ()
    return
  }
}

#map = affine_map<(d0, d1) -> (0, 0)>
module attributes {stable_mosaic.version = 14 : i64} {
  func.func @_segsum_body(%arg0: i32, %arg1: i32, %arg2: memref<2500x128xi32, #tpu.memory_space<hbm>>, %arg3: memref<768x128xf32, #tpu.memory_space<hbm>>, %arg4: memref<32x512xf32, #tpu.memory_space<hbm>>, %arg5: memref<24x128xi32, #tpu.memory_space<vmem>>, %arg6: memref<24x128xf32, #tpu.memory_space<vmem>>, %arg7: memref<16x512xf32, #tpu.memory_space<vmem>>, %arg8: memref<512xf32, #tpu.memory_space<vmem>>, %arg9: memref<!tpu.dma_semaphore, #tpu.memory_space<semaphore_mem>>) attributes {dimension_semantics = [#tpu.dimension_semantics<core_parallel>, #tpu.dimension_semantics<subcore_parallel>], iteration_bounds = array<i64: 2, 16>, scalar_prefetch = 0 : i64, scratch_operands = 5 : i64, tpu.core_type = #tpu.core_type<sc_vector_subcore>, window_params = [{transform_indices = #map}, {transform_indices = #map}, {transform_indices = #map}]} {
    %mul3A = arith.constant 2 : i32
    %mul3A_0 = arith.muli %arg1, %mul3A : i32
    %add3A = arith.addi %mul3A_0, %arg0 : i32
    %mul3A_1 = arith.constant 24 : i32
    %mul3A_2 = arith.muli %add3A, %mul3A_1 : i32
    %add3A_3 = arith.constant 0 : i32
    %add3A_4 = arith.addi %add3A_3, %mul3A_2 : i32
    %dma_start3A = arith.constant 0 : i32
    %dma_start3A_5 = tpu.memref_slice %arg2[%add3A_4, %dma_start3A] : memref<2500x128xi32, #tpu.memory_space<hbm>> -> memref<24x128xi32, #tpu.memory_space<hbm>>
    %dma_start3A_6 = arith.constant 0 : i32
    %dma_start3A_7 = tpu.memref_slice %arg2[%add3A_4, %dma_start3A_6] : memref<2500x128xi32, #tpu.memory_space<hbm>> -> memref<24x128xi32, #tpu.memory_space<hbm>>
    tpu.enqueue_dma source(%dma_start3A_7 : memref<24x128xi32, #tpu.memory_space<hbm>>) target(%arg5 : memref<24x128xi32, #tpu.memory_space<vmem>>) target_semaphore(%arg9 : memref<!tpu.dma_semaphore, #tpu.memory_space<semaphore_mem>>)
    %dma_start3A_8 = arith.constant 0 : i32
    %dma_start3A_9 = tpu.memref_slice %arg3[%mul3A_2, %dma_start3A_8] : memref<768x128xf32, #tpu.memory_space<hbm>> -> memref<24x128xf32, #tpu.memory_space<hbm>>
    %dma_start3A_10 = arith.constant 0 : i32
    %dma_start3A_11 = tpu.memref_slice %arg3[%mul3A_2, %dma_start3A_10] : memref<768x128xf32, #tpu.memory_space<hbm>> -> memref<24x128xf32, #tpu.memory_space<hbm>>
    tpu.enqueue_dma source(%dma_start3A_11 : memref<24x128xf32, #tpu.memory_space<hbm>>) target(%arg6 : memref<24x128xf32, #tpu.memory_space<vmem>>) target_semaphore(%arg9 : memref<!tpu.dma_semaphore, #tpu.memory_space<semaphore_mem>>)
    %broadcast_in_dim3A = arith.constant 0.000000e+00 : f32
    %broadcast_in_dim3A_12 = vector.broadcast %broadcast_in_dim3A : f32 to vector<16xf32>
    %scan3A = arith.constant 0 : i32
    %scan3A_13 = arith.constant 16 : i32
    %scan3A_14 = arith.addi %scan3A, %scan3A_13 : i32
    %scan3A_15 = arith.constant 1 : i32
    scf.for %scan3A_34 = %scan3A to %scan3A_14 step %scan3A_15  : i32 {
      %mul3A_35 = arith.constant 1 : i32
      %mul3A_36 = arith.muli %scan3A_34, %mul3A_35 : i32
      %add3A_37 = arith.constant 0 : i32
      %add3A_38 = arith.addi %add3A_37, %mul3A_36 : i32
      %swap3A = arith.index_cast %add3A_38 : i32 to index
      %swap3A_39 = arith.constant 0 : index
      %swap3A_40 = tpu.vector_load %arg7[%swap3A, %swap3A_39] {strides = array<i32>} : memref<16x512xf32, #tpu.memory_space<vmem>>, vector<16xf32>,
      tpu.vector_store %arg7[%swap3A, %swap3A_39], %broadcast_in_dim3A_12 {strides = array<i32>} : memref<16x512xf32, #tpu.memory_space<vmem>>, vector<16xf32>,
      %swap3A_41 = arith.index_cast %add3A_38 : i32 to index
      %swap3A_42 = arith.constant 16 : index
      %swap3A_43 = tpu.vector_load %arg7[%swap3A_41, %swap3A_42] {strides = array<i32>} : memref<16x512xf32, #tpu.memory_space<vmem>>, vector<16xf32>,
      tpu.vector_store %arg7[%swap3A_41, %swap3A_42], %broadcast_in_dim3A_12 {strides = array<i32>} : memref<16x512xf32, #tpu.memory_space<vmem>>, vector<16xf32>,
      %swap3A_44 = arith.index_cast %add3A_38 : i32 to index
      %swap3A_45 = arith.constant 32 : index
      %swap3A_46 = tpu.vector_load %arg7[%swap3A_44, %swap3A_45] {strides = array<i32>} : memref<16x512xf32, #tpu.memory_space<vmem>>, vector<16xf32>,
      tpu.vector_store %arg7[%swap3A_44, %swap3A_45], %broadcast_in_dim3A_12 {strides = array<i32>} : memref<16x512xf32, #tpu.memory_space<vmem>>, vector<16xf32>,
      %swap3A_47 = arith.index_cast %add3A_38 : i32 to index
      %swap3A_48 = arith.constant 48 : index
      %swap3A_49 = tpu.vector_load %arg7[%swap3A_47, %swap3A_48] {strides = array<i32>} : memref<16x512xf32, #tpu.memory_space<vmem>>, vector<16xf32>,
      tpu.vector_store %arg7[%swap3A_47, %swap3A_48], %broadcast_in_dim3A_12 {strides = array<i32>} : memref<16x512xf32, #tpu.memory_space<vmem>>, vector<16xf32>,
      %swap3A_50 = arith.index_cast %add3A_38 : i32 to index
      %swap3A_51 = arith.constant 64 : index
      %swap3A_52 = tpu.vector_load %arg7[%swap3A_50, %swap3A_51] {strides = array<i32>} : memref<16x512xf32, #tpu.memory_space<vmem>>, vector<16xf32>,
      tpu.vector_store %arg7[%swap3A_50, %swap3A_51], %broadcast_in_dim3A_12 {strides = array<i32>} : memref<16x512xf32, #tpu.memory_space<vmem>>, vector<16xf32>,
      %swap3A_53 = arith.index_cast %add3A_38 : i32 to index
      %swap3A_54 = arith.constant 80 : index
      %swap3A_55 = tpu.vector_load %arg7[%swap3A_53, %swap3A_54] {strides = array<i32>} : memref<16x512xf32, #tpu.memory_space<vmem>>, vector<16xf32>,
      tpu.vector_store %arg7[%swap3A_53, %swap3A_54], %broadcast_in_dim3A_12 {strides = array<i32>} : memref<16x512xf32, #tpu.memory_space<vmem>>, vector<16xf32>,
      %swap3A_56 = arith.index_cast %add3A_38 : i32 to index
      %swap3A_57 = arith.constant 96 : index
      %swap3A_58 = tpu.vector_load %arg7[%swap3A_56, %swap3A_57] {strides = array<i32>} : memref<16x512xf32, #tpu.memory_space<vmem>>, vector<16xf32>,
      tpu.vector_store %arg7[%swap3A_56, %swap3A_57], %broadcast_in_dim3A_12 {strides = array<i32>} : memref<16x512xf32, #tpu.memory_space<vmem>>, vector<16xf32>,
      %swap3A_59 = arith.index_cast %add3A_38 : i32 to index
      %swap3A_60 = arith.constant 112 : index
      %swap3A_61 = tpu.vector_load %arg7[%swap3A_59, %swap3A_60] {strides = array<i32>} : memref<16x512xf32, #tpu.memory_space<vmem>>, vector<16xf32>,
      tpu.vector_store %arg7[%swap3A_59, %swap3A_60], %broadcast_in_dim3A_12 {strides = array<i32>} : memref<16x512xf32, #tpu.memory_space<vmem>>, vector<16xf32>,
      %swap3A_62 = arith.index_cast %add3A_38 : i32 to index
      %swap3A_63 = arith.constant 128 : index
      %swap3A_64 = tpu.vector_load %arg7[%swap3A_62, %swap3A_63] {strides = array<i32>} : memref<16x512xf32, #tpu.memory_space<vmem>>, vector<16xf32>,
      tpu.vector_store %arg7[%swap3A_62, %swap3A_63], %broadcast_in_dim3A_12 {strides = array<i32>} : memref<16x512xf32, #tpu.memory_space<vmem>>, vector<16xf32>,
      %swap3A_65 = arith.index_cast %add3A_38 : i32 to index
      %swap3A_66 = arith.constant 144 : index
      %swap3A_67 = tpu.vector_load %arg7[%swap3A_65, %swap3A_66] {strides = array<i32>} : memref<16x512xf32, #tpu.memory_space<vmem>>, vector<16xf32>,
      tpu.vector_store %arg7[%swap3A_65, %swap3A_66], %broadcast_in_dim3A_12 {strides = array<i32>} : memref<16x512xf32, #tpu.memory_space<vmem>>, vector<16xf32>,
      %swap3A_68 = arith.index_cast %add3A_38 : i32 to index
      %swap3A_69 = arith.constant 160 : index
      %swap3A_70 = tpu.vector_load %arg7[%swap3A_68, %swap3A_69] {strides = array<i32>} : memref<16x512xf32, #tpu.memory_space<vmem>>, vector<16xf32>,
      tpu.vector_store %arg7[%swap3A_68, %swap3A_69], %broadcast_in_dim3A_12 {strides = array<i32>} : memref<16x512xf32, #tpu.memory_space<vmem>>, vector<16xf32>,
      %swap3A_71 = arith.index_cast %add3A_38 : i32 to index
      %swap3A_72 = arith.constant 176 : index
      %swap3A_73 = tpu.vector_load %arg7[%swap3A_71, %swap3A_72] {strides = array<i32>} : memref<16x512xf32, #tpu.memory_space<vmem>>, vector<16xf32>,
      tpu.vector_store %arg7[%swap3A_71, %swap3A_72], %broadcast_in_dim3A_12 {strides = array<i32>} : memref<16x512xf32, #tpu.memory_space<vmem>>, vector<16xf32>,
      %swap3A_74 = arith.index_cast %add3A_38 : i32 to index
      %swap3A_75 = arith.constant 192 : index
      %swap3A_76 = tpu.vector_load %arg7[%swap3A_74, %swap3A_75] {strides = array<i32>} : memref<16x512xf32, #tpu.memory_space<vmem>>, vector<16xf32>,
      tpu.vector_store %arg7[%swap3A_74, %swap3A_75], %broadcast_in_dim3A_12 {strides = array<i32>} : memref<16x512xf32, #tpu.memory_space<vmem>>, vector<16xf32>,
      %swap3A_77 = arith.index_cast %add3A_38 : i32 to index
      %swap3A_78 = arith.constant 208 : index
      %swap3A_79 = tpu.vector_load %arg7[%swap3A_77, %swap3A_78] {strides = array<i32>} : memref<16x512xf32, #tpu.memory_space<vmem>>, vector<16xf32>,
      tpu.vector_store %arg7[%swap3A_77, %swap3A_78], %broadcast_in_dim3A_12 {strides = array<i32>} : memref<16x512xf32, #tpu.memory_space<vmem>>, vector<16xf32>,
      %swap3A_80 = arith.index_cast %add3A_38 : i32 to index
      %swap3A_81 = arith.constant 224 : index
      %swap3A_82 = tpu.vector_load %arg7[%swap3A_80, %swap3A_81] {strides = array<i32>} : memref<16x512xf32, #tpu.memory_space<vmem>>, vector<16xf32>,
      tpu.vector_store %arg7[%swap3A_80, %swap3A_81], %broadcast_in_dim3A_12 {strides = array<i32>} : memref<16x512xf32, #tpu.memory_space<vmem>>, vector<16xf32>,
      %swap3A_83 = arith.index_cast %add3A_38 : i32 to index
      %swap3A_84 = arith.constant 240 : index
      %swap3A_85 = tpu.vector_load %arg7[%swap3A_83, %swap3A_84] {strides = array<i32>} : memref<16x512xf32, #tpu.memory_space<vmem>>, vector<16xf32>,
      tpu.vector_store %arg7[%swap3A_83, %swap3A_84], %broadcast_in_dim3A_12 {strides = array<i32>} : memref<16x512xf32, #tpu.memory_space<vmem>>, vector<16xf32>,
      %swap3A_86 = arith.index_cast %add3A_38 : i32 to index
      %swap3A_87 = arith.constant 256 : index
      %swap3A_88 = tpu.vector_load %arg7[%swap3A_86, %swap3A_87] {strides = array<i32>} : memref<16x512xf32, #tpu.memory_space<vmem>>, vector<16xf32>,
      tpu.vector_store %arg7[%swap3A_86, %swap3A_87], %broadcast_in_dim3A_12 {strides = array<i32>} : memref<16x512xf32, #tpu.memory_space<vmem>>, vector<16xf32>,
      %swap3A_89 = arith.index_cast %add3A_38 : i32 to index
      %swap3A_90 = arith.constant 272 : index
      %swap3A_91 = tpu.vector_load %arg7[%swap3A_89, %swap3A_90] {strides = array<i32>} : memref<16x512xf32, #tpu.memory_space<vmem>>, vector<16xf32>,
      tpu.vector_store %arg7[%swap3A_89, %swap3A_90], %broadcast_in_dim3A_12 {strides = array<i32>} : memref<16x512xf32, #tpu.memory_space<vmem>>, vector<16xf32>,
      %swap3A_92 = arith.index_cast %add3A_38 : i32 to index
      %swap3A_93 = arith.constant 288 : index
      %swap3A_94 = tpu.vector_load %arg7[%swap3A_92, %swap3A_93] {strides = array<i32>} : memref<16x512xf32, #tpu.memory_space<vmem>>, vector<16xf32>,
      tpu.vector_store %arg7[%swap3A_92, %swap3A_93], %broadcast_in_dim3A_12 {strides = array<i32>} : memref<16x512xf32, #tpu.memory_space<vmem>>, vector<16xf32>,
      %swap3A_95 = arith.index_cast %add3A_38 : i32 to index
      %swap3A_96 = arith.constant 304 : index
      %swap3A_97 = tpu.vector_load %arg7[%swap3A_95, %swap3A_96] {strides = array<i32>} : memref<16x512xf32, #tpu.memory_space<vmem>>, vector<16xf32>,
      tpu.vector_store %arg7[%swap3A_95, %swap3A_96], %broadcast_in_dim3A_12 {strides = array<i32>} : memref<16x512xf32, #tpu.memory_space<vmem>>, vector<16xf32>,
      %swap3A_98 = arith.index_cast %add3A_38 : i32 to index
      %swap3A_99 = arith.constant 320 : index
      %swap3A_100 = tpu.vector_load %arg7[%swap3A_98, %swap3A_99] {strides = array<i32>} : memref<16x512xf32, #tpu.memory_space<vmem>>, vector<16xf32>,
      tpu.vector_store %arg7[%swap3A_98, %swap3A_99], %broadcast_in_dim3A_12 {strides = array<i32>} : memref<16x512xf32, #tpu.memory_space<vmem>>, vector<16xf32>,
      %swap3A_101 = arith.index_cast %add3A_38 : i32 to index
      %swap3A_102 = arith.constant 336 : index
      %swap3A_103 = tpu.vector_load %arg7[%swap3A_101, %swap3A_102] {strides = array<i32>} : memref<16x512xf32, #tpu.memory_space<vmem>>, vector<16xf32>,
      tpu.vector_store %arg7[%swap3A_101, %swap3A_102], %broadcast_in_dim3A_12 {strides = array<i32>} : memref<16x512xf32, #tpu.memory_space<vmem>>, vector<16xf32>,
      %swap3A_104 = arith.index_cast %add3A_38 : i32 to index
      %swap3A_105 = arith.constant 352 : index
      %swap3A_106 = tpu.vector_load %arg7[%swap3A_104, %swap3A_105] {strides = array<i32>} : memref<16x512xf32, #tpu.memory_space<vmem>>, vector<16xf32>,
      tpu.vector_store %arg7[%swap3A_104, %swap3A_105], %broadcast_in_dim3A_12 {strides = array<i32>} : memref<16x512xf32, #tpu.memory_space<vmem>>, vector<16xf32>,
      %swap3A_107 = arith.index_cast %add3A_38 : i32 to index
      %swap3A_108 = arith.constant 368 : index
      %swap3A_109 = tpu.vector_load %arg7[%swap3A_107, %swap3A_108] {strides = array<i32>} : memref<16x512xf32, #tpu.memory_space<vmem>>, vector<16xf32>,
      tpu.vector_store %arg7[%swap3A_107, %swap3A_108], %broadcast_in_dim3A_12 {strides = array<i32>} : memref<16x512xf32, #tpu.memory_space<vmem>>, vector<16xf32>,
      %swap3A_110 = arith.index_cast %add3A_38 : i32 to index
      %swap3A_111 = arith.constant 384 : index
      %swap3A_112 = tpu.vector_load %arg7[%swap3A_110, %swap3A_111] {strides = array<i32>} : memref<16x512xf32, #tpu.memory_space<vmem>>, vector<16xf32>,
      tpu.vector_store %arg7[%swap3A_110, %swap3A_111], %broadcast_in_dim3A_12 {strides = array<i32>} : memref<16x512xf32, #tpu.memory_space<vmem>>, vector<16xf32>,
      %swap3A_113 = arith.index_cast %add3A_38 : i32 to index
      %swap3A_114 = arith.constant 400 : index
      %swap3A_115 = tpu.vector_load %arg7[%swap3A_113, %swap3A_114] {strides = array<i32>} : memref<16x512xf32, #tpu.memory_space<vmem>>, vector<16xf32>,
      tpu.vector_store %arg7[%swap3A_113, %swap3A_114], %broadcast_in_dim3A_12 {strides = array<i32>} : memref<16x512xf32, #tpu.memory_space<vmem>>, vector<16xf32>,
      %swap3A_116 = arith.index_cast %add3A_38 : i32 to index
      %swap3A_117 = arith.constant 416 : index
      %swap3A_118 = tpu.vector_load %arg7[%swap3A_116, %swap3A_117] {strides = array<i32>} : memref<16x512xf32, #tpu.memory_space<vmem>>, vector<16xf32>,
      tpu.vector_store %arg7[%swap3A_116, %swap3A_117], %broadcast_in_dim3A_12 {strides = array<i32>} : memref<16x512xf32, #tpu.memory_space<vmem>>, vector<16xf32>,
      %swap3A_119 = arith.index_cast %add3A_38 : i32 to index
      %swap3A_120 = arith.constant 432 : index
      %swap3A_121 = tpu.vector_load %arg7[%swap3A_119, %swap3A_120] {strides = array<i32>} : memref<16x512xf32, #tpu.memory_space<vmem>>, vector<16xf32>,
      tpu.vector_store %arg7[%swap3A_119, %swap3A_120], %broadcast_in_dim3A_12 {strides = array<i32>} : memref<16x512xf32, #tpu.memory_space<vmem>>, vector<16xf32>,
      %swap3A_122 = arith.index_cast %add3A_38 : i32 to index
      %swap3A_123 = arith.constant 448 : index
      %swap3A_124 = tpu.vector_load %arg7[%swap3A_122, %swap3A_123] {strides = array<i32>} : memref<16x512xf32, #tpu.memory_space<vmem>>, vector<16xf32>,
      tpu.vector_store %arg7[%swap3A_122, %swap3A_123], %broadcast_in_dim3A_12 {strides = array<i32>} : memref<16x512xf32, #tpu.memory_space<vmem>>, vector<16xf32>,
      %swap3A_125 = arith.index_cast %add3A_38 : i32 to index
      %swap3A_126 = arith.constant 464 : index
      %swap3A_127 = tpu.vector_load %arg7[%swap3A_125, %swap3A_126] {strides = array<i32>} : memref<16x512xf32, #tpu.memory_space<vmem>>, vector<16xf32>,
      tpu.vector_store %arg7[%swap3A_125, %swap3A_126], %broadcast_in_dim3A_12 {strides = array<i32>} : memref<16x512xf32, #tpu.memory_space<vmem>>, vector<16xf32>,
      %swap3A_128 = arith.index_cast %add3A_38 : i32 to index
      %swap3A_129 = arith.constant 480 : index
      %swap3A_130 = tpu.vector_load %arg7[%swap3A_128, %swap3A_129] {strides = array<i32>} : memref<16x512xf32, #tpu.memory_space<vmem>>, vector<16xf32>,
      tpu.vector_store %arg7[%swap3A_128, %swap3A_129], %broadcast_in_dim3A_12 {strides = array<i32>} : memref<16x512xf32, #tpu.memory_space<vmem>>, vector<16xf32>,
      %swap3A_131 = arith.index_cast %add3A_38 : i32 to index
      %swap3A_132 = arith.constant 496 : index
      %swap3A_133 = tpu.vector_load %arg7[%swap3A_131, %swap3A_132] {strides = array<i32>} : memref<16x512xf32, #tpu.memory_space<vmem>>, vector<16xf32>,
      tpu.vector_store %arg7[%swap3A_131, %swap3A_132], %broadcast_in_dim3A_12 {strides = array<i32>} : memref<16x512xf32, #tpu.memory_space<vmem>>, vector<16xf32>,
    }
    %scan3A_16 = arith.constant 16 : i32
    %dma_wait3A = arith.constant 0 : i32
    %dma_wait3A_17 = tpu.memref_slice %arg2[%add3A_4, %dma_wait3A] : memref<2500x128xi32, #tpu.memory_space<hbm>> -> memref<24x128xi32, #tpu.memory_space<hbm>>
    %dma_wait3A_18 = arith.constant 0 : i32
    %dma_wait3A_19 = tpu.memref_slice %arg2[%add3A_4, %dma_wait3A_18] : memref<2500x128xi32, #tpu.memory_space<hbm>> -> memref<24x128xi32, #tpu.memory_space<hbm>>
    tpu.wait_dma2 semaphore(%arg9 : memref<!tpu.dma_semaphore, #tpu.memory_space<semaphore_mem>>) src(%dma_wait3A_19 : memref<24x128xi32, #tpu.memory_space<hbm>>) dst(%arg5 : memref<24x128xi32, #tpu.memory_space<vmem>>)
    %dma_wait3A_20 = arith.constant 0 : i32
    %dma_wait3A_21 = tpu.memref_slice %arg3[%mul3A_2, %dma_wait3A_20] : memref<768x128xf32, #tpu.memory_space<hbm>> -> memref<24x128xf32, #tpu.memory_space<hbm>>
    %dma_wait3A_22 = arith.constant 0 : i32
    %dma_wait3A_23 = tpu.memref_slice %arg3[%mul3A_2, %dma_wait3A_22] : memref<768x128xf32, #tpu.memory_space<hbm>> -> memref<24x128xf32, #tpu.memory_space<hbm>>
    tpu.wait_dma2 semaphore(%arg9 : memref<!tpu.dma_semaphore, #tpu.memory_space<semaphore_mem>>) src(%dma_wait3A_23 : memref<24x128xf32, #tpu.memory_space<hbm>>) dst(%arg6 : memref<24x128xf32, #tpu.memory_space<vmem>>)
    %iota3A = tpu.iota {dimensions = array<i32: 0>} : vector<16xi32>
    %scan3A_24 = arith.constant 0 : i32
    %scan3A_25 = arith.constant 24 : i32
    %scan3A_26 = arith.addi %scan3A_24, %scan3A_25 : i32
    %scan3A_27 = arith.constant 1 : i32
    scf.for %scan3A_34 = %scan3A_24 to %scan3A_26 step %scan3A_27  : i32 {
      %mul3A_35 = arith.constant 1 : i32
      %mul3A_36 = arith.muli %scan3A_34, %mul3A_35 : i32
      %add3A_37 = arith.constant 0 : i32
      %add3A_38 = arith.addi %add3A_37, %mul3A_36 : i32
      %get3A = arith.index_cast %add3A_38 : i32 to index
      %get3A_39 = arith.constant 0 : index
      %get3A_40 = tpu.vector_load %arg5[%get3A, %get3A_39] {strides = array<i32>} : memref<24x128xi32, #tpu.memory_space<vmem>>, vector<16xi32>,
      %get3A_41 = arith.index_cast %add3A_38 : i32 to index
      %get3A_42 = arith.constant 0 : index
      %get3A_43 = tpu.vector_load %arg6[%get3A_41, %get3A_42] {strides = array<i32>} : memref<24x128xf32, #tpu.memory_space<vmem>>, vector<16xf32>,
      tpu.vector_store_idx %arg7[%iota3A, %get3A_40], %get3A_43 {add = true} : memref<16x512xf32, #tpu.memory_space<vmem>>[vector<16xi32>, vector<16xi32>], vector<16xf32>,
      %get3A_44 = arith.index_cast %add3A_38 : i32 to index
      %get3A_45 = arith.constant 16 : index
      %get3A_46 = tpu.vector_load %arg5[%get3A_44, %get3A_45] {strides = array<i32>} : memref<24x128xi32, #tpu.memory_space<vmem>>, vector<16xi32>,
      %get3A_47 = arith.index_cast %add3A_38 : i32 to index
      %get3A_48 = arith.constant 16 : index
      %get3A_49 = tpu.vector_load %arg6[%get3A_47, %get3A_48] {strides = array<i32>} : memref<24x128xf32, #tpu.memory_space<vmem>>, vector<16xf32>,
      tpu.vector_store_idx %arg7[%iota3A, %get3A_46], %get3A_49 {add = true} : memref<16x512xf32, #tpu.memory_space<vmem>>[vector<16xi32>, vector<16xi32>], vector<16xf32>,
      %get3A_50 = arith.index_cast %add3A_38 : i32 to index
      %get3A_51 = arith.constant 32 : index
      %get3A_52 = tpu.vector_load %arg5[%get3A_50, %get3A_51] {strides = array<i32>} : memref<24x128xi32, #tpu.memory_space<vmem>>, vector<16xi32>,
      %get3A_53 = arith.index_cast %add3A_38 : i32 to index
      %get3A_54 = arith.constant 32 : index
      %get3A_55 = tpu.vector_load %arg6[%get3A_53, %get3A_54] {strides = array<i32>} : memref<24x128xf32, #tpu.memory_space<vmem>>, vector<16xf32>,
      tpu.vector_store_idx %arg7[%iota3A, %get3A_52], %get3A_55 {add = true} : memref<16x512xf32, #tpu.memory_space<vmem>>[vector<16xi32>, vector<16xi32>], vector<16xf32>,
      %get3A_56 = arith.index_cast %add3A_38 : i32 to index
      %get3A_57 = arith.constant 48 : index
      %get3A_58 = tpu.vector_load %arg5[%get3A_56, %get3A_57] {strides = array<i32>} : memref<24x128xi32, #tpu.memory_space<vmem>>, vector<16xi32>,
      %get3A_59 = arith.index_cast %add3A_38 : i32 to index
      %get3A_60 = arith.constant 48 : index
      %get3A_61 = tpu.vector_load %arg6[%get3A_59, %get3A_60] {strides = array<i32>} : memref<24x128xf32, #tpu.memory_space<vmem>>, vector<16xf32>,
      tpu.vector_store_idx %arg7[%iota3A, %get3A_58], %get3A_61 {add = true} : memref<16x512xf32, #tpu.memory_space<vmem>>[vector<16xi32>, vector<16xi32>], vector<16xf32>,
      %get3A_62 = arith.index_cast %add3A_38 : i32 to index
      %get3A_63 = arith.constant 64 : index
      %get3A_64 = tpu.vector_load %arg5[%get3A_62, %get3A_63] {strides = array<i32>} : memref<24x128xi32, #tpu.memory_space<vmem>>, vector<16xi32>,
      %get3A_65 = arith.index_cast %add3A_38 : i32 to index
      %get3A_66 = arith.constant 64 : index
      %get3A_67 = tpu.vector_load %arg6[%get3A_65, %get3A_66] {strides = array<i32>} : memref<24x128xf32, #tpu.memory_space<vmem>>, vector<16xf32>,
      tpu.vector_store_idx %arg7[%iota3A, %get3A_64], %get3A_67 {add = true} : memref<16x512xf32, #tpu.memory_space<vmem>>[vector<16xi32>, vector<16xi32>], vector<16xf32>,
      %get3A_68 = arith.index_cast %add3A_38 : i32 to index
      %get3A_69 = arith.constant 80 : index
      %get3A_70 = tpu.vector_load %arg5[%get3A_68, %get3A_69] {strides = array<i32>} : memref<24x128xi32, #tpu.memory_space<vmem>>, vector<16xi32>,
      %get3A_71 = arith.index_cast %add3A_38 : i32 to index
      %get3A_72 = arith.constant 80 : index
      %get3A_73 = tpu.vector_load %arg6[%get3A_71, %get3A_72] {strides = array<i32>} : memref<24x128xf32, #tpu.memory_space<vmem>>, vector<16xf32>,
      tpu.vector_store_idx %arg7[%iota3A, %get3A_70], %get3A_73 {add = true} : memref<16x512xf32, #tpu.memory_space<vmem>>[vector<16xi32>, vector<16xi32>], vector<16xf32>,
      %get3A_74 = arith.index_cast %add3A_38 : i32 to index
      %get3A_75 = arith.constant 96 : index
      %get3A_76 = tpu.vector_load %arg5[%get3A_74, %get3A_75] {strides = array<i32>} : memref<24x128xi32, #tpu.memory_space<vmem>>, vector<16xi32>,
      %get3A_77 = arith.index_cast %add3A_38 : i32 to index
      %get3A_78 = arith.constant 96 : index
      %get3A_79 = tpu.vector_load %arg6[%get3A_77, %get3A_78] {strides = array<i32>} : memref<24x128xf32, #tpu.memory_space<vmem>>, vector<16xf32>,
      tpu.vector_store_idx %arg7[%iota3A, %get3A_76], %get3A_79 {add = true} : memref<16x512xf32, #tpu.memory_space<vmem>>[vector<16xi32>, vector<16xi32>], vector<16xf32>,
      %get3A_80 = arith.index_cast %add3A_38 : i32 to index
      %get3A_81 = arith.constant 112 : index
      %get3A_82 = tpu.vector_load %arg5[%get3A_80, %get3A_81] {strides = array<i32>} : memref<24x128xi32, #tpu.memory_space<vmem>>, vector<16xi32>,
      %get3A_83 = arith.index_cast %add3A_38 : i32 to index
      %get3A_84 = arith.constant 112 : index
      %get3A_85 = tpu.vector_load %arg6[%get3A_83, %get3A_84] {strides = array<i32>} : memref<24x128xf32, #tpu.memory_space<vmem>>, vector<16xf32>,
      tpu.vector_store_idx %arg7[%iota3A, %get3A_82], %get3A_85 {add = true} : memref<16x512xf32, #tpu.memory_space<vmem>>[vector<16xi32>, vector<16xi32>], vector<16xf32>,
    }
    %scan3A_28 = arith.constant 24 : i32
    %scan3A_29 = arith.constant 0 : i32
    %scan3A_30 = arith.constant 32 : i32
    %scan3A_31 = arith.addi %scan3A_29, %scan3A_30 : i32
    %scan3A_32 = arith.constant 1 : i32
    scf.for %scan3A_34 = %scan3A_29 to %scan3A_31 step %scan3A_32  : i32 {
      %mul3A_35 = arith.constant 16 : i32
      %mul3A_36 = arith.muli %scan3A_34, %mul3A_35 : i32
      %add3A_37 = arith.constant 0 : i32
      %add3A_38 = arith.addi %add3A_37, %mul3A_36 : i32
      %get3A = arith.constant 0 : i32
      %get3A_39 = arith.index_cast %get3A : i32 to index
      %get3A_40 = arith.index_cast %add3A_38 : i32 to index
      %get3A_41 = tpu.vector_load %arg7[%get3A_39, %get3A_40] {strides = array<i32>} : memref<16x512xf32, #tpu.memory_space<vmem>>, vector<16xf32>,
      %get3A_42 = arith.constant 1 : i32
      %get3A_43 = arith.index_cast %get3A_42 : i32 to index
      %get3A_44 = arith.index_cast %add3A_38 : i32 to index
      %get3A_45 = tpu.vector_load %arg7[%get3A_43, %get3A_44] {strides = array<i32>} : memref<16x512xf32, #tpu.memory_space<vmem>>, vector<16xf32>,
      %add3A_46 = arith.addf %get3A_41, %get3A_45 : vector<16xf32>
      %get3A_47 = arith.constant 2 : i32
      %get3A_48 = arith.index_cast %get3A_47 : i32 to index
      %get3A_49 = arith.index_cast %add3A_38 : i32 to index
      %get3A_50 = tpu.vector_load %arg7[%get3A_48, %get3A_49] {strides = array<i32>} : memref<16x512xf32, #tpu.memory_space<vmem>>, vector<16xf32>,
      %add3A_51 = arith.addf %add3A_46, %get3A_50 : vector<16xf32>
      %get3A_52 = arith.constant 3 : i32
      %get3A_53 = arith.index_cast %get3A_52 : i32 to index
      %get3A_54 = arith.index_cast %add3A_38 : i32 to index
      %get3A_55 = tpu.vector_load %arg7[%get3A_53, %get3A_54] {strides = array<i32>} : memref<16x512xf32, #tpu.memory_space<vmem>>, vector<16xf32>,
      %add3A_56 = arith.addf %add3A_51, %get3A_55 : vector<16xf32>
      %get3A_57 = arith.constant 4 : i32
      %get3A_58 = arith.index_cast %get3A_57 : i32 to index
      %get3A_59 = arith.index_cast %add3A_38 : i32 to index
      %get3A_60 = tpu.vector_load %arg7[%get3A_58, %get3A_59] {strides = array<i32>} : memref<16x512xf32, #tpu.memory_space<vmem>>, vector<16xf32>,
      %add3A_61 = arith.addf %add3A_56, %get3A_60 : vector<16xf32>
      %get3A_62 = arith.constant 5 : i32
      %get3A_63 = arith.index_cast %get3A_62 : i32 to index
      %get3A_64 = arith.index_cast %add3A_38 : i32 to index
      %get3A_65 = tpu.vector_load %arg7[%get3A_63, %get3A_64] {strides = array<i32>} : memref<16x512xf32, #tpu.memory_space<vmem>>, vector<16xf32>,
      %add3A_66 = arith.addf %add3A_61, %get3A_65 : vector<16xf32>
      %get3A_67 = arith.constant 6 : i32
      %get3A_68 = arith.index_cast %get3A_67 : i32 to index
      %get3A_69 = arith.index_cast %add3A_38 : i32 to index
      %get3A_70 = tpu.vector_load %arg7[%get3A_68, %get3A_69] {strides = array<i32>} : memref<16x512xf32, #tpu.memory_space<vmem>>, vector<16xf32>,
      %add3A_71 = arith.addf %add3A_66, %get3A_70 : vector<16xf32>
      %get3A_72 = arith.constant 7 : i32
      %get3A_73 = arith.index_cast %get3A_72 : i32 to index
      %get3A_74 = arith.index_cast %add3A_38 : i32 to index
      %get3A_75 = tpu.vector_load %arg7[%get3A_73, %get3A_74] {strides = array<i32>} : memref<16x512xf32, #tpu.memory_space<vmem>>, vector<16xf32>,
      %add3A_76 = arith.addf %add3A_71, %get3A_75 : vector<16xf32>
      %get3A_77 = arith.constant 8 : i32
      %get3A_78 = arith.index_cast %get3A_77 : i32 to index
      %get3A_79 = arith.index_cast %add3A_38 : i32 to index
      %get3A_80 = tpu.vector_load %arg7[%get3A_78, %get3A_79] {strides = array<i32>} : memref<16x512xf32, #tpu.memory_space<vmem>>, vector<16xf32>,
      %add3A_81 = arith.addf %add3A_76, %get3A_80 : vector<16xf32>
      %get3A_82 = arith.constant 9 : i32
      %get3A_83 = arith.index_cast %get3A_82 : i32 to index
      %get3A_84 = arith.index_cast %add3A_38 : i32 to index
      %get3A_85 = tpu.vector_load %arg7[%get3A_83, %get3A_84] {strides = array<i32>} : memref<16x512xf32, #tpu.memory_space<vmem>>, vector<16xf32>,
      %add3A_86 = arith.addf %add3A_81, %get3A_85 : vector<16xf32>
      %get3A_87 = arith.constant 10 : i32
      %get3A_88 = arith.index_cast %get3A_87 : i32 to index
      %get3A_89 = arith.index_cast %add3A_38 : i32 to index
      %get3A_90 = tpu.vector_load %arg7[%get3A_88, %get3A_89] {strides = array<i32>} : memref<16x512xf32, #tpu.memory_space<vmem>>, vector<16xf32>,
      %add3A_91 = arith.addf %add3A_86, %get3A_90 : vector<16xf32>
      %get3A_92 = arith.constant 11 : i32
      %get3A_93 = arith.index_cast %get3A_92 : i32 to index
      %get3A_94 = arith.index_cast %add3A_38 : i32 to index
      %get3A_95 = tpu.vector_load %arg7[%get3A_93, %get3A_94] {strides = array<i32>} : memref<16x512xf32, #tpu.memory_space<vmem>>, vector<16xf32>,
      %add3A_96 = arith.addf %add3A_91, %get3A_95 : vector<16xf32>
      %get3A_97 = arith.constant 12 : i32
      %get3A_98 = arith.index_cast %get3A_97 : i32 to index
      %get3A_99 = arith.index_cast %add3A_38 : i32 to index
      %get3A_100 = tpu.vector_load %arg7[%get3A_98, %get3A_99] {strides = array<i32>} : memref<16x512xf32, #tpu.memory_space<vmem>>, vector<16xf32>,
      %add3A_101 = arith.addf %add3A_96, %get3A_100 : vector<16xf32>
      %get3A_102 = arith.constant 13 : i32
      %get3A_103 = arith.index_cast %get3A_102 : i32 to index
      %get3A_104 = arith.index_cast %add3A_38 : i32 to index
      %get3A_105 = tpu.vector_load %arg7[%get3A_103, %get3A_104] {strides = array<i32>} : memref<16x512xf32, #tpu.memory_space<vmem>>, vector<16xf32>,
      %add3A_106 = arith.addf %add3A_101, %get3A_105 : vector<16xf32>
      %get3A_107 = arith.constant 14 : i32
      %get3A_108 = arith.index_cast %get3A_107 : i32 to index
      %get3A_109 = arith.index_cast %add3A_38 : i32 to index
      %get3A_110 = tpu.vector_load %arg7[%get3A_108, %get3A_109] {strides = array<i32>} : memref<16x512xf32, #tpu.memory_space<vmem>>, vector<16xf32>,
      %add3A_111 = arith.addf %add3A_106, %get3A_110 : vector<16xf32>
      %get3A_112 = arith.constant 15 : i32
      %get3A_113 = arith.index_cast %get3A_112 : i32 to index
      %get3A_114 = arith.index_cast %add3A_38 : i32 to index
      %get3A_115 = tpu.vector_load %arg7[%get3A_113, %get3A_114] {strides = array<i32>} : memref<16x512xf32, #tpu.memory_space<vmem>>, vector<16xf32>,
      %add3A_116 = arith.addf %add3A_111, %get3A_115 : vector<16xf32>
      %swap3A = arith.index_cast %add3A_38 : i32 to index
      %swap3A_117 = tpu.vector_load %arg8[%swap3A] {strides = array<i32>} : memref<512xf32, #tpu.memory_space<vmem>>, vector<16xf32>,
      tpu.vector_store %arg8[%swap3A], %add3A_116 {strides = array<i32>} : memref<512xf32, #tpu.memory_space<vmem>>, vector<16xf32>,
    }
    %scan3A_33 = arith.constant 32 : i32
    "tpu.region"() ({
      %run_scoped3A = tpu.sem_alloc : memref<!tpu.dma_semaphore, #tpu.memory_space<semaphore_mem>>
      %dma_start3A_34 = arith.constant 0 : i32
      %dma_start3A_35 = tpu.memref_slice %arg4[%add3A, %dma_start3A_34] : memref<32x512xf32, #tpu.memory_space<hbm>> -> memref<1x512xf32, #tpu.memory_space<hbm>>
      %dma_start3A_36 = tpu.memref_squeeze %dma_start3A_35 : memref<1x512xf32, #tpu.memory_space<hbm>> -> memref<512xf32, #tpu.memory_space<hbm>>
      %dma_start3A_37 = arith.constant 0 : i32
      %dma_start3A_38 = tpu.memref_slice %arg4[%add3A, %dma_start3A_37] : memref<32x512xf32, #tpu.memory_space<hbm>> -> memref<1x512xf32, #tpu.memory_space<hbm>>
      %dma_start3A_39 = tpu.memref_squeeze %dma_start3A_38 : memref<1x512xf32, #tpu.memory_space<hbm>> -> memref<512xf32, #tpu.memory_space<hbm>>
      tpu.enqueue_dma source(%arg8 : memref<512xf32, #tpu.memory_space<vmem>>) target(%dma_start3A_39 : memref<512xf32, #tpu.memory_space<hbm>>) target_semaphore(%run_scoped3A : memref<!tpu.dma_semaphore, #tpu.memory_space<semaphore_mem>>)
      %dma_wait3A_40 = arith.constant 0 : i32
      %dma_wait3A_41 = tpu.memref_slice %arg4[%add3A, %dma_wait3A_40] : memref<32x512xf32, #tpu.memory_space<hbm>> -> memref<1x512xf32, #tpu.memory_space<hbm>>
      %dma_wait3A_42 = tpu.memref_squeeze %dma_wait3A_41 : memref<1x512xf32, #tpu.memory_space<hbm>> -> memref<512xf32, #tpu.memory_space<hbm>>
      %dma_wait3A_43 = arith.constant 0 : i32
      %dma_wait3A_44 = tpu.memref_slice %arg4[%add3A, %dma_wait3A_43] : memref<32x512xf32, #tpu.memory_space<hbm>> -> memref<1x512xf32, #tpu.memory_space<hbm>>
      %dma_wait3A_45 = tpu.memref_squeeze %dma_wait3A_44 : memref<1x512xf32, #tpu.memory_space<hbm>> -> memref<512xf32, #tpu.memory_space<hbm>>
      tpu.wait_dma2 semaphore(%run_scoped3A : memref<!tpu.dma_semaphore, #tpu.memory_space<semaphore_mem>>) src(%arg8 : memref<512xf32, #tpu.memory_space<vmem>>) dst(%dma_wait3A_45 : memref<512xf32, #tpu.memory_space<hbm>>)
      tpu.yield
    }) : () -> ()
    return
  }
}

#map = affine_map<(d0, d1) -> (0, 0)>
module attributes {stable_mosaic.version = 14 : i64} {
  func.func @_segsum_body(%arg0: i32, %arg1: i32, %arg2: memref<2500x128xi32, #tpu.memory_space<hbm>>, %arg3: memref<768x128xf32, #tpu.memory_space<hbm>>, %arg4: memref<32x512xf32, #tpu.memory_space<hbm>>, %arg5: memref<24x128xi32, #tpu.memory_space<vmem>>, %arg6: memref<24x128xf32, #tpu.memory_space<vmem>>, %arg7: memref<16x512xf32, #tpu.memory_space<vmem>>, %arg8: memref<512xf32, #tpu.memory_space<vmem>>, %arg9: memref<!tpu.dma_semaphore, #tpu.memory_space<semaphore_mem>>) attributes {dimension_semantics = [#tpu.dimension_semantics<core_parallel>, #tpu.dimension_semantics<subcore_parallel>], iteration_bounds = array<i64: 2, 16>, scalar_prefetch = 0 : i64, scratch_operands = 5 : i64, tpu.core_type = #tpu.core_type<sc_vector_subcore>, window_params = [{transform_indices = #map}, {transform_indices = #map}, {transform_indices = #map}]} {
    %mul3A = arith.constant 2 : i32
    %mul3A_0 = arith.muli %arg1, %mul3A : i32
    %add3A = arith.addi %mul3A_0, %arg0 : i32
    %mul3A_1 = arith.constant 24 : i32
    %mul3A_2 = arith.muli %add3A, %mul3A_1 : i32
    %add3A_3 = arith.constant 1536 : i32
    %add3A_4 = arith.addi %add3A_3, %mul3A_2 : i32
    %dma_start3A = arith.constant 0 : i32
    %dma_start3A_5 = tpu.memref_slice %arg2[%add3A_4, %dma_start3A] : memref<2500x128xi32, #tpu.memory_space<hbm>> -> memref<24x128xi32, #tpu.memory_space<hbm>>
    %dma_start3A_6 = arith.constant 0 : i32
    %dma_start3A_7 = tpu.memref_slice %arg2[%add3A_4, %dma_start3A_6] : memref<2500x128xi32, #tpu.memory_space<hbm>> -> memref<24x128xi32, #tpu.memory_space<hbm>>
    tpu.enqueue_dma source(%dma_start3A_7 : memref<24x128xi32, #tpu.memory_space<hbm>>) target(%arg5 : memref<24x128xi32, #tpu.memory_space<vmem>>) target_semaphore(%arg9 : memref<!tpu.dma_semaphore, #tpu.memory_space<semaphore_mem>>)
    %dma_start3A_8 = arith.constant 0 : i32
    %dma_start3A_9 = tpu.memref_slice %arg3[%mul3A_2, %dma_start3A_8] : memref<768x128xf32, #tpu.memory_space<hbm>> -> memref<24x128xf32, #tpu.memory_space<hbm>>
    %dma_start3A_10 = arith.constant 0 : i32
    %dma_start3A_11 = tpu.memref_slice %arg3[%mul3A_2, %dma_start3A_10] : memref<768x128xf32, #tpu.memory_space<hbm>> -> memref<24x128xf32, #tpu.memory_space<hbm>>
    tpu.enqueue_dma source(%dma_start3A_11 : memref<24x128xf32, #tpu.memory_space<hbm>>) target(%arg6 : memref<24x128xf32, #tpu.memory_space<vmem>>) target_semaphore(%arg9 : memref<!tpu.dma_semaphore, #tpu.memory_space<semaphore_mem>>)
    %broadcast_in_dim3A = arith.constant 0.000000e+00 : f32
    %broadcast_in_dim3A_12 = vector.broadcast %broadcast_in_dim3A : f32 to vector<16xf32>
    %scan3A = arith.constant 0 : i32
    %scan3A_13 = arith.constant 16 : i32
    %scan3A_14 = arith.addi %scan3A, %scan3A_13 : i32
    %scan3A_15 = arith.constant 1 : i32
    scf.for %scan3A_34 = %scan3A to %scan3A_14 step %scan3A_15  : i32 {
      %mul3A_35 = arith.constant 1 : i32
      %mul3A_36 = arith.muli %scan3A_34, %mul3A_35 : i32
      %add3A_37 = arith.constant 0 : i32
      %add3A_38 = arith.addi %add3A_37, %mul3A_36 : i32
      %swap3A = arith.index_cast %add3A_38 : i32 to index
      %swap3A_39 = arith.constant 0 : index
      %swap3A_40 = tpu.vector_load %arg7[%swap3A, %swap3A_39] {strides = array<i32>} : memref<16x512xf32, #tpu.memory_space<vmem>>, vector<16xf32>,
      tpu.vector_store %arg7[%swap3A, %swap3A_39], %broadcast_in_dim3A_12 {strides = array<i32>} : memref<16x512xf32, #tpu.memory_space<vmem>>, vector<16xf32>,
      %swap3A_41 = arith.index_cast %add3A_38 : i32 to index
      %swap3A_42 = arith.constant 16 : index
      %swap3A_43 = tpu.vector_load %arg7[%swap3A_41, %swap3A_42] {strides = array<i32>} : memref<16x512xf32, #tpu.memory_space<vmem>>, vector<16xf32>,
      tpu.vector_store %arg7[%swap3A_41, %swap3A_42], %broadcast_in_dim3A_12 {strides = array<i32>} : memref<16x512xf32, #tpu.memory_space<vmem>>, vector<16xf32>,
      %swap3A_44 = arith.index_cast %add3A_38 : i32 to index
      %swap3A_45 = arith.constant 32 : index
      %swap3A_46 = tpu.vector_load %arg7[%swap3A_44, %swap3A_45] {strides = array<i32>} : memref<16x512xf32, #tpu.memory_space<vmem>>, vector<16xf32>,
      tpu.vector_store %arg7[%swap3A_44, %swap3A_45], %broadcast_in_dim3A_12 {strides = array<i32>} : memref<16x512xf32, #tpu.memory_space<vmem>>, vector<16xf32>,
      %swap3A_47 = arith.index_cast %add3A_38 : i32 to index
      %swap3A_48 = arith.constant 48 : index
      %swap3A_49 = tpu.vector_load %arg7[%swap3A_47, %swap3A_48] {strides = array<i32>} : memref<16x512xf32, #tpu.memory_space<vmem>>, vector<16xf32>,
      tpu.vector_store %arg7[%swap3A_47, %swap3A_48], %broadcast_in_dim3A_12 {strides = array<i32>} : memref<16x512xf32, #tpu.memory_space<vmem>>, vector<16xf32>,
      %swap3A_50 = arith.index_cast %add3A_38 : i32 to index
      %swap3A_51 = arith.constant 64 : index
      %swap3A_52 = tpu.vector_load %arg7[%swap3A_50, %swap3A_51] {strides = array<i32>} : memref<16x512xf32, #tpu.memory_space<vmem>>, vector<16xf32>,
      tpu.vector_store %arg7[%swap3A_50, %swap3A_51], %broadcast_in_dim3A_12 {strides = array<i32>} : memref<16x512xf32, #tpu.memory_space<vmem>>, vector<16xf32>,
      %swap3A_53 = arith.index_cast %add3A_38 : i32 to index
      %swap3A_54 = arith.constant 80 : index
      %swap3A_55 = tpu.vector_load %arg7[%swap3A_53, %swap3A_54] {strides = array<i32>} : memref<16x512xf32, #tpu.memory_space<vmem>>, vector<16xf32>,
      tpu.vector_store %arg7[%swap3A_53, %swap3A_54], %broadcast_in_dim3A_12 {strides = array<i32>} : memref<16x512xf32, #tpu.memory_space<vmem>>, vector<16xf32>,
      %swap3A_56 = arith.index_cast %add3A_38 : i32 to index
      %swap3A_57 = arith.constant 96 : index
      %swap3A_58 = tpu.vector_load %arg7[%swap3A_56, %swap3A_57] {strides = array<i32>} : memref<16x512xf32, #tpu.memory_space<vmem>>, vector<16xf32>,
      tpu.vector_store %arg7[%swap3A_56, %swap3A_57], %broadcast_in_dim3A_12 {strides = array<i32>} : memref<16x512xf32, #tpu.memory_space<vmem>>, vector<16xf32>,
      %swap3A_59 = arith.index_cast %add3A_38 : i32 to index
      %swap3A_60 = arith.constant 112 : index
      %swap3A_61 = tpu.vector_load %arg7[%swap3A_59, %swap3A_60] {strides = array<i32>} : memref<16x512xf32, #tpu.memory_space<vmem>>, vector<16xf32>,
      tpu.vector_store %arg7[%swap3A_59, %swap3A_60], %broadcast_in_dim3A_12 {strides = array<i32>} : memref<16x512xf32, #tpu.memory_space<vmem>>, vector<16xf32>,
      %swap3A_62 = arith.index_cast %add3A_38 : i32 to index
      %swap3A_63 = arith.constant 128 : index
      %swap3A_64 = tpu.vector_load %arg7[%swap3A_62, %swap3A_63] {strides = array<i32>} : memref<16x512xf32, #tpu.memory_space<vmem>>, vector<16xf32>,
      tpu.vector_store %arg7[%swap3A_62, %swap3A_63], %broadcast_in_dim3A_12 {strides = array<i32>} : memref<16x512xf32, #tpu.memory_space<vmem>>, vector<16xf32>,
      %swap3A_65 = arith.index_cast %add3A_38 : i32 to index
      %swap3A_66 = arith.constant 144 : index
      %swap3A_67 = tpu.vector_load %arg7[%swap3A_65, %swap3A_66] {strides = array<i32>} : memref<16x512xf32, #tpu.memory_space<vmem>>, vector<16xf32>,
      tpu.vector_store %arg7[%swap3A_65, %swap3A_66], %broadcast_in_dim3A_12 {strides = array<i32>} : memref<16x512xf32, #tpu.memory_space<vmem>>, vector<16xf32>,
      %swap3A_68 = arith.index_cast %add3A_38 : i32 to index
      %swap3A_69 = arith.constant 160 : index
      %swap3A_70 = tpu.vector_load %arg7[%swap3A_68, %swap3A_69] {strides = array<i32>} : memref<16x512xf32, #tpu.memory_space<vmem>>, vector<16xf32>,
      tpu.vector_store %arg7[%swap3A_68, %swap3A_69], %broadcast_in_dim3A_12 {strides = array<i32>} : memref<16x512xf32, #tpu.memory_space<vmem>>, vector<16xf32>,
      %swap3A_71 = arith.index_cast %add3A_38 : i32 to index
      %swap3A_72 = arith.constant 176 : index
      %swap3A_73 = tpu.vector_load %arg7[%swap3A_71, %swap3A_72] {strides = array<i32>} : memref<16x512xf32, #tpu.memory_space<vmem>>, vector<16xf32>,
      tpu.vector_store %arg7[%swap3A_71, %swap3A_72], %broadcast_in_dim3A_12 {strides = array<i32>} : memref<16x512xf32, #tpu.memory_space<vmem>>, vector<16xf32>,
      %swap3A_74 = arith.index_cast %add3A_38 : i32 to index
      %swap3A_75 = arith.constant 192 : index
      %swap3A_76 = tpu.vector_load %arg7[%swap3A_74, %swap3A_75] {strides = array<i32>} : memref<16x512xf32, #tpu.memory_space<vmem>>, vector<16xf32>,
      tpu.vector_store %arg7[%swap3A_74, %swap3A_75], %broadcast_in_dim3A_12 {strides = array<i32>} : memref<16x512xf32, #tpu.memory_space<vmem>>, vector<16xf32>,
      %swap3A_77 = arith.index_cast %add3A_38 : i32 to index
      %swap3A_78 = arith.constant 208 : index
      %swap3A_79 = tpu.vector_load %arg7[%swap3A_77, %swap3A_78] {strides = array<i32>} : memref<16x512xf32, #tpu.memory_space<vmem>>, vector<16xf32>,
      tpu.vector_store %arg7[%swap3A_77, %swap3A_78], %broadcast_in_dim3A_12 {strides = array<i32>} : memref<16x512xf32, #tpu.memory_space<vmem>>, vector<16xf32>,
      %swap3A_80 = arith.index_cast %add3A_38 : i32 to index
      %swap3A_81 = arith.constant 224 : index
      %swap3A_82 = tpu.vector_load %arg7[%swap3A_80, %swap3A_81] {strides = array<i32>} : memref<16x512xf32, #tpu.memory_space<vmem>>, vector<16xf32>,
      tpu.vector_store %arg7[%swap3A_80, %swap3A_81], %broadcast_in_dim3A_12 {strides = array<i32>} : memref<16x512xf32, #tpu.memory_space<vmem>>, vector<16xf32>,
      %swap3A_83 = arith.index_cast %add3A_38 : i32 to index
      %swap3A_84 = arith.constant 240 : index
      %swap3A_85 = tpu.vector_load %arg7[%swap3A_83, %swap3A_84] {strides = array<i32>} : memref<16x512xf32, #tpu.memory_space<vmem>>, vector<16xf32>,
      tpu.vector_store %arg7[%swap3A_83, %swap3A_84], %broadcast_in_dim3A_12 {strides = array<i32>} : memref<16x512xf32, #tpu.memory_space<vmem>>, vector<16xf32>,
      %swap3A_86 = arith.index_cast %add3A_38 : i32 to index
      %swap3A_87 = arith.constant 256 : index
      %swap3A_88 = tpu.vector_load %arg7[%swap3A_86, %swap3A_87] {strides = array<i32>} : memref<16x512xf32, #tpu.memory_space<vmem>>, vector<16xf32>,
      tpu.vector_store %arg7[%swap3A_86, %swap3A_87], %broadcast_in_dim3A_12 {strides = array<i32>} : memref<16x512xf32, #tpu.memory_space<vmem>>, vector<16xf32>,
      %swap3A_89 = arith.index_cast %add3A_38 : i32 to index
      %swap3A_90 = arith.constant 272 : index
      %swap3A_91 = tpu.vector_load %arg7[%swap3A_89, %swap3A_90] {strides = array<i32>} : memref<16x512xf32, #tpu.memory_space<vmem>>, vector<16xf32>,
      tpu.vector_store %arg7[%swap3A_89, %swap3A_90], %broadcast_in_dim3A_12 {strides = array<i32>} : memref<16x512xf32, #tpu.memory_space<vmem>>, vector<16xf32>,
      %swap3A_92 = arith.index_cast %add3A_38 : i32 to index
      %swap3A_93 = arith.constant 288 : index
      %swap3A_94 = tpu.vector_load %arg7[%swap3A_92, %swap3A_93] {strides = array<i32>} : memref<16x512xf32, #tpu.memory_space<vmem>>, vector<16xf32>,
      tpu.vector_store %arg7[%swap3A_92, %swap3A_93], %broadcast_in_dim3A_12 {strides = array<i32>} : memref<16x512xf32, #tpu.memory_space<vmem>>, vector<16xf32>,
      %swap3A_95 = arith.index_cast %add3A_38 : i32 to index
      %swap3A_96 = arith.constant 304 : index
      %swap3A_97 = tpu.vector_load %arg7[%swap3A_95, %swap3A_96] {strides = array<i32>} : memref<16x512xf32, #tpu.memory_space<vmem>>, vector<16xf32>,
      tpu.vector_store %arg7[%swap3A_95, %swap3A_96], %broadcast_in_dim3A_12 {strides = array<i32>} : memref<16x512xf32, #tpu.memory_space<vmem>>, vector<16xf32>,
      %swap3A_98 = arith.index_cast %add3A_38 : i32 to index
      %swap3A_99 = arith.constant 320 : index
      %swap3A_100 = tpu.vector_load %arg7[%swap3A_98, %swap3A_99] {strides = array<i32>} : memref<16x512xf32, #tpu.memory_space<vmem>>, vector<16xf32>,
      tpu.vector_store %arg7[%swap3A_98, %swap3A_99], %broadcast_in_dim3A_12 {strides = array<i32>} : memref<16x512xf32, #tpu.memory_space<vmem>>, vector<16xf32>,
      %swap3A_101 = arith.index_cast %add3A_38 : i32 to index
      %swap3A_102 = arith.constant 336 : index
      %swap3A_103 = tpu.vector_load %arg7[%swap3A_101, %swap3A_102] {strides = array<i32>} : memref<16x512xf32, #tpu.memory_space<vmem>>, vector<16xf32>,
      tpu.vector_store %arg7[%swap3A_101, %swap3A_102], %broadcast_in_dim3A_12 {strides = array<i32>} : memref<16x512xf32, #tpu.memory_space<vmem>>, vector<16xf32>,
      %swap3A_104 = arith.index_cast %add3A_38 : i32 to index
      %swap3A_105 = arith.constant 352 : index
      %swap3A_106 = tpu.vector_load %arg7[%swap3A_104, %swap3A_105] {strides = array<i32>} : memref<16x512xf32, #tpu.memory_space<vmem>>, vector<16xf32>,
      tpu.vector_store %arg7[%swap3A_104, %swap3A_105], %broadcast_in_dim3A_12 {strides = array<i32>} : memref<16x512xf32, #tpu.memory_space<vmem>>, vector<16xf32>,
      %swap3A_107 = arith.index_cast %add3A_38 : i32 to index
      %swap3A_108 = arith.constant 368 : index
      %swap3A_109 = tpu.vector_load %arg7[%swap3A_107, %swap3A_108] {strides = array<i32>} : memref<16x512xf32, #tpu.memory_space<vmem>>, vector<16xf32>,
      tpu.vector_store %arg7[%swap3A_107, %swap3A_108], %broadcast_in_dim3A_12 {strides = array<i32>} : memref<16x512xf32, #tpu.memory_space<vmem>>, vector<16xf32>,
      %swap3A_110 = arith.index_cast %add3A_38 : i32 to index
      %swap3A_111 = arith.constant 384 : index
      %swap3A_112 = tpu.vector_load %arg7[%swap3A_110, %swap3A_111] {strides = array<i32>} : memref<16x512xf32, #tpu.memory_space<vmem>>, vector<16xf32>,
      tpu.vector_store %arg7[%swap3A_110, %swap3A_111], %broadcast_in_dim3A_12 {strides = array<i32>} : memref<16x512xf32, #tpu.memory_space<vmem>>, vector<16xf32>,
      %swap3A_113 = arith.index_cast %add3A_38 : i32 to index
      %swap3A_114 = arith.constant 400 : index
      %swap3A_115 = tpu.vector_load %arg7[%swap3A_113, %swap3A_114] {strides = array<i32>} : memref<16x512xf32, #tpu.memory_space<vmem>>, vector<16xf32>,
      tpu.vector_store %arg7[%swap3A_113, %swap3A_114], %broadcast_in_dim3A_12 {strides = array<i32>} : memref<16x512xf32, #tpu.memory_space<vmem>>, vector<16xf32>,
      %swap3A_116 = arith.index_cast %add3A_38 : i32 to index
      %swap3A_117 = arith.constant 416 : index
      %swap3A_118 = tpu.vector_load %arg7[%swap3A_116, %swap3A_117] {strides = array<i32>} : memref<16x512xf32, #tpu.memory_space<vmem>>, vector<16xf32>,
      tpu.vector_store %arg7[%swap3A_116, %swap3A_117], %broadcast_in_dim3A_12 {strides = array<i32>} : memref<16x512xf32, #tpu.memory_space<vmem>>, vector<16xf32>,
      %swap3A_119 = arith.index_cast %add3A_38 : i32 to index
      %swap3A_120 = arith.constant 432 : index
      %swap3A_121 = tpu.vector_load %arg7[%swap3A_119, %swap3A_120] {strides = array<i32>} : memref<16x512xf32, #tpu.memory_space<vmem>>, vector<16xf32>,
      tpu.vector_store %arg7[%swap3A_119, %swap3A_120], %broadcast_in_dim3A_12 {strides = array<i32>} : memref<16x512xf32, #tpu.memory_space<vmem>>, vector<16xf32>,
      %swap3A_122 = arith.index_cast %add3A_38 : i32 to index
      %swap3A_123 = arith.constant 448 : index
      %swap3A_124 = tpu.vector_load %arg7[%swap3A_122, %swap3A_123] {strides = array<i32>} : memref<16x512xf32, #tpu.memory_space<vmem>>, vector<16xf32>,
      tpu.vector_store %arg7[%swap3A_122, %swap3A_123], %broadcast_in_dim3A_12 {strides = array<i32>} : memref<16x512xf32, #tpu.memory_space<vmem>>, vector<16xf32>,
      %swap3A_125 = arith.index_cast %add3A_38 : i32 to index
      %swap3A_126 = arith.constant 464 : index
      %swap3A_127 = tpu.vector_load %arg7[%swap3A_125, %swap3A_126] {strides = array<i32>} : memref<16x512xf32, #tpu.memory_space<vmem>>, vector<16xf32>,
      tpu.vector_store %arg7[%swap3A_125, %swap3A_126], %broadcast_in_dim3A_12 {strides = array<i32>} : memref<16x512xf32, #tpu.memory_space<vmem>>, vector<16xf32>,
      %swap3A_128 = arith.index_cast %add3A_38 : i32 to index
      %swap3A_129 = arith.constant 480 : index
      %swap3A_130 = tpu.vector_load %arg7[%swap3A_128, %swap3A_129] {strides = array<i32>} : memref<16x512xf32, #tpu.memory_space<vmem>>, vector<16xf32>,
      tpu.vector_store %arg7[%swap3A_128, %swap3A_129], %broadcast_in_dim3A_12 {strides = array<i32>} : memref<16x512xf32, #tpu.memory_space<vmem>>, vector<16xf32>,
      %swap3A_131 = arith.index_cast %add3A_38 : i32 to index
      %swap3A_132 = arith.constant 496 : index
      %swap3A_133 = tpu.vector_load %arg7[%swap3A_131, %swap3A_132] {strides = array<i32>} : memref<16x512xf32, #tpu.memory_space<vmem>>, vector<16xf32>,
      tpu.vector_store %arg7[%swap3A_131, %swap3A_132], %broadcast_in_dim3A_12 {strides = array<i32>} : memref<16x512xf32, #tpu.memory_space<vmem>>, vector<16xf32>,
    }
    %scan3A_16 = arith.constant 16 : i32
    %dma_wait3A = arith.constant 0 : i32
    %dma_wait3A_17 = tpu.memref_slice %arg2[%add3A_4, %dma_wait3A] : memref<2500x128xi32, #tpu.memory_space<hbm>> -> memref<24x128xi32, #tpu.memory_space<hbm>>
    %dma_wait3A_18 = arith.constant 0 : i32
    %dma_wait3A_19 = tpu.memref_slice %arg2[%add3A_4, %dma_wait3A_18] : memref<2500x128xi32, #tpu.memory_space<hbm>> -> memref<24x128xi32, #tpu.memory_space<hbm>>
    tpu.wait_dma2 semaphore(%arg9 : memref<!tpu.dma_semaphore, #tpu.memory_space<semaphore_mem>>) src(%dma_wait3A_19 : memref<24x128xi32, #tpu.memory_space<hbm>>) dst(%arg5 : memref<24x128xi32, #tpu.memory_space<vmem>>)
    %dma_wait3A_20 = arith.constant 0 : i32
    %dma_wait3A_21 = tpu.memref_slice %arg3[%mul3A_2, %dma_wait3A_20] : memref<768x128xf32, #tpu.memory_space<hbm>> -> memref<24x128xf32, #tpu.memory_space<hbm>>
    %dma_wait3A_22 = arith.constant 0 : i32
    %dma_wait3A_23 = tpu.memref_slice %arg3[%mul3A_2, %dma_wait3A_22] : memref<768x128xf32, #tpu.memory_space<hbm>> -> memref<24x128xf32, #tpu.memory_space<hbm>>
    tpu.wait_dma2 semaphore(%arg9 : memref<!tpu.dma_semaphore, #tpu.memory_space<semaphore_mem>>) src(%dma_wait3A_23 : memref<24x128xf32, #tpu.memory_space<hbm>>) dst(%arg6 : memref<24x128xf32, #tpu.memory_space<vmem>>)
    %iota3A = tpu.iota {dimensions = array<i32: 0>} : vector<16xi32>
    %scan3A_24 = arith.constant 0 : i32
    %scan3A_25 = arith.constant 24 : i32
    %scan3A_26 = arith.addi %scan3A_24, %scan3A_25 : i32
    %scan3A_27 = arith.constant 1 : i32
    scf.for %scan3A_34 = %scan3A_24 to %scan3A_26 step %scan3A_27  : i32 {
      %mul3A_35 = arith.constant 1 : i32
      %mul3A_36 = arith.muli %scan3A_34, %mul3A_35 : i32
      %add3A_37 = arith.constant 0 : i32
      %add3A_38 = arith.addi %add3A_37, %mul3A_36 : i32
      %get3A = arith.index_cast %add3A_38 : i32 to index
      %get3A_39 = arith.constant 0 : index
      %get3A_40 = tpu.vector_load %arg5[%get3A, %get3A_39] {strides = array<i32>} : memref<24x128xi32, #tpu.memory_space<vmem>>, vector<16xi32>,
      %get3A_41 = arith.index_cast %add3A_38 : i32 to index
      %get3A_42 = arith.constant 0 : index
      %get3A_43 = tpu.vector_load %arg6[%get3A_41, %get3A_42] {strides = array<i32>} : memref<24x128xf32, #tpu.memory_space<vmem>>, vector<16xf32>,
      tpu.vector_store_idx %arg7[%iota3A, %get3A_40], %get3A_43 {add = true} : memref<16x512xf32, #tpu.memory_space<vmem>>[vector<16xi32>, vector<16xi32>], vector<16xf32>,
      %get3A_44 = arith.index_cast %add3A_38 : i32 to index
      %get3A_45 = arith.constant 16 : index
      %get3A_46 = tpu.vector_load %arg5[%get3A_44, %get3A_45] {strides = array<i32>} : memref<24x128xi32, #tpu.memory_space<vmem>>, vector<16xi32>,
      %get3A_47 = arith.index_cast %add3A_38 : i32 to index
      %get3A_48 = arith.constant 16 : index
      %get3A_49 = tpu.vector_load %arg6[%get3A_47, %get3A_48] {strides = array<i32>} : memref<24x128xf32, #tpu.memory_space<vmem>>, vector<16xf32>,
      tpu.vector_store_idx %arg7[%iota3A, %get3A_46], %get3A_49 {add = true} : memref<16x512xf32, #tpu.memory_space<vmem>>[vector<16xi32>, vector<16xi32>], vector<16xf32>,
      %get3A_50 = arith.index_cast %add3A_38 : i32 to index
      %get3A_51 = arith.constant 32 : index
      %get3A_52 = tpu.vector_load %arg5[%get3A_50, %get3A_51] {strides = array<i32>} : memref<24x128xi32, #tpu.memory_space<vmem>>, vector<16xi32>,
      %get3A_53 = arith.index_cast %add3A_38 : i32 to index
      %get3A_54 = arith.constant 32 : index
      %get3A_55 = tpu.vector_load %arg6[%get3A_53, %get3A_54] {strides = array<i32>} : memref<24x128xf32, #tpu.memory_space<vmem>>, vector<16xf32>,
      tpu.vector_store_idx %arg7[%iota3A, %get3A_52], %get3A_55 {add = true} : memref<16x512xf32, #tpu.memory_space<vmem>>[vector<16xi32>, vector<16xi32>], vector<16xf32>,
      %get3A_56 = arith.index_cast %add3A_38 : i32 to index
      %get3A_57 = arith.constant 48 : index
      %get3A_58 = tpu.vector_load %arg5[%get3A_56, %get3A_57] {strides = array<i32>} : memref<24x128xi32, #tpu.memory_space<vmem>>, vector<16xi32>,
      %get3A_59 = arith.index_cast %add3A_38 : i32 to index
      %get3A_60 = arith.constant 48 : index
      %get3A_61 = tpu.vector_load %arg6[%get3A_59, %get3A_60] {strides = array<i32>} : memref<24x128xf32, #tpu.memory_space<vmem>>, vector<16xf32>,
      tpu.vector_store_idx %arg7[%iota3A, %get3A_58], %get3A_61 {add = true} : memref<16x512xf32, #tpu.memory_space<vmem>>[vector<16xi32>, vector<16xi32>], vector<16xf32>,
      %get3A_62 = arith.index_cast %add3A_38 : i32 to index
      %get3A_63 = arith.constant 64 : index
      %get3A_64 = tpu.vector_load %arg5[%get3A_62, %get3A_63] {strides = array<i32>} : memref<24x128xi32, #tpu.memory_space<vmem>>, vector<16xi32>,
      %get3A_65 = arith.index_cast %add3A_38 : i32 to index
      %get3A_66 = arith.constant 64 : index
      %get3A_67 = tpu.vector_load %arg6[%get3A_65, %get3A_66] {strides = array<i32>} : memref<24x128xf32, #tpu.memory_space<vmem>>, vector<16xf32>,
      tpu.vector_store_idx %arg7[%iota3A, %get3A_64], %get3A_67 {add = true} : memref<16x512xf32, #tpu.memory_space<vmem>>[vector<16xi32>, vector<16xi32>], vector<16xf32>,
      %get3A_68 = arith.index_cast %add3A_38 : i32 to index
      %get3A_69 = arith.constant 80 : index
      %get3A_70 = tpu.vector_load %arg5[%get3A_68, %get3A_69] {strides = array<i32>} : memref<24x128xi32, #tpu.memory_space<vmem>>, vector<16xi32>,
      %get3A_71 = arith.index_cast %add3A_38 : i32 to index
      %get3A_72 = arith.constant 80 : index
      %get3A_73 = tpu.vector_load %arg6[%get3A_71, %get3A_72] {strides = array<i32>} : memref<24x128xf32, #tpu.memory_space<vmem>>, vector<16xf32>,
      tpu.vector_store_idx %arg7[%iota3A, %get3A_70], %get3A_73 {add = true} : memref<16x512xf32, #tpu.memory_space<vmem>>[vector<16xi32>, vector<16xi32>], vector<16xf32>,
      %get3A_74 = arith.index_cast %add3A_38 : i32 to index
      %get3A_75 = arith.constant 96 : index
      %get3A_76 = tpu.vector_load %arg5[%get3A_74, %get3A_75] {strides = array<i32>} : memref<24x128xi32, #tpu.memory_space<vmem>>, vector<16xi32>,
      %get3A_77 = arith.index_cast %add3A_38 : i32 to index
      %get3A_78 = arith.constant 96 : index
      %get3A_79 = tpu.vector_load %arg6[%get3A_77, %get3A_78] {strides = array<i32>} : memref<24x128xf32, #tpu.memory_space<vmem>>, vector<16xf32>,
      tpu.vector_store_idx %arg7[%iota3A, %get3A_76], %get3A_79 {add = true} : memref<16x512xf32, #tpu.memory_space<vmem>>[vector<16xi32>, vector<16xi32>], vector<16xf32>,
      %get3A_80 = arith.index_cast %add3A_38 : i32 to index
      %get3A_81 = arith.constant 112 : index
      %get3A_82 = tpu.vector_load %arg5[%get3A_80, %get3A_81] {strides = array<i32>} : memref<24x128xi32, #tpu.memory_space<vmem>>, vector<16xi32>,
      %get3A_83 = arith.index_cast %add3A_38 : i32 to index
      %get3A_84 = arith.constant 112 : index
      %get3A_85 = tpu.vector_load %arg6[%get3A_83, %get3A_84] {strides = array<i32>} : memref<24x128xf32, #tpu.memory_space<vmem>>, vector<16xf32>,
      tpu.vector_store_idx %arg7[%iota3A, %get3A_82], %get3A_85 {add = true} : memref<16x512xf32, #tpu.memory_space<vmem>>[vector<16xi32>, vector<16xi32>], vector<16xf32>,
    }
    %scan3A_28 = arith.constant 24 : i32
    %scan3A_29 = arith.constant 0 : i32
    %scan3A_30 = arith.constant 32 : i32
    %scan3A_31 = arith.addi %scan3A_29, %scan3A_30 : i32
    %scan3A_32 = arith.constant 1 : i32
    scf.for %scan3A_34 = %scan3A_29 to %scan3A_31 step %scan3A_32  : i32 {
      %mul3A_35 = arith.constant 16 : i32
      %mul3A_36 = arith.muli %scan3A_34, %mul3A_35 : i32
      %add3A_37 = arith.constant 0 : i32
      %add3A_38 = arith.addi %add3A_37, %mul3A_36 : i32
      %get3A = arith.constant 0 : i32
      %get3A_39 = arith.index_cast %get3A : i32 to index
      %get3A_40 = arith.index_cast %add3A_38 : i32 to index
      %get3A_41 = tpu.vector_load %arg7[%get3A_39, %get3A_40] {strides = array<i32>} : memref<16x512xf32, #tpu.memory_space<vmem>>, vector<16xf32>,
      %get3A_42 = arith.constant 1 : i32
      %get3A_43 = arith.index_cast %get3A_42 : i32 to index
      %get3A_44 = arith.index_cast %add3A_38 : i32 to index
      %get3A_45 = tpu.vector_load %arg7[%get3A_43, %get3A_44] {strides = array<i32>} : memref<16x512xf32, #tpu.memory_space<vmem>>, vector<16xf32>,
      %add3A_46 = arith.addf %get3A_41, %get3A_45 : vector<16xf32>
      %get3A_47 = arith.constant 2 : i32
      %get3A_48 = arith.index_cast %get3A_47 : i32 to index
      %get3A_49 = arith.index_cast %add3A_38 : i32 to index
      %get3A_50 = tpu.vector_load %arg7[%get3A_48, %get3A_49] {strides = array<i32>} : memref<16x512xf32, #tpu.memory_space<vmem>>, vector<16xf32>,
      %add3A_51 = arith.addf %add3A_46, %get3A_50 : vector<16xf32>
      %get3A_52 = arith.constant 3 : i32
      %get3A_53 = arith.index_cast %get3A_52 : i32 to index
      %get3A_54 = arith.index_cast %add3A_38 : i32 to index
      %get3A_55 = tpu.vector_load %arg7[%get3A_53, %get3A_54] {strides = array<i32>} : memref<16x512xf32, #tpu.memory_space<vmem>>, vector<16xf32>,
      %add3A_56 = arith.addf %add3A_51, %get3A_55 : vector<16xf32>
      %get3A_57 = arith.constant 4 : i32
      %get3A_58 = arith.index_cast %get3A_57 : i32 to index
      %get3A_59 = arith.index_cast %add3A_38 : i32 to index
      %get3A_60 = tpu.vector_load %arg7[%get3A_58, %get3A_59] {strides = array<i32>} : memref<16x512xf32, #tpu.memory_space<vmem>>, vector<16xf32>,
      %add3A_61 = arith.addf %add3A_56, %get3A_60 : vector<16xf32>
      %get3A_62 = arith.constant 5 : i32
      %get3A_63 = arith.index_cast %get3A_62 : i32 to index
      %get3A_64 = arith.index_cast %add3A_38 : i32 to index
      %get3A_65 = tpu.vector_load %arg7[%get3A_63, %get3A_64] {strides = array<i32>} : memref<16x512xf32, #tpu.memory_space<vmem>>, vector<16xf32>,
      %add3A_66 = arith.addf %add3A_61, %get3A_65 : vector<16xf32>
      %get3A_67 = arith.constant 6 : i32
      %get3A_68 = arith.index_cast %get3A_67 : i32 to index
      %get3A_69 = arith.index_cast %add3A_38 : i32 to index
      %get3A_70 = tpu.vector_load %arg7[%get3A_68, %get3A_69] {strides = array<i32>} : memref<16x512xf32, #tpu.memory_space<vmem>>, vector<16xf32>,
      %add3A_71 = arith.addf %add3A_66, %get3A_70 : vector<16xf32>
      %get3A_72 = arith.constant 7 : i32
      %get3A_73 = arith.index_cast %get3A_72 : i32 to index
      %get3A_74 = arith.index_cast %add3A_38 : i32 to index
      %get3A_75 = tpu.vector_load %arg7[%get3A_73, %get3A_74] {strides = array<i32>} : memref<16x512xf32, #tpu.memory_space<vmem>>, vector<16xf32>,
      %add3A_76 = arith.addf %add3A_71, %get3A_75 : vector<16xf32>
      %get3A_77 = arith.constant 8 : i32
      %get3A_78 = arith.index_cast %get3A_77 : i32 to index
      %get3A_79 = arith.index_cast %add3A_38 : i32 to index
      %get3A_80 = tpu.vector_load %arg7[%get3A_78, %get3A_79] {strides = array<i32>} : memref<16x512xf32, #tpu.memory_space<vmem>>, vector<16xf32>,
      %add3A_81 = arith.addf %add3A_76, %get3A_80 : vector<16xf32>
      %get3A_82 = arith.constant 9 : i32
      %get3A_83 = arith.index_cast %get3A_82 : i32 to index
      %get3A_84 = arith.index_cast %add3A_38 : i32 to index
      %get3A_85 = tpu.vector_load %arg7[%get3A_83, %get3A_84] {strides = array<i32>} : memref<16x512xf32, #tpu.memory_space<vmem>>, vector<16xf32>,
      %add3A_86 = arith.addf %add3A_81, %get3A_85 : vector<16xf32>
      %get3A_87 = arith.constant 10 : i32
      %get3A_88 = arith.index_cast %get3A_87 : i32 to index
      %get3A_89 = arith.index_cast %add3A_38 : i32 to index
      %get3A_90 = tpu.vector_load %arg7[%get3A_88, %get3A_89] {strides = array<i32>} : memref<16x512xf32, #tpu.memory_space<vmem>>, vector<16xf32>,
      %add3A_91 = arith.addf %add3A_86, %get3A_90 : vector<16xf32>
      %get3A_92 = arith.constant 11 : i32
      %get3A_93 = arith.index_cast %get3A_92 : i32 to index
      %get3A_94 = arith.index_cast %add3A_38 : i32 to index
      %get3A_95 = tpu.vector_load %arg7[%get3A_93, %get3A_94] {strides = array<i32>} : memref<16x512xf32, #tpu.memory_space<vmem>>, vector<16xf32>,
      %add3A_96 = arith.addf %add3A_91, %get3A_95 : vector<16xf32>
      %get3A_97 = arith.constant 12 : i32
      %get3A_98 = arith.index_cast %get3A_97 : i32 to index
      %get3A_99 = arith.index_cast %add3A_38 : i32 to index
      %get3A_100 = tpu.vector_load %arg7[%get3A_98, %get3A_99] {strides = array<i32>} : memref<16x512xf32, #tpu.memory_space<vmem>>, vector<16xf32>,
      %add3A_101 = arith.addf %add3A_96, %get3A_100 : vector<16xf32>
      %get3A_102 = arith.constant 13 : i32
      %get3A_103 = arith.index_cast %get3A_102 : i32 to index
      %get3A_104 = arith.index_cast %add3A_38 : i32 to index
      %get3A_105 = tpu.vector_load %arg7[%get3A_103, %get3A_104] {strides = array<i32>} : memref<16x512xf32, #tpu.memory_space<vmem>>, vector<16xf32>,
      %add3A_106 = arith.addf %add3A_101, %get3A_105 : vector<16xf32>
      %get3A_107 = arith.constant 14 : i32
      %get3A_108 = arith.index_cast %get3A_107 : i32 to index
      %get3A_109 = arith.index_cast %add3A_38 : i32 to index
      %get3A_110 = tpu.vector_load %arg7[%get3A_108, %get3A_109] {strides = array<i32>} : memref<16x512xf32, #tpu.memory_space<vmem>>, vector<16xf32>,
      %add3A_111 = arith.addf %add3A_106, %get3A_110 : vector<16xf32>
      %get3A_112 = arith.constant 15 : i32
      %get3A_113 = arith.index_cast %get3A_112 : i32 to index
      %get3A_114 = arith.index_cast %add3A_38 : i32 to index
      %get3A_115 = tpu.vector_load %arg7[%get3A_113, %get3A_114] {strides = array<i32>} : memref<16x512xf32, #tpu.memory_space<vmem>>, vector<16xf32>,
      %add3A_116 = arith.addf %add3A_111, %get3A_115 : vector<16xf32>
      %swap3A = arith.index_cast %add3A_38 : i32 to index
      %swap3A_117 = tpu.vector_load %arg8[%swap3A] {strides = array<i32>} : memref<512xf32, #tpu.memory_space<vmem>>, vector<16xf32>,
      tpu.vector_store %arg8[%swap3A], %add3A_116 {strides = array<i32>} : memref<512xf32, #tpu.memory_space<vmem>>, vector<16xf32>,
    }
    %scan3A_33 = arith.constant 32 : i32
    "tpu.region"() ({
      %run_scoped3A = tpu.sem_alloc : memref<!tpu.dma_semaphore, #tpu.memory_space<semaphore_mem>>
      %dma_start3A_34 = arith.constant 0 : i32
      %dma_start3A_35 = tpu.memref_slice %arg4[%add3A, %dma_start3A_34] : memref<32x512xf32, #tpu.memory_space<hbm>> -> memref<1x512xf32, #tpu.memory_space<hbm>>
      %dma_start3A_36 = tpu.memref_squeeze %dma_start3A_35 : memref<1x512xf32, #tpu.memory_space<hbm>> -> memref<512xf32, #tpu.memory_space<hbm>>
      %dma_start3A_37 = arith.constant 0 : i32
      %dma_start3A_38 = tpu.memref_slice %arg4[%add3A, %dma_start3A_37] : memref<32x512xf32, #tpu.memory_space<hbm>> -> memref<1x512xf32, #tpu.memory_space<hbm>>
      %dma_start3A_39 = tpu.memref_squeeze %dma_start3A_38 : memref<1x512xf32, #tpu.memory_space<hbm>> -> memref<512xf32, #tpu.memory_space<hbm>>
      tpu.enqueue_dma source(%arg8 : memref<512xf32, #tpu.memory_space<vmem>>) target(%dma_start3A_39 : memref<512xf32, #tpu.memory_space<hbm>>) target_semaphore(%run_scoped3A : memref<!tpu.dma_semaphore, #tpu.memory_space<semaphore_mem>>)
      %dma_wait3A_40 = arith.constant 0 : i32
      %dma_wait3A_41 = tpu.memref_slice %arg4[%add3A, %dma_wait3A_40] : memref<32x512xf32, #tpu.memory_space<hbm>> -> memref<1x512xf32, #tpu.memory_space<hbm>>
      %dma_wait3A_42 = tpu.memref_squeeze %dma_wait3A_41 : memref<1x512xf32, #tpu.memory_space<hbm>> -> memref<512xf32, #tpu.memory_space<hbm>>
      %dma_wait3A_43 = arith.constant 0 : i32
      %dma_wait3A_44 = tpu.memref_slice %arg4[%add3A, %dma_wait3A_43] : memref<32x512xf32, #tpu.memory_space<hbm>> -> memref<1x512xf32, #tpu.memory_space<hbm>>
      %dma_wait3A_45 = tpu.memref_squeeze %dma_wait3A_44 : memref<1x512xf32, #tpu.memory_space<hbm>> -> memref<512xf32, #tpu.memory_space<hbm>>
      tpu.wait_dma2 semaphore(%run_scoped3A : memref<!tpu.dma_semaphore, #tpu.memory_space<semaphore_mem>>) src(%arg8 : memref<512xf32, #tpu.memory_space<vmem>>) dst(%dma_wait3A_45 : memref<512xf32, #tpu.memory_space<hbm>>)
      tpu.yield
    }) : () -> ()
    return
  }
}

module attributes {stable_mosaic.version = 14 : i64} {
  func.func @_matvec_body(%arg0: i32, %arg1: memref<16384x128xf32, #tpu.memory_space<vmem>>, %arg2: memref<1x128xf32, #tpu.memory_space<vmem>>, %arg3: memref<128x128xf32, #tpu.memory_space<vmem>>) attributes {dimension_semantics = [#tpu.dimension_semantics<arbitrary>], iteration_bounds = array<i64: 6>, scalar_prefetch = 0 : i64, scratch_operands = 0 : i64, tpu.core_type = #tpu.core_type<tc>, window_params = [{transform_indices = @transform_0, window_bounds = array<i64: 16384, 128>}, {pipeline_mode = #tpu.pipeline_mode<synchronous>, transform_indices = @transform_1, window_bounds = array<i64: 1, 128>}, {transform_indices = @transform_2, window_bounds = array<i64: 128, 128>}]} {
    %get3A = arith.constant 0 : index
    %get3A_0 = arith.constant 0 : index
    %get3A_1 = vector.load %arg1[%get3A, %get3A_0] : memref<16384x128xf32, #tpu.memory_space<vmem>>, vector<16384x128xf32>
    %get3A_2 = arith.constant 0 : index
    %get3A_3 = arith.constant 0 : index
    %get3A_4 = vector.load %arg2[%get3A_2, %get3A_3] : memref<1x128xf32, #tpu.memory_space<vmem>>, vector<1x128xf32>
    %mul3A = vector.broadcast %get3A_4 : vector<1x128xf32> to vector<16384x128xf32>
    %mul3A_5 = arith.mulf %get3A_1, %mul3A : vector<16384x128xf32>
    %reshape3A = vector.shape_cast %mul3A_5 : vector<16384x128xf32> to vector<128x128x128xf32>
    %reduce_sum3A = arith.constant dense<0.000000e+00> : vector<128x128xf32>
    %reduce_sum3A_6 = vector.multi_reduction <add>, %reshape3A, %reduce_sum3A [2] : vector<128x128x128xf32> to vector<128x128xf32>
    %add3A = arith.constant 0 : i32
    %add3A_7 = arith.addi %add3A, %arg0 : i32
    %mul3A_8 = arith.constant 16384 : i32
    %mul3A_9 = arith.muli %add3A_7, %mul3A_8 : i32
    %iota3A = tpu.iota {dimensions = array<i32: 0>} : vector<128x128xi32>
    %mul3A_10 = arith.constant 128 : i32
    %mul3A_11 = vector.broadcast %mul3A_10 : i32 to vector<128x128xi32>
    %mul3A_12 = arith.muli %iota3A, %mul3A_11 : vector<128x128xi32>
    %add3A_13 = vector.broadcast %mul3A_9 : i32 to vector<128x128xi32>
    %add3A_14 = arith.addi %add3A_13, %mul3A_12 : vector<128x128xi32>
    %iota3A_15 = tpu.iota {dimensions = array<i32: 1>} : vector<128x128xi32>
    %add3A_16 = arith.addi %add3A_14, %iota3A_15 : vector<128x128xi32>
    %lt3A = arith.constant 320000 : i32
    %lt3A_17 = vector.broadcast %lt3A : i32 to vector<128x128xi32>
    %lt3A_18 = arith.cmpi slt, %add3A_16, %lt3A_17 : vector<128x128xi32>
    %jit3A = arith.constant 0.000000e+00 : f32
    %broadcast_in_dim3A = vector.broadcast %jit3A : f32 to vector<128x128xf32>
    %select_n3A = arith.select %lt3A_18, %reduce_sum3A_6, %broadcast_in_dim3A : vector<128x128xi1>, vector<128x128xf32>
    %swap3A = arith.constant 0 : index
    %swap3A_19 = arith.constant 0 : index
    %swap3A_20 = vector.load %arg3[%swap3A, %swap3A_19] : memref<128x128xf32, #tpu.memory_space<vmem>>, vector<128x128xf32>
    tpu.vector_store %arg3[%swap3A, %swap3A_19], %select_n3A {strides = array<i32>} : memref<128x128xf32, #tpu.memory_space<vmem>>, vector<128x128xf32>,
    return
  }
  func.func @transform_0(%arg0: i32) -> (i32, i32) {
    %add3A = arith.constant 0 : i32
    %add3A_0 = arith.addi %arg0, %add3A : i32
    %c0_i32 = arith.constant 0 : i32
    %c0_i32_1 = arith.constant 0 : i32
    return %add3A_0, %c0_i32 : i32, i32
  }
  func.func @transform_1(%arg0: i32) -> (i32, i32) {
    %c0_i32 = arith.constant 0 : i32
    %c0_i32_0 = arith.constant 0 : i32
    %c0_i32_1 = arith.constant 0 : i32
    return %c0_i32, %c0_i32_0 : i32, i32
  }
  func.func @transform_2(%arg0: i32) -> (i32, i32) {
    %c0_i32 = arith.constant 0 : i32
    %c0_i32_0 = arith.constant 0 : i32
    return %arg0, %c0_i32 : i32, i32
  }
}

module attributes {stable_mosaic.version = 14 : i64} {
  func.func @_matvec_body(%arg0: i32, %arg1: memref<16384x128xf32, #tpu.memory_space<vmem>>, %arg2: memref<1x128xf32, #tpu.memory_space<vmem>>, %arg3: memref<128x128xf32, #tpu.memory_space<vmem>>) attributes {dimension_semantics = [#tpu.dimension_semantics<arbitrary>], iteration_bounds = array<i64: 6>, scalar_prefetch = 0 : i64, scratch_operands = 0 : i64, tpu.core_type = #tpu.core_type<tc>, window_params = [{transform_indices = @transform_0, window_bounds = array<i64: 16384, 128>}, {pipeline_mode = #tpu.pipeline_mode<synchronous>, transform_indices = @transform_1, window_bounds = array<i64: 1, 128>}, {transform_indices = @transform_2, window_bounds = array<i64: 128, 128>}]} {
    %get3A = arith.constant 0 : index
    %get3A_0 = arith.constant 0 : index
    %get3A_1 = vector.load %arg1[%get3A, %get3A_0] : memref<16384x128xf32, #tpu.memory_space<vmem>>, vector<16384x128xf32>
    %get3A_2 = arith.constant 0 : index
    %get3A_3 = arith.constant 0 : index
    %get3A_4 = vector.load %arg2[%get3A_2, %get3A_3] : memref<1x128xf32, #tpu.memory_space<vmem>>, vector<1x128xf32>
    %mul3A = vector.broadcast %get3A_4 : vector<1x128xf32> to vector<16384x128xf32>
    %mul3A_5 = arith.mulf %get3A_1, %mul3A : vector<16384x128xf32>
    %reshape3A = vector.shape_cast %mul3A_5 : vector<16384x128xf32> to vector<128x128x128xf32>
    %reduce_sum3A = arith.constant dense<0.000000e+00> : vector<128x128xf32>
    %reduce_sum3A_6 = vector.multi_reduction <add>, %reshape3A, %reduce_sum3A [2] : vector<128x128x128xf32> to vector<128x128xf32>
    %add3A = arith.constant 12 : i32
    %add3A_7 = arith.addi %add3A, %arg0 : i32
    %mul3A_8 = arith.constant 16384 : i32
    %mul3A_9 = arith.muli %add3A_7, %mul3A_8 : i32
    %iota3A = tpu.iota {dimensions = array<i32: 0>} : vector<128x128xi32>
    %mul3A_10 = arith.constant 128 : i32
    %mul3A_11 = vector.broadcast %mul3A_10 : i32 to vector<128x128xi32>
    %mul3A_12 = arith.muli %iota3A, %mul3A_11 : vector<128x128xi32>
    %add3A_13 = vector.broadcast %mul3A_9 : i32 to vector<128x128xi32>
    %add3A_14 = arith.addi %add3A_13, %mul3A_12 : vector<128x128xi32>
    %iota3A_15 = tpu.iota {dimensions = array<i32: 1>} : vector<128x128xi32>
    %add3A_16 = arith.addi %add3A_14, %iota3A_15 : vector<128x128xi32>
    %lt3A = arith.constant 320000 : i32
    %lt3A_17 = vector.broadcast %lt3A : i32 to vector<128x128xi32>
    %lt3A_18 = arith.cmpi slt, %add3A_16, %lt3A_17 : vector<128x128xi32>
    %jit3A = arith.constant 0.000000e+00 : f32
    %broadcast_in_dim3A = vector.broadcast %jit3A : f32 to vector<128x128xf32>
    %select_n3A = arith.select %lt3A_18, %reduce_sum3A_6, %broadcast_in_dim3A : vector<128x128xi1>, vector<128x128xf32>
    %swap3A = arith.constant 0 : index
    %swap3A_19 = arith.constant 0 : index
    %swap3A_20 = vector.load %arg3[%swap3A, %swap3A_19] : memref<128x128xf32, #tpu.memory_space<vmem>>, vector<128x128xf32>
    tpu.vector_store %arg3[%swap3A, %swap3A_19], %select_n3A {strides = array<i32>} : memref<128x128xf32, #tpu.memory_space<vmem>>, vector<128x128xf32>,
    return
  }
  func.func @transform_0(%arg0: i32) -> (i32, i32) {
    %add3A = arith.constant 12 : i32
    %add3A_0 = arith.addi %arg0, %add3A : i32
    %c0_i32 = arith.constant 0 : i32
    %c0_i32_1 = arith.constant 0 : i32
    return %add3A_0, %c0_i32 : i32, i32
  }
  func.func @transform_1(%arg0: i32) -> (i32, i32) {
    %c0_i32 = arith.constant 0 : i32
    %c0_i32_0 = arith.constant 0 : i32
    %c0_i32_1 = arith.constant 0 : i32
    return %c0_i32, %c0_i32_0 : i32, i32
  }
  func.func @transform_2(%arg0: i32) -> (i32, i32) {
    %c0_i32 = arith.constant 0 : i32
    %c0_i32_0 = arith.constant 0 : i32
    return %arg0, %c0_i32 : i32, i32
  }
}

module attributes {stable_mosaic.version = 14 : i64} {
  func.func @_matvec_body(%arg0: i32, %arg1: memref<16384x128xf32, #tpu.memory_space<vmem>>, %arg2: memref<1x128xf32, #tpu.memory_space<vmem>>, %arg3: memref<128x128xf32, #tpu.memory_space<vmem>>) attributes {dimension_semantics = [#tpu.dimension_semantics<arbitrary>], iteration_bounds = array<i64: 2>, scalar_prefetch = 0 : i64, scratch_operands = 0 : i64, tpu.core_type = #tpu.core_type<tc>, window_params = [{transform_indices = @transform_0, window_bounds = array<i64: 16384, 128>}, {pipeline_mode = #tpu.pipeline_mode<synchronous>, transform_indices = @transform_1, window_bounds = array<i64: 1, 128>}, {transform_indices = @transform_2, window_bounds = array<i64: 128, 128>}]} {
    %get3A = arith.constant 0 : index
    %get3A_0 = arith.constant 0 : index
    %get3A_1 = vector.load %arg1[%get3A, %get3A_0] : memref<16384x128xf32, #tpu.memory_space<vmem>>, vector<16384x128xf32>
    %get3A_2 = arith.constant 0 : index
    %get3A_3 = arith.constant 0 : index
    %get3A_4 = vector.load %arg2[%get3A_2, %get3A_3] : memref<1x128xf32, #tpu.memory_space<vmem>>, vector<1x128xf32>
    %mul3A = vector.broadcast %get3A_4 : vector<1x128xf32> to vector<16384x128xf32>
    %mul3A_5 = arith.mulf %get3A_1, %mul3A : vector<16384x128xf32>
    %reshape3A = vector.shape_cast %mul3A_5 : vector<16384x128xf32> to vector<128x128x128xf32>
    %reduce_sum3A = arith.constant dense<0.000000e+00> : vector<128x128xf32>
    %reduce_sum3A_6 = vector.multi_reduction <add>, %reshape3A, %reduce_sum3A [2] : vector<128x128x128xf32> to vector<128x128xf32>
    %add3A = arith.constant 18 : i32
    %add3A_7 = arith.addi %add3A, %arg0 : i32
    %mul3A_8 = arith.constant 16384 : i32
    %mul3A_9 = arith.muli %add3A_7, %mul3A_8 : i32
    %iota3A = tpu.iota {dimensions = array<i32: 0>} : vector<128x128xi32>
    %mul3A_10 = arith.constant 128 : i32
    %mul3A_11 = vector.broadcast %mul3A_10 : i32 to vector<128x128xi32>
    %mul3A_12 = arith.muli %iota3A, %mul3A_11 : vector<128x128xi32>
    %add3A_13 = vector.broadcast %mul3A_9 : i32 to vector<128x128xi32>
    %add3A_14 = arith.addi %add3A_13, %mul3A_12 : vector<128x128xi32>
    %iota3A_15 = tpu.iota {dimensions = array<i32: 1>} : vector<128x128xi32>
    %add3A_16 = arith.addi %add3A_14, %iota3A_15 : vector<128x128xi32>
    %lt3A = arith.constant 320000 : i32
    %lt3A_17 = vector.broadcast %lt3A : i32 to vector<128x128xi32>
    %lt3A_18 = arith.cmpi slt, %add3A_16, %lt3A_17 : vector<128x128xi32>
    %jit3A = arith.constant 0.000000e+00 : f32
    %broadcast_in_dim3A = vector.broadcast %jit3A : f32 to vector<128x128xf32>
    %select_n3A = arith.select %lt3A_18, %reduce_sum3A_6, %broadcast_in_dim3A : vector<128x128xi1>, vector<128x128xf32>
    %swap3A = arith.constant 0 : index
    %swap3A_19 = arith.constant 0 : index
    %swap3A_20 = vector.load %arg3[%swap3A, %swap3A_19] : memref<128x128xf32, #tpu.memory_space<vmem>>, vector<128x128xf32>
    tpu.vector_store %arg3[%swap3A, %swap3A_19], %select_n3A {strides = array<i32>} : memref<128x128xf32, #tpu.memory_space<vmem>>, vector<128x128xf32>,
    return
  }
  func.func @transform_0(%arg0: i32) -> (i32, i32) {
    %add3A = arith.constant 18 : i32
    %add3A_0 = arith.addi %arg0, %add3A : i32
    %c0_i32 = arith.constant 0 : i32
    %c0_i32_1 = arith.constant 0 : i32
    return %add3A_0, %c0_i32 : i32, i32
  }
  func.func @transform_1(%arg0: i32) -> (i32, i32) {
    %c0_i32 = arith.constant 0 : i32
    %c0_i32_0 = arith.constant 0 : i32
    %c0_i32_1 = arith.constant 0 : i32
    return %c0_i32, %c0_i32_0 : i32, i32
  }
  func.func @transform_2(%arg0: i32) -> (i32, i32) {
    %c0_i32 = arith.constant 0 : i32
    %c0_i32_0 = arith.constant 0 : i32
    return %arg0, %c0_i32 : i32, i32
  }
}

module attributes {stable_mosaic.version = 14 : i64} {
  func.func @_matvec_body(%arg0: i32, %arg1: memref<16384x128xf32, #tpu.memory_space<vmem>>, %arg2: memref<1x128xf32, #tpu.memory_space<vmem>>, %arg3: memref<128x128xf32, #tpu.memory_space<vmem>>) attributes {dimension_semantics = [#tpu.dimension_semantics<arbitrary>], iteration_bounds = array<i64: 6>, scalar_prefetch = 0 : i64, scratch_operands = 0 : i64, tpu.core_type = #tpu.core_type<tc>, window_params = [{transform_indices = @transform_0, window_bounds = array<i64: 16384, 128>}, {pipeline_mode = #tpu.pipeline_mode<synchronous>, transform_indices = @transform_1, window_bounds = array<i64: 1, 128>}, {transform_indices = @transform_2, window_bounds = array<i64: 128, 128>}]} {
    %get3A = arith.constant 0 : index
    %get3A_0 = arith.constant 0 : index
    %get3A_1 = vector.load %arg1[%get3A, %get3A_0] : memref<16384x128xf32, #tpu.memory_space<vmem>>, vector<16384x128xf32>
    %get3A_2 = arith.constant 0 : index
    %get3A_3 = arith.constant 0 : index
    %get3A_4 = vector.load %arg2[%get3A_2, %get3A_3] : memref<1x128xf32, #tpu.memory_space<vmem>>, vector<1x128xf32>
    %mul3A = vector.broadcast %get3A_4 : vector<1x128xf32> to vector<16384x128xf32>
    %mul3A_5 = arith.mulf %get3A_1, %mul3A : vector<16384x128xf32>
    %reshape3A = vector.shape_cast %mul3A_5 : vector<16384x128xf32> to vector<128x128x128xf32>
    %reduce_sum3A = arith.constant dense<0.000000e+00> : vector<128x128xf32>
    %reduce_sum3A_6 = vector.multi_reduction <add>, %reshape3A, %reduce_sum3A [2] : vector<128x128x128xf32> to vector<128x128xf32>
    %add3A = arith.constant 6 : i32
    %add3A_7 = arith.addi %add3A, %arg0 : i32
    %mul3A_8 = arith.constant 16384 : i32
    %mul3A_9 = arith.muli %add3A_7, %mul3A_8 : i32
    %iota3A = tpu.iota {dimensions = array<i32: 0>} : vector<128x128xi32>
    %mul3A_10 = arith.constant 128 : i32
    %mul3A_11 = vector.broadcast %mul3A_10 : i32 to vector<128x128xi32>
    %mul3A_12 = arith.muli %iota3A, %mul3A_11 : vector<128x128xi32>
    %add3A_13 = vector.broadcast %mul3A_9 : i32 to vector<128x128xi32>
    %add3A_14 = arith.addi %add3A_13, %mul3A_12 : vector<128x128xi32>
    %iota3A_15 = tpu.iota {dimensions = array<i32: 1>} : vector<128x128xi32>
    %add3A_16 = arith.addi %add3A_14, %iota3A_15 : vector<128x128xi32>
    %lt3A = arith.constant 320000 : i32
    %lt3A_17 = vector.broadcast %lt3A : i32 to vector<128x128xi32>
    %lt3A_18 = arith.cmpi slt, %add3A_16, %lt3A_17 : vector<128x128xi32>
    %jit3A = arith.constant 0.000000e+00 : f32
    %broadcast_in_dim3A = vector.broadcast %jit3A : f32 to vector<128x128xf32>
    %select_n3A = arith.select %lt3A_18, %reduce_sum3A_6, %broadcast_in_dim3A : vector<128x128xi1>, vector<128x128xf32>
    %swap3A = arith.constant 0 : index
    %swap3A_19 = arith.constant 0 : index
    %swap3A_20 = vector.load %arg3[%swap3A, %swap3A_19] : memref<128x128xf32, #tpu.memory_space<vmem>>, vector<128x128xf32>
    tpu.vector_store %arg3[%swap3A, %swap3A_19], %select_n3A {strides = array<i32>} : memref<128x128xf32, #tpu.memory_space<vmem>>, vector<128x128xf32>,
    return
  }
  func.func @transform_0(%arg0: i32) -> (i32, i32) {
    %add3A = arith.constant 6 : i32
    %add3A_0 = arith.addi %arg0, %add3A : i32
    %c0_i32 = arith.constant 0 : i32
    %c0_i32_1 = arith.constant 0 : i32
    return %add3A_0, %c0_i32 : i32, i32
  }
  func.func @transform_1(%arg0: i32) -> (i32, i32) {
    %c0_i32 = arith.constant 0 : i32
    %c0_i32_0 = arith.constant 0 : i32
    %c0_i32_1 = arith.constant 0 : i32
    return %c0_i32, %c0_i32_0 : i32, i32
  }
  func.func @transform_2(%arg0: i32) -> (i32, i32) {
    %c0_i32 = arith.constant 0 : i32
    %c0_i32_0 = arith.constant 0 : i32
    return %arg0, %c0_i32 : i32, i32
  }
}

module attributes {stable_mosaic.version = 14 : i64} {
  func.func @_fold_body(%arg0: memref<32x512xf32, #tpu.memory_space<vmem>>, %arg1: memref<32x512xf32, #tpu.memory_space<vmem>>, %arg2: memref<32x512xf32, #tpu.memory_space<vmem>>, %arg3: memref<32x512xf32, #tpu.memory_space<vmem>>, %arg4: memref<1x1xf32, #tpu.memory_space<vmem>>, %arg5: memref<1x512xf32, #tpu.memory_space<vmem>>) attributes {dimension_semantics = [], scalar_prefetch = 0 : i64, scratch_operands = 0 : i64, tpu.core_type = #tpu.core_type<tc>} {
    %get3A = arith.constant 0 : index
    %get3A_0 = arith.constant 0 : index
    %get3A_1 = vector.load %arg0[%get3A, %get3A_0] : memref<32x512xf32, #tpu.memory_space<vmem>>, vector<32x512xf32>
    %reduce_sum3A = arith.constant dense<0.000000e+00> : vector<512xf32>
    %reduce_sum3A_2 = vector.multi_reduction <add>, %get3A_1, %reduce_sum3A [0] : vector<32x512xf32> to vector<512xf32>
    %broadcast_in_dim3A = vector.shape_cast %reduce_sum3A_2 : vector<512xf32> to vector<1x512xf32>
    %get3A_3 = arith.constant 0 : index
    %get3A_4 = arith.constant 0 : index
    %get3A_5 = vector.load %arg1[%get3A_3, %get3A_4] : memref<32x512xf32, #tpu.memory_space<vmem>>, vector<32x512xf32>
    %reduce_sum3A_6 = arith.constant dense<0.000000e+00> : vector<512xf32>
    %reduce_sum3A_7 = vector.multi_reduction <add>, %get3A_5, %reduce_sum3A_6 [0] : vector<32x512xf32> to vector<512xf32>
    %broadcast_in_dim3A_8 = vector.shape_cast %reduce_sum3A_7 : vector<512xf32> to vector<1x512xf32>
    %add3A = arith.addf %broadcast_in_dim3A, %broadcast_in_dim3A_8 : vector<1x512xf32>
    %get3A_9 = arith.constant 0 : index
    %get3A_10 = arith.constant 0 : index
    %get3A_11 = vector.load %arg2[%get3A_9, %get3A_10] : memref<32x512xf32, #tpu.memory_space<vmem>>, vector<32x512xf32>
    %reduce_sum3A_12 = arith.constant dense<0.000000e+00> : vector<512xf32>
    %reduce_sum3A_13 = vector.multi_reduction <add>, %get3A_11, %reduce_sum3A_12 [0] : vector<32x512xf32> to vector<512xf32>
    %broadcast_in_dim3A_14 = vector.shape_cast %reduce_sum3A_13 : vector<512xf32> to vector<1x512xf32>
    %add3A_15 = arith.addf %add3A, %broadcast_in_dim3A_14 : vector<1x512xf32>
    %get3A_16 = arith.constant 0 : index
    %get3A_17 = arith.constant 0 : index
    %get3A_18 = vector.load %arg3[%get3A_16, %get3A_17] : memref<32x512xf32, #tpu.memory_space<vmem>>, vector<32x512xf32>
    %reduce_sum3A_19 = arith.constant dense<0.000000e+00> : vector<512xf32>
    %reduce_sum3A_20 = vector.multi_reduction <add>, %get3A_18, %reduce_sum3A_19 [0] : vector<32x512xf32> to vector<512xf32>
    %broadcast_in_dim3A_21 = vector.shape_cast %reduce_sum3A_20 : vector<512xf32> to vector<1x512xf32>
    %add3A_22 = arith.addf %add3A_15, %broadcast_in_dim3A_21 : vector<1x512xf32>
    %get3A_23 = arith.constant 0 : index
    %get3A_24 = arith.constant 0 : index
    %get3A_25 = vector.load %arg4[%get3A_23, %get3A_24] : memref<1x1xf32, #tpu.memory_space<vmem>>, vector<1x1xf32>
    %get3A_26 = vector.extract %get3A_25[0, 0] : f32 from vector<1x1xf32>
    %add3A_27 = vector.broadcast %get3A_26 : f32 to vector<1x512xf32>
    %add3A_28 = arith.addf %add3A_22, %add3A_27 : vector<1x512xf32>
    %swap3A = arith.constant 0 : index
    %swap3A_29 = arith.constant 0 : index
    %swap3A_30 = vector.load %arg5[%swap3A, %swap3A_29] : memref<1x512xf32, #tpu.memory_space<vmem>>, vector<1x512xf32>
    tpu.vector_store %arg5[%swap3A, %swap3A_29], %add3A_28 {strides = array<i32>} : memref<1x512xf32, #tpu.memory_space<vmem>>, vector<1x512xf32>,
    return
  }
}

</mosaic_0001>

<sc_bundles>
// kernel: kernel.11.cloned.1.call-start
scs
__scs_entry_jumppad:
0x0: {  	(pc) =	sbr.rel $0x88, $3  }
0x1: {  	(tag) =	ssettag $0x0;
	lr =	simm.s32 $0x1  }
0x2: {  	[smem:$0x3F9D] =	sst lr;
	_ =	strace $0xD0000000  }
0x3: {  	_ = 	snop  }
0x4: {  	_ = 	snop  }
0x5: {  	_ = 	snop  }
0x6: {  	_ = 	snop  }
0x7: {  	_ = 	snop  }
__scs_overlays_trampoline_lowered:
0x8: {  	[smem:$0x3FAC] =	sst s0  }
0x9: {  	[smem:$0x3FAD] =	sst s1  }
0xa: {  	[smem:$0x3FAE] =	sst s2  }
0xb: {  	[smem:$0x3FAF] =	sst s3  }
0xc: {  	[smem:$0x3FB0] =	sst s4  }
0xd: {  	[smem:$0x3FB1] =	sst s5  }
0xe: {  	[smem:$0x3FB2] =	sst s6  }
0xf: {  	[smem:$0x3FB3] =	sst s7  }
0x10: {  	[smem:$0x3FB4] =	sst s8  }
0x11: {  	[smem:$0x3FB5] =	sst s9;
	s0 =	simm.s32 @!p0 $0x0  }
0x12: {  	s1 =	sld [smem:$0x3F9B];
	s0 =	simm.s32 @p0 $0x1  }
0x13: {  	[smem:$0x3FB6] =	sst s0;
	s0 =	simm.s32 @!p1 $0x0  }
0x14: {  	s2 =	sld [smem:$0x3F9A];
	s0 =	simm.s32 @p1 $0x1  }
0x15: {  	[smem:$0x3FB7] =	sst s0;
	s0 =	simm.s32 @!p2 $0x0  }
0x16: {  	s3 =	sld [smem:$0x3FDB];
	s0 =	simm.s32 @p2 $0x1  }
0x17: {  	s4 =	simm.s32 $0x1BF5;
	[smem:$0x3FB9] =	sst s0  }
0x18: {  	s0 =	sld [smem:$0x3F9C];
	_ =	swait.ge [sflag:s4], $0x0  }
0x19: {  	s7 =	sld [smem:$0x3F9D]  }
0x1a: {  	s8 =	sadd.s32 $0xFFFFE003, lr  }
0x1b: {  	s9 =	sadd.s32 $0xFFFFFEF7, lr;
	s5 =	simm.s32 $0xFFFFFFFF;
	p2 =	slt.u32 s8, $0xFFFFF086  }
0x1c: {  	p1 =	slt.u32 s9, $0xF7A;
	s5 =	simm.s32 @!p2 $0x0  }
0x1d: {  	s5 =	simm.s32 @p1 $0x1;
	p0 =	seq.s32 s7, s2  }
0x1e: {  	s7 =	smul.u32 @!p0 $0xF7A, s2;
	p2 =	seq.s32 @!p0 s5, $0x0  }
0x1f: {  	s9 =	smul.u32 $0xF7A, s1;
	s8 =	simm.s32 @!p0 $0x1BF5;
	p2 =	por !p2, p0  }
0x20: {  	[sflag:s8] =	ssyncset.s32 @!p0 $0xFFFFF086;
	s6 =	sadd.s32 @!p0 s3, s7;
	s7 =	simm.s32 @!p0 $0x108  }
0x21: {  	s3 =	sadd.s32 s3, s9;
	s6 =	sadd.s32 @!p0 $0x88, s6;
	s7 =	simm.s32 @p2 $0x1082  }
0x22: {  	[simem:s7], [sflag:s8] =	dma.local @!p0 [hbm:s6], $0xF7A  }
0x23: {  	s9 =	sor.u32 $0xD0000000, s2;
	s6 =	simm.s32 $0x108;
	_ =	swait.ge @!p0 [sflag:s8], $0x0  }
0x24: {  	s3 =	sadd.s32 $0x88, s3;
	s6 =	simm.s32 @!p1 $0x1082;
	[sflag:s4] =	ssyncset.s32 $0xFFFFF086  }
0x25: {  	[simem:s6], [sflag:s4] =	dma.local [hbm:s3], $0xF7A  }
0x26: {  	[smem:$0x3F9D] =	sst s1;
	(tag) =	ssettag s2;
	_ =	strace s9  }
0x27: {  	s1 =	sld [smem:$0x3FAD]  }
0x28: {  	s2 =	sld [smem:$0x3FAE]  }
0x29: {  	s4 =	sld [smem:$0x3FB0]  }
0x2a: {  	p0 =	seq.s32 s5, $0x0;
	s5 =	sld [smem:$0x3FB1]  }
0x2b: {  	s6 =	sld [smem:$0x3FB2]  }
0x2c: {  	s7 =	sld [smem:$0x3FB3]  }
0x2d: {  	s3 =	simm.s32 $0x108;
	s8 =	sld [smem:$0x3FB4]  }
0x2e: {  	s3 =	simm.s32 @!p0 $0x1082;
	s9 =	sld [smem:$0x3FB5]  }
0x2f: {  	lr =	sadd.s32 s0, s3;
	s0 =	sld [smem:$0x3FAC]  }
0x30: {  	s3 =	sld [smem:$0x3FAF]  }
0x31: {  	[smem:$0x3FB8] =	sst s10  }
0x32: {  	s10 =	sld [smem:$0x3FB6];
	_ =	sdelay $0x3  }
0x33: {  	p0 =	seq.s32 s10, $0x1;
	s10 =	sld [smem:$0x3FB8];
	_ =	sdelay $0x3  }
0x34: {  	[smem:$0x3FB8] =	sst s10  }
0x35: {  	s10 =	sld [smem:$0x3FB7];
	_ =	sdelay $0x3  }
0x36: {  	p1 =	seq.s32 s10, $0x1;
	s10 =	sld [smem:$0x3FB8];
	_ =	sdelay $0x3  }
0x37: {  	[smem:$0x3FB8] =	sst s10  }
0x38: {  	s10 =	sld [smem:$0x3FB9]  }
0x39: {  	_ = 	snop;
	(pc) =	sbr.ind lr, $3  }
0x3a: {  	_ = 	snop  }
0x3b: {  	_ = 	snop  }
0x3c: {  	p2 =	seq.s32 s10, $0x1;
	s10 =	sld [smem:$0x3FB8]  }
0x3d: {  	_ =	shalt  }
0x3e: {  	_ =	shalt  }
0x3f: {  	_ =	shalt  }
0x40: {  	_ =	shalt  }
0x41: {  	_ =	shalt  }
0x42: {  	_ =	shalt  }
0x43: {  	_ =	shalt  }
0x44: {  	_ =	shalt  }
0x45: {  	_ =	shalt  }
0x46: {  	_ =	shalt  }
0x47: {  	_ =	shalt  }
0x48: {  	_ =	shalt  }
0x49: {  	_ =	shalt  }
0x4a: {  	_ =	shalt  }
0x4b: {  	_ =	shalt  }
0x4c: {  	_ =	shalt  }
0x4d: {  	_ =	shalt  }
0x4e: {  	_ =	shalt  }
0x4f: {  	_ =	shalt  }
0x50: {  	_ =	shalt  }
0x51: {  	_ =	shalt  }
0x52: {  	_ =	shalt  }
0x53: {  	_ =	shalt  }
0x54: {  	_ =	shalt  }
0x55: {  	_ =	shalt  }
0x56: {  	_ =	shalt  }
0x57: {  	_ =	shalt  }
0x58: {  	_ =	shalt  }
0x59: {  	_ =	shalt  }
0x5a: {  	_ =	shalt  }
0x5b: {  	_ =	shalt  }
0x5c: {  	_ =	shalt  }
0x5d: {  	_ =	shalt  }
0x5e: {  	_ =	shalt  }
0x5f: {  	_ =	shalt  }
0x60: {  	_ =	shalt  }
0x61: {  	_ =	shalt  }
0x62: {  	_ =	shalt  }
0x63: {  	_ =	shalt  }
0x64: {  	_ =	shalt  }
0x65: {  	_ =	shalt  }
0x66: {  	_ =	shalt  }
0x67: {  	_ =	shalt  }
0x68: {  	_ =	shalt  }
0x69: {  	_ =	shalt  }
0x6a: {  	_ =	shalt  }
0x6b: {  	_ =	shalt  }
0x6c: {  	_ =	shalt  }
0x6d: {  	_ =	shalt  }
0x6e: {  	_ =	shalt  }
0x6f: {  	_ =	shalt  }
0x70: {  	_ =	shalt  }
0x71: {  	_ =	shalt  }
0x72: {  	_ =	shalt  }
0x73: {  	_ =	shalt  }
0x74: {  	_ =	shalt  }
0x75: {  	_ =	shalt  }
0x76: {  	_ =	shalt  }
0x77: {  	_ =	shalt  }
0x78: {  	_ =	shalt  }
0x79: {  	_ =	shalt  }
0x7a: {  	_ =	shalt  }
0x7b: {  	_ =	shalt  }
0x7c: {  	_ =	shalt  }
0x7d: {  	_ =	shalt  }
0x7e: {  	_ =	shalt  }
0x7f: {  	_ =	shalt  }
0x80: {  	_ =	shalt  }
0x81: {  	_ =	shalt  }
0x82: {  	_ =	shalt  }
0x83: {  	_ =	shalt  }
0x84: {  	_ =	shalt  }
0x85: {  	_ =	shalt  }
0x86: {  	_ =	shalt  }
0x87: {  	_ =	shalt  }
.Lfunc_end0:
.L_simem_size_0:
called_computation_lowered:
.L_overlay_start_0:
0x88: {  	s2 =	sld [smem:$0x3FD9]  }
0x89: {  	s3 =	sld [smem:$0x3FFE];
	_ =	sdelay $0x1  }
0x8a: {  	s1 =	srdreg.scid  }
0x8b: {  	s0 =	sand.u32 $0x1, s1  }
0x8c: {  	s17 =	sshll.u32 s0, $0xA;
	s2 =	sadd.s32 s3, s2  }
0x8d: {  	s2 =	sadd.s32 s2, s17  }
0x8e: {  	[smem:$0x3FC4] =	sst s2  }
0x8f: {  	_ = 	snop  }
0x90: {  	s2 =	sld [smem:$0x3FC8];
	(tm) =	ssettm $0x1  }
0x91: {  	s18 =	sld [smem:$0x3FFB];
	_ =	sdelay $0x3  }
0x92: {  	_ =	strace s18  }
0x93: {  	s3 =	sld [smem:$0x3FFC];
	_ =	sdelay $0x3  }
0x94: {  	_ =	strace s3  }
0x95: {  	s3 =	sld [smem:$0x3FFD];
	_ =	sdelay $0x3  }
0x96: {  	_ =	strace s3  }
0x97: {  	_ =	strace $0x8FFFFFFF  }
0x98: {  	s19 =	sld [smem:$0x3FDB];
	_ =	sdelay $0x1  }
0x99: {  	s4 =	simm.s32 $_scs_section_size  }
0x9a: {  	s5 =	simm.s32 $_size__tile_overlayer_lowered;
	s6 =	simm.s32 $_tile_overlayer_lowered  }
0x9b: {  	s22 =	simm.s32 $0x1BFF;
	s21 =	sshll.u32 s6, $0x1;
	s3 =	sadd.s32 s4, s19  }
0x9c: {  	s7 =	simm.s32 $0x0;
	s20 =	sshll.u32 s5, $0x1;
	s5 =	sadd.s32 s21, s3  }
0x9d: {  	[timem:s7], [sflag:s22] =	dma.local [hbm:s5], s20  }
0x9e: {  	_ =	swait.ge [sflag:s22], s20  }
0x9f: {  	s4 =	ssub.s32 $0x0, s20;
	[sflag:s22] =	ssyncset.done $0x0  }
0xa0: {  	[sflag:s22] =	ssyncadd.s32 s4;
	_ =	sdelay $0x1  }
0xa1: {  	s23 =	simm.s32 $0x1B8B  }
0xa2: {  	_ =	swait.ge [sflag:s23], $0x1  }
0xa3: {  	[sflag:s23] =	ssyncset.done $0x0  }
0xa4: {  	s25 =	simm.s32 $0x1B8E;
	s24 =	sld [smem:$0x3FFE];
	[sflag:s23] =	ssyncadd.s32 $0xFFFFFFFF  }
0xa5: {  	s26 =	simm.s32 $execute0_lowered;
	[smem:$0x3FD2] =	sst s25  }
0xa6: {  	s5 =	sshll.u32 s26, $0x1;
	_ =	strace $0x80000046;
	[dreg:$0x1] =	wrdreg $0xFFFFFFFF  }
0xa7: {  	s28 =	simm.s32 $_size_execute0_lowered;
	s3 =	sadd.s32 s3, s5;
	[dreg:$0x0] =	wrdreg $0x0  }
0xa8: {  	s5 =	sshll.u32 s28, $0x1;
	[dreg:$0x2] =	wrdreg s3  }
0xa9: {  	[dreg:$0x3] =	wrdreg s5  }
0xaa: {  	[dreg:$0x4] =	wrdreg $0xC0  }
0xab: {  	_ =	task [dreg:s7], $0x5FFFF  }
0xac: {  	[dreg:$0x1] =	wrdreg $0xFFFFFFFF  }
0xad: {  	[dreg:$0x0] =	wrdreg $0x60  }
0xae: {  	[dreg:$0x2] =	wrdreg s2  }
0xaf: {  	[dreg:$0x3] =	wrdreg s24  }
0xb0: {  	[dreg:$0x4] =	wrdreg $0x9  }
0xb1: {  	_ =	task.clear_ibuf [dreg:s7], $0x5FFFF;
	_ =	strace $0x90000046  }
0xb2: {  	s29 =	simm.s32 $0x9;
	_ =	strace $0x80000048  }
0xb3: {  	_ =	swait.ge [sflag:s29], $0x1  }
0xb4: {  	[sflag:s29] =	ssyncadd.s32 $0xFFFFFFFF  }
0xb5: {  	_ =	strace $0x90000048  }
0xb6: {  	_ =	sfence  }
0xb7: {  	s30 =	sld [smem:$0x0];
	_ =	sdelay $0x2  }
0xb8: {  	s31 =	sshll.u32 s1, $0xD;
	s1 =	sshrl.u32 s1, $0x2  }
0xb9: {  	s3 =	sand.u32 $0x4000, s31;
	s1 =	sadd.s32 s1, s30  }
0xba: {  	s0 =	sor.u32 s3, s0;
	s1 =	sshll.u32 s1, $0x11  }
0xbb: {  	s0 =	sor.u32 s1, s0  }
0xbc: {  	s0 =	sadd.s32 $0x8F2B, s0  }
0xbd: {  	[sflag:s0] =	ssyncadd.remote.s32 $0x1  }
0xbe: {  	_ =	sfence.sel $0xFFFF  }
0xbf: {  	[dreg:$0x0] =	wrdreg $0xFFFFFFFF;
	(pc) =	sbr.abs _section_cstart, $3  }
0xc0: {  	[dreg:$0x1] =	wrdreg $0xFFFFFFFF  }
0xc1: {  	_ =	task.clear_ibuf [dreg:s7], $0x2FFFF;
	_ =	strace $0x9FFFFFFF  }
0xc2: {  	(tm) =	ssettm $0x7FFFFFFF  }
0xc3: {  	_ =	shalt  }
tec
execute0_lowered:
.L_overlay_start_1:
0x0: {  	(tag) =	ssettag $0x1  }
0x1: {  	v0 =	vimm.s32 $0x1380;
	vm0 =	vcmask $0x300  }
0x2: {  	vm14 =	vcmask $0x704;
	v0 =	vsel vm0, $0x0, v0  }
0x3: {  	vm15 =	vcmask $0xB08;
	v0 =	vsel vm14, $0x80, v0  }
0x4: {  	s3 =	rddreg [dreg:$0x0];
	vm4 =	vcmask $0xF0C;
	v0 =	vsel vm15, $0x100, v0  }
0x5: {  	s4 =	rddreg [dreg:$0x1];
	vm5 =	vcmask $0x1310;
	v0 =	vsel vm4, $0x180, v0  }
0x6: {  	s0 =	rddreg [dreg:$0x2];
	s5 =	srdreg.scid;
	vm6 =	vcmask $0x1714;
	v0 =	vsel vm5, $0x200, v0  }
0x7: {  	s1 =	stileid.u32;
	s2 =	simm.s32 $0x0;
	vm7 =	vcmask $0x1B18;
	s10 =	simm.s32 $0x80;
	v0 =	vsel vm6, $0x280, v0  }
0x8: {  	vm8 =	vcmask $0x1F1C;
	s11 =	simm.s32 $0x400;
	s12 =	simm.s32 $0x3800;
	s13 =	simm.s32 $0x2;
	v0 =	vsel vm7, $0x300, v0  }
0x9: {  	vm9 =	vcmask $0x2320;
	s14 =	simm.s32 $0x0;
	s5 =	sand.u32 $0x1, s5;
	s6 =	sshll.u32 s1, $0x1;
	v0 =	vsel vm8, $0x380, v0  }
0xa: {  	vm10 =	vcmask $0x2724;
	[smem:$0x7FF] =	sst s2;
	s8 =	sshll.u32 s1, $0x7;
	s6 =	sor.u32 s5, s6;
	v0 =	vsel vm9, $0x1000, v0  }
0xb: {  	vm11 =	vcmask $0x2B28;
	_ =	strace $0x80000047;
	s8 =	sand.u32 $0x600, s8;
	s5 =	ssub.s32 $0x2, s5;
	v0 =	vsel vm10, $0x1080, v0  }
0xc: {  	vm12 =	vcmask $0x2F2C;
	s7 =	smul.u32 $0x180, s6;
	s6 =	sshll.u32 s6, $0x4;
	s9 =	sshrl.u32 s5, $0x1;
	v0 =	vsel vm11, $0x1100, v0  }
0xd: {  	vm13 =	vcmask $0x3330;
	s8 =	sadd.s32 s8, s4;
	s6 =	sand.u32 $0x70, s6;
	s9 =	ssub.s32 s5, s9;
	v0 =	vsel vm12, $0x1180, v0  }
0xe: {  	vm14 =	vcmask $0x3734;
	s4 =	sadd.s32 s7, s4;
	s31 =	sadd.s32 s6, s8;
	s3 =	sadd.s32 s3, s7;
	v0 =	vsel vm13, $0x1200, v0  }
0xf: {  	vm15 =	vcmask $0x3B38;
	s6 =	smax.u32 s9, $0x1;
	s7 =	simm.s32 $0xC00;
	s8 =	simm.s32 $0x1;
	v1 =	vsel vm14, $0x1280, v0  }
0x10: {  	s9 =	simm.s32 $0x1800;
	s4 =	sadd.s32 $0x2400, s4;
	s5 =	sadd.s32 $0x5400, s31;
	v0 =	vimm.f32 $0.0e+00;
	v1 =	vsel vm15, $0x1300, v1  }
.LBB2_1:
0x11: {  	[tilespmem:s2], [sflag:$0x1] =	stream.linear.gather [hbm4b:s3+s2], $0xC00, $0x38;
	[tilespmem:$0x3A00] =	vst v63  }
0x12: {  	s15 =	sand.u32 $0x1000, s2;
	s16 =	sand.u32 $0x380, s2  }
0x13: {  	s15 =	sor.u32 s16, s15  }
0x14: {  	[tilespmem:s7], [sflag:$0x1] =	stream.linear.gather [hbm4b:s4+s2], $0xC00, $0x38;
	[tilespmem:$0x3A00] =	vst v63  }
0x15: {  	[tilespmem:s15+$0x2470] =	vst v0  }
0x16: {  	[tilespmem:s15+$0x1800] =	vst v0  }
0x17: {  	[tilespmem:s15+$0x1810] =	vst v0  }
0x18: {  	[tilespmem:s15+$0x1820] =	vst v0  }
0x19: {  	[tilespmem:s15+$0x1830] =	vst v0  }
0x1a: {  	[tilespmem:s15+$0x1840] =	vst v0  }
0x1b: {  	[tilespmem:s15+$0x1850] =	vst v0  }
0x1c: {  	[tilespmem:s15+$0x1860] =	vst v0  }
0x1d: {  	[tilespmem:s15+$0x1870] =	vst v0  }
0x1e: {  	[tilespmem:s15+$0x1C00] =	vst v0  }
0x1f: {  	[tilespmem:s15+$0x1C10] =	vst v0  }
0x20: {  	[tilespmem:s15+$0x1C20] =	vst v0  }
0x21: {  	[tilespmem:s15+$0x1C30] =	vst v0  }
0x22: {  	[tilespmem:s15+$0x1C40] =	vst v0  }
0x23: {  	[tilespmem:s15+$0x1C50] =	vst v0  }
0x24: {  	[tilespmem:s15+$0x1C60] =	vst v0  }
0x25: {  	[tilespmem:s15+$0x1C70] =	vst v0  }
0x26: {  	[tilespmem:s15+$0x2000] =	vst v0  }
0x27: {  	[tilespmem:s15+$0x2010] =	vst v0  }
0x28: {  	[tilespmem:s15+$0x2020] =	vst v0  }
0x29: {  	[tilespmem:s15+$0x2030] =	vst v0  }
0x2a: {  	[tilespmem:s15+$0x2040] =	vst v0  }
0x2b: {  	[tilespmem:s15+$0x2050] =	vst v0  }
0x2c: {  	[tilespmem:s15+$0x2060] =	vst v0  }
0x2d: {  	[tilespmem:s15+$0x2070] =	vst v0  }
0x2e: {  	[tilespmem:s15+$0x2400] =	vst v0  }
0x2f: {  	[tilespmem:s15+$0x2410] =	vst v0  }
0x30: {  	[tilespmem:s15+$0x2420] =	vst v0  }
0x31: {  	[tilespmem:s15+$0x2430] =	vst v0  }
0x32: {  	s17 =	simm.s32 $0x200;
	s16 =	simm.s32 $0x80;
	[tilespmem:s15+$0x2440] =	vst v0  }
0x33: {  	s18 =	sand.u32 $0x1000, s17;
	s17 =	simm.s32 $0x400;
	s19 =	sand.u32 $0x380, s16;
	[tilespmem:s15+$0x2450] =	vst v0  }
.LBB2_2:
0x34: {  	p0 =	sne.s32 s17, $0x1E00;
	[tilespmem:s15+$0x2460] =	vst v0;
	s15 =	sor.u32 s19, s18  }
0x35: {  	[tilespmem:s15+$0x2470] =	vst v0  }
0x36: {  	[tilespmem:s15+$0x1800] =	vst v0  }
0x37: {  	[tilespmem:s15+$0x1810] =	vst v0  }
0x38: {  	[tilespmem:s15+$0x1820] =	vst v0  }
0x39: {  	[tilespmem:s15+$0x1830] =	vst v0  }
0x3a: {  	[tilespmem:s15+$0x1840] =	vst v0  }
0x3b: {  	[tilespmem:s15+$0x1850] =	vst v0  }
0x3c: {  	[tilespmem:s15+$0x1860] =	vst v0  }
0x3d: {  	[tilespmem:s15+$0x1870] =	vst v0  }
0x3e: {  	[tilespmem:s15+$0x1C00] =	vst v0  }
0x3f: {  	[tilespmem:s15+$0x1C10] =	vst v0  }
0x40: {  	[tilespmem:s15+$0x1C20] =	vst v0  }
0x41: {  	[tilespmem:s15+$0x1C30] =	vst v0  }
0x42: {  	[tilespmem:s15+$0x1C40] =	vst v0  }
0x43: {  	[tilespmem:s15+$0x1C50] =	vst v0  }
0x44: {  	[tilespmem:s15+$0x1C60] =	vst v0  }
0x45: {  	[tilespmem:s15+$0x1C70] =	vst v0  }
0x46: {  	[tilespmem:s15+$0x2000] =	vst v0  }
0x47: {  	[tilespmem:s15+$0x2010] =	vst v0  }
0x48: {  	[tilespmem:s15+$0x2020] =	vst v0  }
0x49: {  	[tilespmem:s15+$0x2030] =	vst v0  }
0x4a: {  	[tilespmem:s15+$0x2040] =	vst v0  }
0x4b: {  	[tilespmem:s15+$0x2050] =	vst v0  }
0x4c: {  	[tilespmem:s15+$0x2060] =	vst v0  }
0x4d: {  	[tilespmem:s15+$0x2070] =	vst v0  }
0x4e: {  	[tilespmem:s15+$0x2400] =	vst v0  }
.Ltmp0:
0x4f: {  	[tilespmem:s15+$0x2410] =	vst v0;
	(pc) =	sbr.rel @p0 .LBB2_2-.Ltmp0, $4  }
0x50: {  	[tilespmem:s15+$0x2420] =	vst v0  }
0x51: {  	[tilespmem:s15+$0x2430] =	vst v0  }
0x52: {  	s16 =	sadd.s32 $0x80, s16;
	[tilespmem:s15+$0x2440] =	vst v0  }
0x53: {  	s18 =	sand.u32 $0x1000, s17;
	s17 =	sadd.s32 $0x200, s17;
	s19 =	sand.u32 $0x380, s16;
	[tilespmem:s15+$0x2450] =	vst v0  }
0x54: {  	s16 =	sor.u32 s19, s18;
	[tilespmem:s15+$0x2460] =	vst v0  }
0x55: {  	[tilespmem:s16+$0x2470] =	vst v0  }
0x56: {  	[tilespmem:s16+$0x1800] =	vst v0  }
0x57: {  	[tilespmem:s16+$0x1810] =	vst v0  }
0x58: {  	[tilespmem:s16+$0x1820] =	vst v0  }
0x59: {  	[tilespmem:s16+$0x1830] =	vst v0  }
0x5a: {  	[tilespmem:s16+$0x1840] =	vst v0  }
0x5b: {  	[tilespmem:s16+$0x1850] =	vst v0  }
0x5c: {  	[tilespmem:s16+$0x1860] =	vst v0  }
0x5d: {  	[tilespmem:s16+$0x1870] =	vst v0  }
0x5e: {  	[tilespmem:s16+$0x1C00] =	vst v0  }
0x5f: {  	[tilespmem:s16+$0x1C10] =	vst v0  }
0x60: {  	[tilespmem:s16+$0x1C20] =	vst v0  }
0x61: {  	[tilespmem:s16+$0x1C30] =	vst v0  }
0x62: {  	[tilespmem:s16+$0x1C40] =	vst v0  }
0x63: {  	[tilespmem:s16+$0x1C50] =	vst v0  }
0x64: {  	[tilespmem:s16+$0x1C60] =	vst v0  }
0x65: {  	[tilespmem:s16+$0x1C70] =	vst v0  }
0x66: {  	[tilespmem:s16+$0x2000] =	vst v0  }
0x67: {  	[tilespmem:s16+$0x2010] =	vst v0  }
0x68: {  	[tilespmem:s16+$0x2020] =	vst v0  }
0x69: {  	[tilespmem:s16+$0x2030] =	vst v0  }
0x6a: {  	[tilespmem:s16+$0x2040] =	vst v0  }
0x6b: {  	[tilespmem:s16+$0x2050] =	vst v0  }
0x6c: {  	[tilespmem:s16+$0x2060] =	vst v0  }
0x6d: {  	[tilespmem:s16+$0x2070] =	vst v0  }
0x6e: {  	[tilespmem:s16+$0x2400] =	vst v0  }
0x6f: {  	[tilespmem:s16+$0x2410] =	vst v0  }
0x70: {  	[tilespmem:s16+$0x2420] =	vst v0  }
0x71: {  	[tilespmem:s16+$0x2430] =	vst v0  }
0x72: {  	[tilespmem:s16+$0x2440] =	vst v0  }
0x73: {  	[tilespmem:s16+$0x2450] =	vst v0  }
0x74: {  	[tilespmem:s16+$0x2460] =	vst v0  }
0x75: {  	_ =	swait.ge [sflag:s8], $0xC00  }
0x76: {  	[sflag:s8] =	ssyncset.done $0x0  }
0x77: {  	[sflag:s8] =	ssyncadd.s32 $0xFFFFF400  }
0x78: {  	_ =	swait.ge [sflag:s8], $0xC00  }
0x79: {  	[sflag:s8] =	ssyncset.done $0x0  }
0x7a: {  	s15 =	simm.s32 $0x0;
	s16 =	simm.s32 $0x0;
	[sflag:s8] =	ssyncadd.s32 $0xFFFFF400  }
.LBB2_4:
0x7b: {  	s17 =	sshra.s32 s16, $0x2  }
0x7c: {  	v2 =	vld [tilespmem:s17+$0x0];
	_ =	sdelay $0x4  }
0x7d: {  	v3 =	vshll.u32 v2, $0x3  }
0x7e: {  	v2 =	vand.u32 $0x7F, v2;
	v3 =	vand.u32 $0xFFFFFC00, v3  }
0x7f: {  	v2 =	vor.u32 v2, v3  }
0x80: {  	v3 =	vld [tilespmem:s17+$0xC00];
	v2 =	vadd.s32 v1, v2;
	_ =	sdelay $0x4  }
0x81: {  	[tilespmem:v2+s9+$0x0] =	vst.idx.add.f32.msk $0xffff, v3  }
0x82: {  	v2 =	vld [tilespmem:s17+$0x10];
	_ =	sdelay $0x4  }
0x83: {  	v3 =	vshll.u32 v2, $0x3  }
0x84: {  	v2 =	vand.u32 $0x7F, v2;
	v3 =	vand.u32 $0xFFFFFC00, v3  }
0x85: {  	v2 =	vor.u32 v2, v3  }
0x86: {  	v3 =	vld [tilespmem:s17+$0xC10];
	v2 =	vadd.s32 v1, v2;
	_ =	sdelay $0x4  }
0x87: {  	[tilespmem:v2+s9+$0x0] =	vst.idx.add.f32.msk $0xffff, v3  }
0x88: {  	v2 =	vld [tilespmem:s17+$0x20];
	_ =	sdelay $0x4  }
0x89: {  	v3 =	vshll.u32 v2, $0x3  }
0x8a: {  	v2 =	vand.u32 $0x7F, v2;
	v3 =	vand.u32 $0xFFFFFC00, v3  }
0x8b: {  	v2 =	vor.u32 v2, v3  }
0x8c: {  	v3 =	vld [tilespmem:s17+$0xC20];
	v2 =	vadd.s32 v1, v2;
	_ =	sdelay $0x4  }
0x8d: {  	[tilespmem:v2+s9+$0x0] =	vst.idx.add.f32.msk $0xffff, v3  }
0x8e: {  	v2 =	vld [tilespmem:s17+$0x30];
	_ =	sdelay $0x4  }
0x8f: {  	v3 =	vshll.u32 v2, $0x3  }
0x90: {  	v2 =	vand.u32 $0x7F, v2;
	v3 =	vand.u32 $0xFFFFFC00, v3  }
0x91: {  	v2 =	vor.u32 v2, v3  }
0x92: {  	v3 =	vld [tilespmem:s17+$0xC30];
	v2 =	vadd.s32 v1, v2;
	_ =	sdelay $0x4  }
0x93: {  	[tilespmem:v2+s9+$0x0] =	vst.idx.add.f32.msk $0xffff, v3  }
0x94: {  	v2 =	vld [tilespmem:s17+$0x40];
	_ =	sdelay $0x4  }
0x95: {  	v3 =	vshll.u32 v2, $0x3  }
0x96: {  	v2 =	vand.u32 $0x7F, v2;
	v3 =	vand.u32 $0xFFFFFC00, v3  }
0x97: {  	v2 =	vor.u32 v2, v3  }
0x98: {  	v3 =	vld [tilespmem:s17+$0xC40];
	v2 =	vadd.s32 v1, v2;
	_ =	sdelay $0x4  }
0x99: {  	[tilespmem:v2+s9+$0x0] =	vst.idx.add.f32.msk $0xffff, v3  }
0x9a: {  	v2 =	vld [tilespmem:s17+$0x50];
	_ =	sdelay $0x4  }
0x9b: {  	v3 =	vshll.u32 v2, $0x3  }
0x9c: {  	v2 =	vand.u32 $0x7F, v2;
	v3 =	vand.u32 $0xFFFFFC00, v3  }
0x9d: {  	v2 =	vor.u32 v2, v3  }
0x9e: {  	v3 =	vld [tilespmem:s17+$0xC50];
	v2 =	vadd.s32 v1, v2;
	_ =	sdelay $0x4  }
0x9f: {  	[tilespmem:v2+s9+$0x0] =	vst.idx.add.f32.msk $0xffff, v3  }
0xa0: {  	v2 =	vld [tilespmem:s17+$0x60];
	_ =	sdelay $0x4  }
0xa1: {  	v3 =	vshll.u32 v2, $0x3  }
0xa2: {  	v2 =	vand.u32 $0x7F, v2;
	v3 =	vand.u32 $0xFFFFFC00, v3  }
0xa3: {  	v2 =	vor.u32 v2, v3  }
0xa4: {  	v3 =	vld [tilespmem:s17+$0xC60];
	v2 =	vadd.s32 v1, v2;
	_ =	sdelay $0x4  }
0xa5: {  	[tilespmem:v2+s9+$0x0] =	vst.idx.add.f32.msk $0xffff, v3  }
0xa6: {  	v2 =	vld [tilespmem:s17+$0x70];
	_ =	sdelay $0x4  }
0xa7: {  	v3 =	vshll.u32 v2, $0x3  }
0xa8: {  	v2 =	vand.u32 $0x7F, v2;
	v3 =	vand.u32 $0xFFFFFC00, v3  }
0xa9: {  	v2 =	vor.u32 v2, v3  }
0xaa: {  	p0 =	sne.s32 s16, $0x2E00;
	v3 =	vld [tilespmem:s17+$0xC70];
	v2 =	vadd.s32 v1, v2  }
.Ltmp1:
0xab: {  	_ = 	snop;
	(pc) =	sbr.rel @p0 .LBB2_4-.Ltmp1, $2  }
0xac: {  	_ =	sdelay $0x2  }
0xad: {  	s16 =	sadd.s32 $0x200, s16;
	[tilespmem:v2+s9+$0x0] =	vst.idx.add.f32.msk $0xffff, v3  }
0xae: {  	s16 =	sand.u32 $0x70, s15;
	s30 =	sand.u32 $0xC00, s15  }
0xaf: {  	s15 =	sor.u32 s16, s30  }
0xb0: {  	v2 =	vld [tilespmem:s15+$0x1880]  }
0xb1: {  	v3 =	vld [tilespmem:s15+$0x1800];
	_ =	sdelay $0x1  }
0xb2: {  	v4 =	vld [tilespmem:s15+$0x1900];
	_ =	sdelay $0x1  }
0xb3: {  	v5 =	vld [tilespmem:s15+$0x1980]  }
0xb4: {  	v2 =	vadd.f32 v2, v3  }
0xb5: {  	v3 =	vld [tilespmem:s15+$0x1A00]  }
0xb6: {  	v2 =	vadd.f32 v4, v2  }
0xb7: {  	v56 =	vld [tilespmem:s15+$0x1A80]  }
0xb8: {  	v2 =	vadd.f32 v5, v2  }
0xb9: {  	v57 =	vld [tilespmem:s15+$0x1B00]  }
0xba: {  	v2 =	vadd.f32 v3, v2  }
0xbb: {  	v3 =	vld [tilespmem:s15+$0x1B80]  }
0xbc: {  	v2 =	vadd.f32 v56, v2  }
0xbd: {  	v58 =	vld [tilespmem:s15+$0x2800]  }
0xbe: {  	v2 =	vadd.f32 v57, v2  }
0xbf: {  	v59 =	vld [tilespmem:s15+$0x2880]  }
0xc0: {  	v2 =	vadd.f32 v3, v2  }
0xc1: {  	v3 =	vld [tilespmem:s15+$0x2900]  }
0xc2: {  	v2 =	vadd.f32 v58, v2  }
0xc3: {  	v60 =	vld [tilespmem:s15+$0x2980]  }
0xc4: {  	v2 =	vadd.f32 v59, v2  }
0xc5: {  	v61 =	vld [tilespmem:s15+$0x2A00]  }
0xc6: {  	v2 =	vadd.f32 v3, v2  }
0xc7: {  	v3 =	vld [tilespmem:s15+$0x2A80]  }
0xc8: {  	v2 =	vadd.f32 v60, v2  }
0xc9: {  	v62 =	vld [tilespmem:s15+$0x2B00]  }
0xca: {  	v2 =	vadd.f32 v61, v2  }
0xcb: {  	v63 =	vld [tilespmem:s15+$0x2B80]  }
0xcc: {  	v2 =	vadd.f32 v3, v2;
	_ =	sdelay $0x1  }
0xcd: {  	v2 =	vadd.f32 v62, v2;
	_ =	sdelay $0x1  }
0xce: {  	s31 =	simm.s32 $0x10;
	s17 =	simm.s32 $0x80;
	v2 =	vadd.f32 v63, v2  }
0xcf: {  	s16 =	sand.u32 $0x70, s31;
	s18 =	sand.u32 $0xC00, s17;
	s15 =	simm.s32 $0x3800  }
0xd0: {  	s16 =	sor.u32 s16, s18;
	s18 =	simm.s32 $0x20;
	[tilespmem:s15+$0x0] =	vst v2  }
.LBB2_6:
0xd1: {  	p0 =	sne.s32 s18, $0x1F0;
	v2 =	vld [tilespmem:s16+$0x1880]  }
0xd2: {  	v3 =	vld [tilespmem:s16+$0x1800];
	_ =	sdelay $0x1  }
0xd3: {  	v4 =	vld [tilespmem:s16+$0x1900];
	_ =	sdelay $0x1  }
0xd4: {  	v5 =	vld [tilespmem:s16+$0x1980]  }
0xd5: {  	v2 =	vadd.f32 v2, v3  }
0xd6: {  	v3 =	vld [tilespmem:s16+$0x1A00]  }
0xd7: {  	v2 =	vadd.f32 v4, v2  }
0xd8: {  	v4 =	vld [tilespmem:s16+$0x1A80]  }
0xd9: {  	v2 =	vadd.f32 v5, v2  }
0xda: {  	v5 =	vld [tilespmem:s16+$0x1B00]  }
0xdb: {  	v2 =	vadd.f32 v3, v2  }
0xdc: {  	v3 =	vld [tilespmem:s16+$0x1B80]  }
0xdd: {  	v2 =	vadd.f32 v4, v2  }
0xde: {  	v4 =	vld [tilespmem:s16+$0x2800]  }
0xdf: {  	v2 =	vadd.f32 v5, v2  }
0xe0: {  	v5 =	vld [tilespmem:s16+$0x2880]  }
0xe1: {  	v2 =	vadd.f32 v3, v2  }
0xe2: {  	v3 =	vld [tilespmem:s16+$0x2900]  }
0xe3: {  	v2 =	vadd.f32 v4, v2  }
0xe4: {  	v4 =	vld [tilespmem:s16+$0x2980]  }
0xe5: {  	v2 =	vadd.f32 v5, v2  }
0xe6: {  	v5 =	vld [tilespmem:s16+$0x2A00]  }
0xe7: {  	v2 =	vadd.f32 v3, v2  }
0xe8: {  	v3 =	vld [tilespmem:s16+$0x2A80]  }
0xe9: {  	v2 =	vadd.f32 v4, v2  }
0xea: {  	v4 =	vld [tilespmem:s16+$0x2B00]  }
0xeb: {  	v2 =	vadd.f32 v5, v2  }
0xec: {  	v5 =	vld [tilespmem:s16+$0x2B80]  }
0xed: {  	v2 =	vadd.f32 v3, v2;
	_ =	sdelay $0x1  }
.Ltmp2:
0xee: {  	v2 =	vadd.f32 v4, v2;
	(pc) =	sbr.rel @p0 .LBB2_6-.Ltmp2, $4  }
0xef: {  	_ = 	snop  }
0xf0: {  	s17 =	sadd.s32 $0x80, s17;
	v2 =	vadd.f32 v5, v2  }
0xf1: {  	s15 =	sadd.s32 $0x10, s15;
	s19 =	sand.u32 $0xC00, s17;
	s16 =	sand.u32 $0x70, s18  }
0xf2: {  	s18 =	sadd.s32 $0x10, s18;
	s16 =	sor.u32 s16, s19;
	[tilespmem:s15+$0x0] =	vst v2  }
0xf3: {  	v2 =	vld [tilespmem:s16+$0x1880]  }
0xf4: {  	v3 =	vld [tilespmem:s16+$0x1800];
	_ =	sdelay $0x1  }
0xf5: {  	v4 =	vld [tilespmem:s16+$0x1900];
	_ =	sdelay $0x1  }
0xf6: {  	v5 =	vld [tilespmem:s16+$0x1980]  }
0xf7: {  	v2 =	vadd.f32 v2, v3  }
0xf8: {  	v3 =	vld [tilespmem:s16+$0x1A00]  }
0xf9: {  	v2 =	vadd.f32 v4, v2  }
0xfa: {  	v56 =	vld [tilespmem:s16+$0x1A80]  }
0xfb: {  	v2 =	vadd.f32 v5, v2  }
0xfc: {  	v57 =	vld [tilespmem:s16+$0x1B00]  }
0xfd: {  	v2 =	vadd.f32 v3, v2  }
0xfe: {  	v3 =	vld [tilespmem:s16+$0x1B80]  }
0xff: {  	v2 =	vadd.f32 v56, v2  }
0x100: {  	v58 =	vld [tilespmem:s16+$0x2800]  }
0x101: {  	v2 =	vadd.f32 v57, v2  }
0x102: {  	v59 =	vld [tilespmem:s16+$0x2880]  }
0x103: {  	v2 =	vadd.f32 v3, v2  }
0x104: {  	v3 =	vld [tilespmem:s16+$0x2900]  }
0x105: {  	v2 =	vadd.f32 v58, v2  }
0x106: {  	v60 =	vld [tilespmem:s16+$0x2980]  }
0x107: {  	v2 =	vadd.f32 v59, v2  }
0x108: {  	v61 =	vld [tilespmem:s16+$0x2A00]  }
0x109: {  	v2 =	vadd.f32 v3, v2  }
0x10a: {  	v3 =	vld [tilespmem:s16+$0x2A80]  }
0x10b: {  	v2 =	vadd.f32 v60, v2  }
0x10c: {  	v62 =	vld [tilespmem:s16+$0x2B00]  }
0x10d: {  	v2 =	vadd.f32 v61, v2  }
0x10e: {  	v63 =	vld [tilespmem:s16+$0x2B80]  }
0x10f: {  	v2 =	vadd.f32 v3, v2;
	_ =	sdelay $0x1  }
0x110: {  	v2 =	vadd.f32 v62, v2;
	_ =	sdelay $0x1  }
0x111: {  	s14 =	sadd.s32 $0x1, s14;
	v2 =	vadd.f32 v63, v2  }
0x112: {  	s15 =	sadd.s32 $0x10, s15;
	p0 =	sne.s32 s14, s6  }
.Ltmp3:
0x113: {  	[tilespmem:s15+$0x0] =	vst v2;
	(pc) =	sbr.rel @p0 .LBB2_1-.Ltmp3, $4  }
0x114: {  	[hbm4b:s5+s10] =	stream.strided.scatter [tilespmem:s12], [sflag:$0x2], $0x200, s11, s10, $0x38;
	[tilespmem:$0x3A00] =	vst v63  }
0x115: {  	_ =	swait.ge [sflag:s13], $0x200  }
0x116: {  	[sflag:s13] =	ssyncset.done $0x0  }
0x117: {  	[sflag:s13] =	ssyncadd.s32 $0xFFFFFE00  }
0x118: {  	_ =	sfence.sel $0x180000  }
0x119: {  	[bflag:$0x0] =	sbarrier.arrive $0xFFFF  }
0x11a: {  	p0 =	sne.s32 s1, $0x0;
	_ =	strace $0x90000047  }
0x11b: {  	s0 =	sadd.s32 @!p0 $0x100000, s0;
	[bflag:$0x2] =	sbarrier.arrive $0xFFFF  }
0x11c: {  	[sflag:s0] =	ssyncadd.tile.s32 @!p0 $0x1;
	_ =	shalt  }
.Lfunc_end2:
_tile_overlayer_lowered:
.L_overlay_start_2:
0x11d: {  	(tag) =	ssettag $0x2  }
0x11e: {  	s0 =	rddreg [dreg:$0x0];
	s2 =	stileid.u32  }
0x11f: {  	s1 =	rddreg [dreg:$0x1];
	p0 =	sne.s32 s2, $0x0  }
0x120: {  	s3 =	rddreg [dreg:$0x2];
	[bflag:$0x3] =	sbarrier.arrive $0xFFFF;
	s2 =	simm.s32 @!p0 $0x1C02  }
0x121: {  	[timem:s3], [sflag:s2] =	dma.local @!p0 [hbm:s0], s1  }
0x122: {  	s0 =	simm.s32 @!p0 $0x2  }
0x123: {  	_ =	swait.ge @!p0 [sflag:s0], s1  }
0x124: {  	s1 =	ssub.s32 @!p0 $0x0, s1;
	[sflag:s0] =	ssyncset.done @!p0 $0x0  }
0x125: {  	[sflag:s0] =	ssyncadd.s32 @!p0 s1  }
0x126: {  	[bflag:$0x3] =	sbarrier.arrive $0xFFFF  }
0x127: {  	_ =	shalt  }

// kernel: kernel.14.cloned.1.call-start
scs
__scs_entry_jumppad:
0x0: {  	(pc) =	sbr.rel $0x88, $3  }
0x1: {  	(tag) =	ssettag $0x0;
	lr =	simm.s32 $0x1  }
0x2: {  	[smem:$0x3F9D] =	sst lr;
	_ =	strace $0xD0000000  }
0x3: {  	_ = 	snop  }
0x4: {  	_ = 	snop  }
0x5: {  	_ = 	snop  }
0x6: {  	_ = 	snop  }
0x7: {  	_ = 	snop  }
__scs_overlays_trampoline_lowered:
0x8: {  	[smem:$0x3FAC] =	sst s0  }
0x9: {  	[smem:$0x3FAD] =	sst s1  }
0xa: {  	[smem:$0x3FAE] =	sst s2  }
0xb: {  	[smem:$0x3FAF] =	sst s3  }
0xc: {  	[smem:$0x3FB0] =	sst s4  }
0xd: {  	[smem:$0x3FB1] =	sst s5  }
0xe: {  	[smem:$0x3FB2] =	sst s6  }
0xf: {  	[smem:$0x3FB3] =	sst s7  }
0x10: {  	[smem:$0x3FB4] =	sst s8  }
0x11: {  	[smem:$0x3FB5] =	sst s9;
	s0 =	simm.s32 @!p0 $0x0  }
0x12: {  	s1 =	sld [smem:$0x3F9B];
	s0 =	simm.s32 @p0 $0x1  }
0x13: {  	[smem:$0x3FB6] =	sst s0;
	s0 =	simm.s32 @!p1 $0x0  }
0x14: {  	s2 =	sld [smem:$0x3F9A];
	s0 =	simm.s32 @p1 $0x1  }
0x15: {  	[smem:$0x3FB7] =	sst s0;
	s0 =	simm.s32 @!p2 $0x0  }
0x16: {  	s3 =	sld [smem:$0x3FDB];
	s0 =	simm.s32 @p2 $0x1  }
0x17: {  	s4 =	simm.s32 $0x1BF5;
	[smem:$0x3FB9] =	sst s0  }
0x18: {  	s0 =	sld [smem:$0x3F9C];
	_ =	swait.ge [sflag:s4], $0x0  }
0x19: {  	s7 =	sld [smem:$0x3F9D]  }
0x1a: {  	s8 =	sadd.s32 $0xFFFFE003, lr  }
0x1b: {  	s9 =	sadd.s32 $0xFFFFFEF7, lr;
	s5 =	simm.s32 $0xFFFFFFFF;
	p2 =	slt.u32 s8, $0xFFFFF086  }
0x1c: {  	p1 =	slt.u32 s9, $0xF7A;
	s5 =	simm.s32 @!p2 $0x0  }
0x1d: {  	s5 =	simm.s32 @p1 $0x1;
	p0 =	seq.s32 s7, s2  }
0x1e: {  	s7 =	smul.u32 @!p0 $0xF7A, s2;
	p2 =	seq.s32 @!p0 s5, $0x0  }
0x1f: {  	s9 =	smul.u32 $0xF7A, s1;
	s8 =	simm.s32 @!p0 $0x1BF5;
	p2 =	por !p2, p0  }
0x20: {  	[sflag:s8] =	ssyncset.s32 @!p0 $0xFFFFF086;
	s6 =	sadd.s32 @!p0 s3, s7;
	s7 =	simm.s32 @!p0 $0x108  }
0x21: {  	s3 =	sadd.s32 s3, s9;
	s6 =	sadd.s32 @!p0 $0x88, s6;
	s7 =	simm.s32 @p2 $0x1082  }
0x22: {  	[simem:s7], [sflag:s8] =	dma.local @!p0 [hbm:s6], $0xF7A  }
0x23: {  	s9 =	sor.u32 $0xD0000000, s2;
	s6 =	simm.s32 $0x108;
	_ =	swait.ge @!p0 [sflag:s8], $0x0  }
0x24: {  	s3 =	sadd.s32 $0x88, s3;
	s6 =	simm.s32 @!p1 $0x1082;
	[sflag:s4] =	ssyncset.s32 $0xFFFFF086  }
0x25: {  	[simem:s6], [sflag:s4] =	dma.local [hbm:s3], $0xF7A  }
0x26: {  	[smem:$0x3F9D] =	sst s1;
	(tag) =	ssettag s2;
	_ =	strace s9  }
0x27: {  	s1 =	sld [smem:$0x3FAD]  }
0x28: {  	s2 =	sld [smem:$0x3FAE]  }
0x29: {  	s4 =	sld [smem:$0x3FB0]  }
0x2a: {  	p0 =	seq.s32 s5, $0x0;
	s5 =	sld [smem:$0x3FB1]  }
0x2b: {  	s6 =	sld [smem:$0x3FB2]  }
0x2c: {  	s7 =	sld [smem:$0x3FB3]  }
0x2d: {  	s3 =	simm.s32 $0x108;
	s8 =	sld [smem:$0x3FB4]  }
0x2e: {  	s3 =	simm.s32 @!p0 $0x1082;
	s9 =	sld [smem:$0x3FB5]  }
0x2f: {  	lr =	sadd.s32 s0, s3;
	s0 =	sld [smem:$0x3FAC]  }
0x30: {  	s3 =	sld [smem:$0x3FAF]  }
0x31: {  	[smem:$0x3FB8] =	sst s10  }
0x32: {  	s10 =	sld [smem:$0x3FB6];
	_ =	sdelay $0x3  }
0x33: {  	p0 =	seq.s32 s10, $0x1;
	s10 =	sld [smem:$0x3FB8];
	_ =	sdelay $0x3  }
0x34: {  	[smem:$0x3FB8] =	sst s10  }
0x35: {  	s10 =	sld [smem:$0x3FB7];
	_ =	sdelay $0x3  }
0x36: {  	p1 =	seq.s32 s10, $0x1;
	s10 =	sld [smem:$0x3FB8];
	_ =	sdelay $0x3  }
0x37: {  	[smem:$0x3FB8] =	sst s10  }
0x38: {  	s10 =	sld [smem:$0x3FB9]  }
0x39: {  	_ = 	snop;
	(pc) =	sbr.ind lr, $3  }
0x3a: {  	_ = 	snop  }
0x3b: {  	_ = 	snop  }
0x3c: {  	p2 =	seq.s32 s10, $0x1;
	s10 =	sld [smem:$0x3FB8]  }
0x3d: {  	_ =	shalt  }
0x3e: {  	_ =	shalt  }
0x3f: {  	_ =	shalt  }
0x40: {  	_ =	shalt  }
0x41: {  	_ =	shalt  }
0x42: {  	_ =	shalt  }
0x43: {  	_ =	shalt  }
0x44: {  	_ =	shalt  }
0x45: {  	_ =	shalt  }
0x46: {  	_ =	shalt  }
0x47: {  	_ =	shalt  }
0x48: {  	_ =	shalt  }
0x49: {  	_ =	shalt  }
0x4a: {  	_ =	shalt  }
0x4b: {  	_ =	shalt  }
0x4c: {  	_ =	shalt  }
0x4d: {  	_ =	shalt  }
0x4e: {  	_ =	shalt  }
0x4f: {  	_ =	shalt  }
0x50: {  	_ =	shalt  }
0x51: {  	_ =	shalt  }
0x52: {  	_ =	shalt  }
0x53: {  	_ =	shalt  }
0x54: {  	_ =	shalt  }
0x55: {  	_ =	shalt  }
0x56: {  	_ =	shalt  }
0x57: {  	_ =	shalt  }
0x58: {  	_ =	shalt  }
0x59: {  	_ =	shalt  }
0x5a: {  	_ =	shalt  }
0x5b: {  	_ =	shalt  }
0x5c: {  	_ =	shalt  }
0x5d: {  	_ =	shalt  }
0x5e: {  	_ =	shalt  }
0x5f: {  	_ =	shalt  }
0x60: {  	_ =	shalt  }
0x61: {  	_ =	shalt  }
0x62: {  	_ =	shalt  }
0x63: {  	_ =	shalt  }
0x64: {  	_ =	shalt  }
0x65: {  	_ =	shalt  }
0x66: {  	_ =	shalt  }
0x67: {  	_ =	shalt  }
0x68: {  	_ =	shalt  }
0x69: {  	_ =	shalt  }
0x6a: {  	_ =	shalt  }
0x6b: {  	_ =	shalt  }
0x6c: {  	_ =	shalt  }
0x6d: {  	_ =	shalt  }
0x6e: {  	_ =	shalt  }
0x6f: {  	_ =	shalt  }
0x70: {  	_ =	shalt  }
0x71: {  	_ =	shalt  }
0x72: {  	_ =	shalt  }
0x73: {  	_ =	shalt  }
0x74: {  	_ =	shalt  }
0x75: {  	_ =	shalt  }
0x76: {  	_ =	shalt  }
0x77: {  	_ =	shalt  }
0x78: {  	_ =	shalt  }
0x79: {  	_ =	shalt  }
0x7a: {  	_ =	shalt  }
0x7b: {  	_ =	shalt  }
0x7c: {  	_ =	shalt  }
0x7d: {  	_ =	shalt  }
0x7e: {  	_ =	shalt  }
0x7f: {  	_ =	shalt  }
0x80: {  	_ =	shalt  }
0x81: {  	_ =	shalt  }
0x82: {  	_ =	shalt  }
0x83: {  	_ =	shalt  }
0x84: {  	_ =	shalt  }
0x85: {  	_ =	shalt  }
0x86: {  	_ =	shalt  }
0x87: {  	_ =	shalt  }
.Lfunc_end0:
.L_simem_size_0:
called_computation.1_lowered:
.L_overlay_start_0:
0x88: {  	s2 =	sld [smem:$0x3FD9]  }
0x89: {  	s3 =	sld [smem:$0x3FFE];
	_ =	sdelay $0x1  }
0x8a: {  	s1 =	srdreg.scid  }
0x8b: {  	s0 =	sand.u32 $0x1, s1  }
0x8c: {  	s17 =	sshll.u32 s0, $0xA;
	s2 =	sadd.s32 s3, s2  }
0x8d: {  	s2 =	sadd.s32 s2, s17  }
0x8e: {  	[smem:$0x3FC4] =	sst s2  }
0x8f: {  	_ = 	snop  }
0x90: {  	s18 =	sld [smem:$0x3FC8];
	(tm) =	ssettm $0x1  }
0x91: {  	s19 =	sld [smem:$0x3FFB];
	_ =	sdelay $0x3  }
0x92: {  	_ =	strace s19  }
0x93: {  	s2 =	sld [smem:$0x3FFC];
	_ =	sdelay $0x3  }
0x94: {  	_ =	strace s2  }
0x95: {  	s2 =	sld [smem:$0x3FFD];
	_ =	sdelay $0x3  }
0x96: {  	_ =	strace s2  }
0x97: {  	_ =	strace $0x8FFFFFFF  }
0x98: {  	s20 =	sld [smem:$0x3FDB];
	_ =	sdelay $0x1  }
0x99: {  	s4 =	simm.s32 $_scs_section_size  }
0x9a: {  	s5 =	simm.s32 $_size__tile_overlayer_lowered;
	s6 =	simm.s32 $_tile_overlayer_lowered  }
0x9b: {  	s7 =	simm.s32 $0x1BFF;
	s21 =	sshll.u32 s6, $0x1;
	s4 =	sadd.s32 s4, s20  }
0x9c: {  	s22 =	simm.s32 $0x0;
	s5 =	sshll.u32 s5, $0x1;
	s6 =	sadd.s32 s21, s4  }
0x9d: {  	[timem:s22], [sflag:s7] =	dma.local [hbm:s6], s5  }
0x9e: {  	_ =	swait.ge [sflag:s7], s5  }
0x9f: {  	s5 =	ssub.s32 $0x0, s5;
	[sflag:s7] =	ssyncset.done $0x0  }
0xa0: {  	[sflag:s7] =	ssyncadd.s32 s5;
	_ =	sdelay $0x1  }
0xa1: {  	s23 =	simm.s32 $0x1B8B  }
0xa2: {  	_ =	swait.ge [sflag:s23], $0x1  }
0xa3: {  	[sflag:s23] =	ssyncset.done $0x0  }
0xa4: {  	[sflag:s23] =	ssyncadd.s32 $0xFFFFFFFF  }
0xa5: {  	s5 =	sld [smem:$0x0]  }
0xa6: {  	s6 =	sand.u32 $0xFFFFFFFE, s1  }
0xa7: {  	p0 =	sne.s32 s1, s6  }
0xa8: {  	s6 =	sshll.u32 @p0 s6, $0xE  }
0xa9: {  	s6 =	sadd.s32 @p0 $0x11B8D, s6;
	s7 =	sshll.u32 @p0 s5, $0x11  }
0xaa: {  	s6 =	sor.u32 @p0 s7, s6  }
0xab: {  	[sflag:s6] =	ssyncadd.remote.s32 @p0 $0x1;
	_ =	sdelay $0x1  }
0xac: {  	s6 =	simm.s32 @p0 $0x1B8D  }
0xad: {  	_ =	swait.eq @p0 [sflag:s6], $0x1  }
0xae: {  	[sflag:s6] =	ssyncadd.s32 @p0 $0xFFFFFFFF  }
0xaf: {  	s7 =	sshll.u32 @!p0 s1, $0xE  }
0xb0: {  	s7 =	sor.u32 @!p0 $0x4000, s7;
	s6 =	simm.s32 @!p0 $0x1B8D  }
0xb1: {  	s5 =	sshll.u32 @!p0 s5, $0x11;
	s7 =	sadd.s32 @!p0 $0x11B8D, s7;
	_ =	swait.eq @!p0 [sflag:s6], $0x1  }
0xb2: {  	s5 =	sor.u32 @!p0 s5, s7;
	[sflag:s6] =	ssyncadd.s32 @!p0 $0xFFFFFFFF  }
0xb3: {  	s25 =	simm.s32 $0x1B8E;
	s24 =	sld [smem:$0x3FFE];
	[sflag:s5] =	ssyncadd.remote.s32 @!p0 $0x1  }
0xb4: {  	s26 =	simm.s32 $execute0_lowered;
	[smem:$0x3FD2] =	sst s25  }
0xb5: {  	s6 =	sshll.u32 s26, $0x1;
	_ =	strace $0x80000049;
	[dreg:$0x1] =	wrdreg $0xFFFFFFFF  }
0xb6: {  	s28 =	simm.s32 $_size_execute0_lowered;
	s4 =	sadd.s32 s4, s6;
	[dreg:$0x0] =	wrdreg $0x0  }
0xb7: {  	s6 =	sshll.u32 s28, $0x1;
	[dreg:$0x2] =	wrdreg s4  }
0xb8: {  	[dreg:$0x3] =	wrdreg s6  }
0xb9: {  	[dreg:$0x4] =	wrdreg $0xC0  }
0xba: {  	_ =	task [dreg:s22], $0x5FFFF  }
0xbb: {  	[dreg:$0x1] =	wrdreg $0xFFFFFFFF  }
0xbc: {  	[dreg:$0x0] =	wrdreg $0x60  }
0xbd: {  	[dreg:$0x2] =	wrdreg s18  }
0xbe: {  	[dreg:$0x3] =	wrdreg s24  }
0xbf: {  	[dreg:$0x4] =	wrdreg $0xA  }
0xc0: {  	_ =	task.clear_ibuf [dreg:s22], $0x5FFFF;
	_ =	strace $0x90000049  }
0xc1: {  	s29 =	simm.s32 $0xA;
	_ =	strace $0x8000004B  }
0xc2: {  	_ =	swait.ge [sflag:s29], $0x1  }
0xc3: {  	[sflag:s29] =	ssyncadd.s32 $0xFFFFFFFF  }
0xc4: {  	_ =	strace $0x9000004B  }
0xc5: {  	_ =	sfence  }
0xc6: {  	s30 =	sld [smem:$0x0];
	_ =	sdelay $0x2  }
0xc7: {  	s31 =	sshll.u32 s1, $0xD;
	s1 =	sshrl.u32 s1, $0x2  }
0xc8: {  	s4 =	sand.u32 $0x4000, s31;
	s1 =	sadd.s32 s1, s30  }
0xc9: {  	s0 =	sor.u32 s4, s0;
	s1 =	sshll.u32 s1, $0x11  }
0xca: {  	s0 =	sor.u32 s1, s0  }
0xcb: {  	s0 =	sadd.s32 $0x8F2B, s0  }
0xcc: {  	[sflag:s0] =	ssyncadd.remote.s32 $0x1  }
0xcd: {  	_ =	sfence.sel $0xFFFF  }
0xce: {  	[dreg:$0x0] =	wrdreg $0xFFFFFFFF;
	(pc) =	sbr.abs _section_cstart, $3  }
0xcf: {  	[dreg:$0x1] =	wrdreg $0xFFFFFFFF  }
0xd0: {  	_ =	task.clear_ibuf [dreg:s22], $0x2FFFF;
	_ =	strace $0x9FFFFFFF  }
0xd1: {  	(tm) =	ssettm $0x7FFFFFFF  }
tec
execute0_lowered:
.L_overlay_start_1:
0x0: {  	(tag) =	ssettag $0x1  }
0x1: {  	v0 =	vimm.s32 $0x1380;
	vm0 =	vcmask $0x300  }
0x2: {  	vm14 =	vcmask $0x704;
	v0 =	vsel vm0, $0x0, v0  }
0x3: {  	vm15 =	vcmask $0xB08;
	v0 =	vsel vm14, $0x80, v0  }
0x4: {  	s3 =	rddreg [dreg:$0x0];
	s1 =	srdreg.scid;
	vm4 =	vcmask $0xF0C;
	v0 =	vsel vm15, $0x100, v0  }
0x5: {  	s0 =	stileid.u32;
	s4 =	rddreg [dreg:$0x1];
	vm5 =	vcmask $0x1310;
	v0 =	vsel vm4, $0x180, v0  }
0x6: {  	s2 =	simm.s32 $0x0;
	vm6 =	vcmask $0x1714;
	s10 =	simm.s32 $0x80;
	s11 =	simm.s32 $0x400;
	v0 =	vsel vm5, $0x200, v0  }
0x7: {  	vm7 =	vcmask $0x1B18;
	s12 =	simm.s32 $0x3800;
	s13 =	simm.s32 $0x2;
	s14 =	simm.s32 $0x0;
	v0 =	vsel vm6, $0x280, v0  }
0x8: {  	vm8 =	vcmask $0x1F1C;
	s5 =	sand.u32 $0x1, s1;
	s6 =	sshll.u32 s0, $0x1;
	s1 =	rddreg [dreg:$0x2];
	v0 =	vsel vm7, $0x300, v0  }
0x9: {  	vm9 =	vcmask $0x2320;
	[smem:$0x7FF] =	sst s2;
	s8 =	sshll.u32 s0, $0x7;
	s6 =	sor.u32 s5, s6;
	v0 =	vsel vm8, $0x380, v0  }
0xa: {  	vm10 =	vcmask $0x2724;
	_ =	strace $0x8000004A;
	s8 =	sand.u32 $0x600, s8;
	s7 =	smul.u32 $0x180, s6;
	v0 =	vsel vm9, $0x1000, v0  }
0xb: {  	vm11 =	vcmask $0x2B28;
	s5 =	ssub.s32 $0x2, s5;
	s9 =	smul.u32 $0xC00, s6;
	s6 =	sshll.u32 s6, $0x4;
	v0 =	vsel vm10, $0x1080, v0  }
0xc: {  	vm12 =	vcmask $0x2F2C;
	s30 =	sshrl.u32 s5, $0x1;
	s6 =	sand.u32 $0x70, s6;
	s7 =	sadd.s32 s7, s4;
	v0 =	vsel vm11, $0x1100, v0  }
0xd: {  	vm13 =	vcmask $0x3330;
	s4 =	sadd.s32 s8, s4;
	s9 =	sshrl.u32 s9, $0x3;
	s8 =	ssub.s32 s5, s30;
	v0 =	vsel vm12, $0x1180, v0  }
0xe: {  	vm14 =	vcmask $0x3734;
	s3 =	sadd.s32 s3, s9;
	s31 =	sadd.s32 s6, s4;
	s4 =	sadd.s32 $0x5C00, s7;
	v0 =	vsel vm13, $0x1200, v0  }
0xf: {  	vm15 =	vcmask $0x3B38;
	s6 =	smax.u32 s8, $0x1;
	s7 =	simm.s32 $0xC00;
	s8 =	simm.s32 $0x1;
	v1 =	vsel vm14, $0x1280, v0  }
0x10: {  	s9 =	simm.s32 $0x1800;
	s3 =	sadd.s32 $0x3000, s3;
	s5 =	sadd.s32 $0x8C00, s31;
	v0 =	vimm.f32 $0.0e+00;
	v1 =	vsel vm15, $0x1300, v1  }
.LBB2_1:
0x11: {  	[tilespmem:s2], [sflag:$0x1] =	stream.linear.gather [hbm4b:s3+s2], $0xC00, $0x38;
	[tilespmem:$0x3A00] =	vst v63  }
0x12: {  	s15 =	sand.u32 $0x1000, s2;
	s16 =	sand.u32 $0x380, s2  }
0x13: {  	s15 =	sor.u32 s16, s15  }
0x14: {  	[tilespmem:s7], [sflag:$0x1] =	stream.linear.gather [hbm4b:s4+s2], $0xC00, $0x38;
	[tilespmem:$0x3A00] =	vst v63  }
0x15: {  	[tilespmem:s15+$0x2470] =	vst v0  }
0x16: {  	[tilespmem:s15+$0x1800] =	vst v0  }
0x17: {  	[tilespmem:s15+$0x1810] =	vst v0  }
0x18: {  	[tilespmem:s15+$0x1820] =	vst v0  }
0x19: {  	[tilespmem:s15+$0x1830] =	vst v0  }
0x1a: {  	[tilespmem:s15+$0x1840] =	vst v0  }
0x1b: {  	[tilespmem:s15+$0x1850] =	vst v0  }
0x1c: {  	[tilespmem:s15+$0x1860] =	vst v0  }
0x1d: {  	[tilespmem:s15+$0x1870] =	vst v0  }
0x1e: {  	[tilespmem:s15+$0x1C00] =	vst v0  }
0x1f: {  	[tilespmem:s15+$0x1C10] =	vst v0  }
0x20: {  	[tilespmem:s15+$0x1C20] =	vst v0  }
0x21: {  	[tilespmem:s15+$0x1C30] =	vst v0  }
0x22: {  	[tilespmem:s15+$0x1C40] =	vst v0  }
0x23: {  	[tilespmem:s15+$0x1C50] =	vst v0  }
0x24: {  	[tilespmem:s15+$0x1C60] =	vst v0  }
0x25: {  	[tilespmem:s15+$0x1C70] =	vst v0  }
0x26: {  	[tilespmem:s15+$0x2000] =	vst v0  }
0x27: {  	[tilespmem:s15+$0x2010] =	vst v0  }
0x28: {  	[tilespmem:s15+$0x2020] =	vst v0  }
0x29: {  	[tilespmem:s15+$0x2030] =	vst v0  }
0x2a: {  	[tilespmem:s15+$0x2040] =	vst v0  }
0x2b: {  	[tilespmem:s15+$0x2050] =	vst v0  }
0x2c: {  	[tilespmem:s15+$0x2060] =	vst v0  }
0x2d: {  	[tilespmem:s15+$0x2070] =	vst v0  }
0x2e: {  	[tilespmem:s15+$0x2400] =	vst v0  }
0x2f: {  	[tilespmem:s15+$0x2410] =	vst v0  }
0x30: {  	[tilespmem:s15+$0x2420] =	vst v0  }
0x31: {  	[tilespmem:s15+$0x2430] =	vst v0  }
0x32: {  	s17 =	simm.s32 $0x200;
	s16 =	simm.s32 $0x80;
	[tilespmem:s15+$0x2440] =	vst v0  }
0x33: {  	s18 =	sand.u32 $0x1000, s17;
	s17 =	simm.s32 $0x400;
	s19 =	sand.u32 $0x380, s16;
	[tilespmem:s15+$0x2450] =	vst v0  }
.LBB2_2:
0x34: {  	p0 =	sne.s32 s17, $0x1E00;
	[tilespmem:s15+$0x2460] =	vst v0;
	s15 =	sor.u32 s19, s18  }
0x35: {  	[tilespmem:s15+$0x2470] =	vst v0  }
0x36: {  	[tilespmem:s15+$0x1800] =	vst v0  }
0x37: {  	[tilespmem:s15+$0x1810] =	vst v0  }
0x38: {  	[tilespmem:s15+$0x1820] =	vst v0  }
0x39: {  	[tilespmem:s15+$0x1830] =	vst v0  }
0x3a: {  	[tilespmem:s15+$0x1840] =	vst v0  }
0x3b: {  	[tilespmem:s15+$0x1850] =	vst v0  }
0x3c: {  	[tilespmem:s15+$0x1860] =	vst v0  }
0x3d: {  	[tilespmem:s15+$0x1870] =	vst v0  }
0x3e: {  	[tilespmem:s15+$0x1C00] =	vst v0  }
0x3f: {  	[tilespmem:s15+$0x1C10] =	vst v0  }
0x40: {  	[tilespmem:s15+$0x1C20] =	vst v0  }
0x41: {  	[tilespmem:s15+$0x1C30] =	vst v0  }
0x42: {  	[tilespmem:s15+$0x1C40] =	vst v0  }
0x43: {  	[tilespmem:s15+$0x1C50] =	vst v0  }
0x44: {  	[tilespmem:s15+$0x1C60] =	vst v0  }
0x45: {  	[tilespmem:s15+$0x1C70] =	vst v0  }
0x46: {  	[tilespmem:s15+$0x2000] =	vst v0  }
0x47: {  	[tilespmem:s15+$0x2010] =	vst v0  }
0x48: {  	[tilespmem:s15+$0x2020] =	vst v0  }
0x49: {  	[tilespmem:s15+$0x2030] =	vst v0  }
0x4a: {  	[tilespmem:s15+$0x2040] =	vst v0  }
0x4b: {  	[tilespmem:s15+$0x2050] =	vst v0  }
0x4c: {  	[tilespmem:s15+$0x2060] =	vst v0  }
0x4d: {  	[tilespmem:s15+$0x2070] =	vst v0  }
0x4e: {  	[tilespmem:s15+$0x2400] =	vst v0  }
.Ltmp0:
0x4f: {  	[tilespmem:s15+$0x2410] =	vst v0;
	(pc) =	sbr.rel @p0 .LBB2_2-.Ltmp0, $4  }
0x50: {  	[tilespmem:s15+$0x2420] =	vst v0  }
0x51: {  	[tilespmem:s15+$0x2430] =	vst v0  }
0x52: {  	s16 =	sadd.s32 $0x80, s16;
	[tilespmem:s15+$0x2440] =	vst v0  }
0x53: {  	s18 =	sand.u32 $0x1000, s17;
	s17 =	sadd.s32 $0x200, s17;
	s19 =	sand.u32 $0x380, s16;
	[tilespmem:s15+$0x2450] =	vst v0  }
0x54: {  	s16 =	sor.u32 s19, s18;
	[tilespmem:s15+$0x2460] =	vst v0  }
0x55: {  	[tilespmem:s16+$0x2470] =	vst v0  }
0x56: {  	[tilespmem:s16+$0x1800] =	vst v0  }
0x57: {  	[tilespmem:s16+$0x1810] =	vst v0  }
0x58: {  	[tilespmem:s16+$0x1820] =	vst v0  }
0x59: {  	[tilespmem:s16+$0x1830] =	vst v0  }
0x5a: {  	[tilespmem:s16+$0x1840] =	vst v0  }
0x5b: {  	[tilespmem:s16+$0x1850] =	vst v0  }
0x5c: {  	[tilespmem:s16+$0x1860] =	vst v0  }
0x5d: {  	[tilespmem:s16+$0x1870] =	vst v0  }
0x5e: {  	[tilespmem:s16+$0x1C00] =	vst v0  }
0x5f: {  	[tilespmem:s16+$0x1C10] =	vst v0  }
0x60: {  	[tilespmem:s16+$0x1C20] =	vst v0  }
0x61: {  	[tilespmem:s16+$0x1C30] =	vst v0  }
0x62: {  	[tilespmem:s16+$0x1C40] =	vst v0  }
0x63: {  	[tilespmem:s16+$0x1C50] =	vst v0  }
0x64: {  	[tilespmem:s16+$0x1C60] =	vst v0  }
0x65: {  	[tilespmem:s16+$0x1C70] =	vst v0  }
0x66: {  	[tilespmem:s16+$0x2000] =	vst v0  }
0x67: {  	[tilespmem:s16+$0x2010] =	vst v0  }
0x68: {  	[tilespmem:s16+$0x2020] =	vst v0  }
0x69: {  	[tilespmem:s16+$0x2030] =	vst v0  }
0x6a: {  	[tilespmem:s16+$0x2040] =	vst v0  }
0x6b: {  	[tilespmem:s16+$0x2050] =	vst v0  }
0x6c: {  	[tilespmem:s16+$0x2060] =	vst v0  }
0x6d: {  	[tilespmem:s16+$0x2070] =	vst v0  }
0x6e: {  	[tilespmem:s16+$0x2400] =	vst v0  }
0x6f: {  	[tilespmem:s16+$0x2410] =	vst v0  }
0x70: {  	[tilespmem:s16+$0x2420] =	vst v0  }
0x71: {  	[tilespmem:s16+$0x2430] =	vst v0  }
0x72: {  	[tilespmem:s16+$0x2440] =	vst v0  }
0x73: {  	[tilespmem:s16+$0x2450] =	vst v0  }
0x74: {  	[tilespmem:s16+$0x2460] =	vst v0  }
0x75: {  	_ =	swait.ge [sflag:s8], $0xC00  }
0x76: {  	[sflag:s8] =	ssyncset.done $0x0  }
0x77: {  	[sflag:s8] =	ssyncadd.s32 $0xFFFFF400  }
0x78: {  	_ =	swait.ge [sflag:s8], $0xC00  }
0x79: {  	[sflag:s8] =	ssyncset.done $0x0  }
0x7a: {  	s15 =	simm.s32 $0x0;
	s16 =	simm.s32 $0x0;
	[sflag:s8] =	ssyncadd.s32 $0xFFFFF400  }
.LBB2_4:
0x7b: {  	s17 =	sshra.s32 s16, $0x2  }
0x7c: {  	v2 =	vld [tilespmem:s17+$0x0];
	_ =	sdelay $0x4  }
0x7d: {  	v3 =	vshll.u32 v2, $0x3  }
0x7e: {  	v2 =	vand.u32 $0x7F, v2;
	v3 =	vand.u32 $0xFFFFFC00, v3  }
0x7f: {  	v2 =	vor.u32 v2, v3  }
0x80: {  	v3 =	vld [tilespmem:s17+$0xC00];
	v2 =	vadd.s32 v1, v2;
	_ =	sdelay $0x4  }
0x81: {  	[tilespmem:v2+s9+$0x0] =	vst.idx.add.f32.msk $0xffff, v3  }
0x82: {  	v2 =	vld [tilespmem:s17+$0x10];
	_ =	sdelay $0x4  }
0x83: {  	v3 =	vshll.u32 v2, $0x3  }
0x84: {  	v2 =	vand.u32 $0x7F, v2;
	v3 =	vand.u32 $0xFFFFFC00, v3  }
0x85: {  	v2 =	vor.u32 v2, v3  }
0x86: {  	v3 =	vld [tilespmem:s17+$0xC10];
	v2 =	vadd.s32 v1, v2;
	_ =	sdelay $0x4  }
0x87: {  	[tilespmem:v2+s9+$0x0] =	vst.idx.add.f32.msk $0xffff, v3  }
0x88: {  	v2 =	vld [tilespmem:s17+$0x20];
	_ =	sdelay $0x4  }
0x89: {  	v3 =	vshll.u32 v2, $0x3  }
0x8a: {  	v2 =	vand.u32 $0x7F, v2;
	v3 =	vand.u32 $0xFFFFFC00, v3  }
0x8b: {  	v2 =	vor.u32 v2, v3  }
0x8c: {  	v3 =	vld [tilespmem:s17+$0xC20];
	v2 =	vadd.s32 v1, v2;
	_ =	sdelay $0x4  }
0x8d: {  	[tilespmem:v2+s9+$0x0] =	vst.idx.add.f32.msk $0xffff, v3  }
0x8e: {  	v2 =	vld [tilespmem:s17+$0x30];
	_ =	sdelay $0x4  }
0x8f: {  	v3 =	vshll.u32 v2, $0x3  }
0x90: {  	v2 =	vand.u32 $0x7F, v2;
	v3 =	vand.u32 $0xFFFFFC00, v3  }
0x91: {  	v2 =	vor.u32 v2, v3  }
0x92: {  	v3 =	vld [tilespmem:s17+$0xC30];
	v2 =	vadd.s32 v1, v2;
	_ =	sdelay $0x4  }
0x93: {  	[tilespmem:v2+s9+$0x0] =	vst.idx.add.f32.msk $0xffff, v3  }
0x94: {  	v2 =	vld [tilespmem:s17+$0x40];
	_ =	sdelay $0x4  }
0x95: {  	v3 =	vshll.u32 v2, $0x3  }
0x96: {  	v2 =	vand.u32 $0x7F, v2;
	v3 =	vand.u32 $0xFFFFFC00, v3  }
0x97: {  	v2 =	vor.u32 v2, v3  }
0x98: {  	v3 =	vld [tilespmem:s17+$0xC40];
	v2 =	vadd.s32 v1, v2;
	_ =	sdelay $0x4  }
0x99: {  	[tilespmem:v2+s9+$0x0] =	vst.idx.add.f32.msk $0xffff, v3  }
0x9a: {  	v2 =	vld [tilespmem:s17+$0x50];
	_ =	sdelay $0x4  }
0x9b: {  	v3 =	vshll.u32 v2, $0x3  }
0x9c: {  	v2 =	vand.u32 $0x7F, v2;
	v3 =	vand.u32 $0xFFFFFC00, v3  }
0x9d: {  	v2 =	vor.u32 v2, v3  }
0x9e: {  	v3 =	vld [tilespmem:s17+$0xC50];
	v2 =	vadd.s32 v1, v2;
	_ =	sdelay $0x4  }
0x9f: {  	[tilespmem:v2+s9+$0x0] =	vst.idx.add.f32.msk $0xffff, v3  }
0xa0: {  	v2 =	vld [tilespmem:s17+$0x60];
	_ =	sdelay $0x4  }
0xa1: {  	v3 =	vshll.u32 v2, $0x3  }
0xa2: {  	v2 =	vand.u32 $0x7F, v2;
	v3 =	vand.u32 $0xFFFFFC00, v3  }
0xa3: {  	v2 =	vor.u32 v2, v3  }
0xa4: {  	v3 =	vld [tilespmem:s17+$0xC60];
	v2 =	vadd.s32 v1, v2;
	_ =	sdelay $0x4  }
0xa5: {  	[tilespmem:v2+s9+$0x0] =	vst.idx.add.f32.msk $0xffff, v3  }
0xa6: {  	v2 =	vld [tilespmem:s17+$0x70];
	_ =	sdelay $0x4  }
0xa7: {  	v3 =	vshll.u32 v2, $0x3  }
0xa8: {  	v2 =	vand.u32 $0x7F, v2;
	v3 =	vand.u32 $0xFFFFFC00, v3  }
0xa9: {  	v2 =	vor.u32 v2, v3  }
0xaa: {  	p0 =	sne.s32 s16, $0x2E00;
	v3 =	vld [tilespmem:s17+$0xC70];
	v2 =	vadd.s32 v1, v2  }
.Ltmp1:
0xab: {  	_ = 	snop;
	(pc) =	sbr.rel @p0 .LBB2_4-.Ltmp1, $2  }
0xac: {  	_ =	sdelay $0x2  }
0xad: {  	s16 =	sadd.s32 $0x200, s16;
	[tilespmem:v2+s9+$0x0] =	vst.idx.add.f32.msk $0xffff, v3  }
0xae: {  	s16 =	sand.u32 $0x70, s15;
	s30 =	sand.u32 $0xC00, s15  }
0xaf: {  	s15 =	sor.u32 s16, s30  }
0xb0: {  	v2 =	vld [tilespmem:s15+$0x1880]  }
0xb1: {  	v3 =	vld [tilespmem:s15+$0x1800];
	_ =	sdelay $0x1  }
0xb2: {  	v4 =	vld [tilespmem:s15+$0x1900];
	_ =	sdelay $0x1  }
0xb3: {  	v5 =	vld [tilespmem:s15+$0x1980]  }
0xb4: {  	v2 =	vadd.f32 v2, v3  }
0xb5: {  	v3 =	vld [tilespmem:s15+$0x1A00]  }
0xb6: {  	v2 =	vadd.f32 v4, v2  }
0xb7: {  	v56 =	vld [tilespmem:s15+$0x1A80]  }
0xb8: {  	v2 =	vadd.f32 v5, v2  }
0xb9: {  	v57 =	vld [tilespmem:s15+$0x1B00]  }
0xba: {  	v2 =	vadd.f32 v3, v2  }
0xbb: {  	v3 =	vld [tilespmem:s15+$0x1B80]  }
0xbc: {  	v2 =	vadd.f32 v56, v2  }
0xbd: {  	v58 =	vld [tilespmem:s15+$0x2800]  }
0xbe: {  	v2 =	vadd.f32 v57, v2  }
0xbf: {  	v59 =	vld [tilespmem:s15+$0x2880]  }
0xc0: {  	v2 =	vadd.f32 v3, v2  }
0xc1: {  	v3 =	vld [tilespmem:s15+$0x2900]  }
0xc2: {  	v2 =	vadd.f32 v58, v2  }
0xc3: {  	v60 =	vld [tilespmem:s15+$0x2980]  }
0xc4: {  	v2 =	vadd.f32 v59, v2  }
0xc5: {  	v61 =	vld [tilespmem:s15+$0x2A00]  }
0xc6: {  	v2 =	vadd.f32 v3, v2  }
0xc7: {  	v3 =	vld [tilespmem:s15+$0x2A80]  }
0xc8: {  	v2 =	vadd.f32 v60, v2  }
0xc9: {  	v62 =	vld [tilespmem:s15+$0x2B00]  }
0xca: {  	v2 =	vadd.f32 v61, v2  }
0xcb: {  	v63 =	vld [tilespmem:s15+$0x2B80]  }
0xcc: {  	v2 =	vadd.f32 v3, v2;
	_ =	sdelay $0x1  }
0xcd: {  	v2 =	vadd.f32 v62, v2;
	_ =	sdelay $0x1  }
0xce: {  	s31 =	simm.s32 $0x10;
	s17 =	simm.s32 $0x80;
	v2 =	vadd.f32 v63, v2  }
0xcf: {  	s16 =	sand.u32 $0x70, s31;
	s18 =	sand.u32 $0xC00, s17;
	s15 =	simm.s32 $0x3800  }
0xd0: {  	s16 =	sor.u32 s16, s18;
	s18 =	simm.s32 $0x20;
	[tilespmem:s15+$0x0] =	vst v2  }
.LBB2_6:
0xd1: {  	p0 =	sne.s32 s18, $0x1F0;
	v2 =	vld [tilespmem:s16+$0x1880]  }
0xd2: {  	v3 =	vld [tilespmem:s16+$0x1800];
	_ =	sdelay $0x1  }
0xd3: {  	v4 =	vld [tilespmem:s16+$0x1900];
	_ =	sdelay $0x1  }
0xd4: {  	v5 =	vld [tilespmem:s16+$0x1980]  }
0xd5: {  	v2 =	vadd.f32 v2, v3  }
0xd6: {  	v3 =	vld [tilespmem:s16+$0x1A00]  }
0xd7: {  	v2 =	vadd.f32 v4, v2  }
0xd8: {  	v4 =	vld [tilespmem:s16+$0x1A80]  }
0xd9: {  	v2 =	vadd.f32 v5, v2  }
0xda: {  	v5 =	vld [tilespmem:s16+$0x1B00]  }
0xdb: {  	v2 =	vadd.f32 v3, v2  }
0xdc: {  	v3 =	vld [tilespmem:s16+$0x1B80]  }
0xdd: {  	v2 =	vadd.f32 v4, v2  }
0xde: {  	v4 =	vld [tilespmem:s16+$0x2800]  }
0xdf: {  	v2 =	vadd.f32 v5, v2  }
0xe0: {  	v5 =	vld [tilespmem:s16+$0x2880]  }
0xe1: {  	v2 =	vadd.f32 v3, v2  }
0xe2: {  	v3 =	vld [tilespmem:s16+$0x2900]  }
0xe3: {  	v2 =	vadd.f32 v4, v2  }
0xe4: {  	v4 =	vld [tilespmem:s16+$0x2980]  }
0xe5: {  	v2 =	vadd.f32 v5, v2  }
0xe6: {  	v5 =	vld [tilespmem:s16+$0x2A00]  }
0xe7: {  	v2 =	vadd.f32 v3, v2  }
0xe8: {  	v3 =	vld [tilespmem:s16+$0x2A80]  }
0xe9: {  	v2 =	vadd.f32 v4, v2  }
0xea: {  	v4 =	vld [tilespmem:s16+$0x2B00]  }
0xeb: {  	v2 =	vadd.f32 v5, v2  }
0xec: {  	v5 =	vld [tilespmem:s16+$0x2B80]  }
0xed: {  	v2 =	vadd.f32 v3, v2;
	_ =	sdelay $0x1  }
.Ltmp2:
0xee: {  	v2 =	vadd.f32 v4, v2;
	(pc) =	sbr.rel @p0 .LBB2_6-.Ltmp2, $4  }
0xef: {  	_ = 	snop  }
0xf0: {  	s17 =	sadd.s32 $0x80, s17;
	v2 =	vadd.f32 v5, v2  }
0xf1: {  	s15 =	sadd.s32 $0x10, s15;
	s19 =	sand.u32 $0xC00, s17;
	s16 =	sand.u32 $0x70, s18  }
0xf2: {  	s18 =	sadd.s32 $0x10, s18;
	s16 =	sor.u32 s16, s19;
	[tilespmem:s15+$0x0] =	vst v2  }
0xf3: {  	v2 =	vld [tilespmem:s16+$0x1880]  }
0xf4: {  	v3 =	vld [tilespmem:s16+$0x1800];
	_ =	sdelay $0x1  }
0xf5: {  	v4 =	vld [tilespmem:s16+$0x1900];
	_ =	sdelay $0x1  }
0xf6: {  	v5 =	vld [tilespmem:s16+$0x1980]  }
0xf7: {  	v2 =	vadd.f32 v2, v3  }
0xf8: {  	v3 =	vld [tilespmem:s16+$0x1A00]  }
0xf9: {  	v2 =	vadd.f32 v4, v2  }
0xfa: {  	v56 =	vld [tilespmem:s16+$0x1A80]  }
0xfb: {  	v2 =	vadd.f32 v5, v2  }
0xfc: {  	v57 =	vld [tilespmem:s16+$0x1B00]  }
0xfd: {  	v2 =	vadd.f32 v3, v2  }
0xfe: {  	v3 =	vld [tilespmem:s16+$0x1B80]  }
0xff: {  	v2 =	vadd.f32 v56, v2  }
0x100: {  	v58 =	vld [tilespmem:s16+$0x2800]  }
0x101: {  	v2 =	vadd.f32 v57, v2  }
0x102: {  	v59 =	vld [tilespmem:s16+$0x2880]  }
0x103: {  	v2 =	vadd.f32 v3, v2  }
0x104: {  	v3 =	vld [tilespmem:s16+$0x2900]  }
0x105: {  	v2 =	vadd.f32 v58, v2  }
0x106: {  	v60 =	vld [tilespmem:s16+$0x2980]  }
0x107: {  	v2 =	vadd.f32 v59, v2  }
0x108: {  	v61 =	vld [tilespmem:s16+$0x2A00]  }
0x109: {  	v2 =	vadd.f32 v3, v2  }
0x10a: {  	v3 =	vld [tilespmem:s16+$0x2A80]  }
0x10b: {  	v2 =	vadd.f32 v60, v2  }
0x10c: {  	v62 =	vld [tilespmem:s16+$0x2B00]  }
0x10d: {  	v2 =	vadd.f32 v61, v2  }
0x10e: {  	v63 =	vld [tilespmem:s16+$0x2B80]  }
0x10f: {  	v2 =	vadd.f32 v3, v2;
	_ =	sdelay $0x1  }
0x110: {  	v2 =	vadd.f32 v62, v2;
	_ =	sdelay $0x1  }
0x111: {  	s14 =	sadd.s32 $0x1, s14;
	v2 =	vadd.f32 v63, v2  }
0x112: {  	s15 =	sadd.s32 $0x10, s15;
	p0 =	sne.s32 s14, s6  }
.Ltmp3:
0x113: {  	[tilespmem:s15+$0x0] =	vst v2;
	(pc) =	sbr.rel @p0 .LBB2_1-.Ltmp3, $4  }
0x114: {  	[hbm4b:s5+s10] =	stream.strided.scatter [tilespmem:s12], [sflag:$0x2], $0x200, s11, s10, $0x38;
	[tilespmem:$0x3A00] =	vst v63  }
0x115: {  	_ =	swait.ge [sflag:s13], $0x200  }
0x116: {  	[sflag:s13] =	ssyncset.done $0x0  }
0x117: {  	[sflag:s13] =	ssyncadd.s32 $0xFFFFFE00  }
0x118: {  	_ =	sfence.sel $0x180000  }
0x119: {  	[bflag:$0x0] =	sbarrier.arrive $0xFFFF  }
0x11a: {  	p0 =	sne.s32 s0, $0x0;
	_ =	strace $0x9000004A  }
0x11b: {  	s0 =	sadd.s32 @!p0 $0x100000, s1;
	[bflag:$0x2] =	sbarrier.arrive $0xFFFF  }
0x11c: {  	[sflag:s0] =	ssyncadd.tile.s32 @!p0 $0x1;
	_ =	shalt  }
.Lfunc_end2:
_tile_overlayer_lowered:
.L_overlay_start_2:
0x11d: {  	(tag) =	ssettag $0x2  }
0x11e: {  	s0 =	rddreg [dreg:$0x0];
	s2 =	stileid.u32  }
0x11f: {  	s1 =	rddreg [dreg:$0x1];
	p0 =	sne.s32 s2, $0x0  }
0x120: {  	s3 =	rddreg [dreg:$0x2];
	[bflag:$0x3] =	sbarrier.arrive $0xFFFF;
	s2 =	simm.s32 @!p0 $0x1C02  }
0x121: {  	[timem:s3], [sflag:s2] =	dma.local @!p0 [hbm:s0], s1  }
0x122: {  	s0 =	simm.s32 @!p0 $0x2  }
0x123: {  	_ =	swait.ge @!p0 [sflag:s0], s1  }
0x124: {  	s1 =	ssub.s32 @!p0 $0x0, s1;
	[sflag:s0] =	ssyncset.done @!p0 $0x0  }
0x125: {  	[sflag:s0] =	ssyncadd.s32 @!p0 s1  }
0x126: {  	[bflag:$0x3] =	sbarrier.arrive $0xFFFF  }
0x127: {  	_ =	shalt  }

// kernel: kernel.17.cloned.1.call-start
scs
__scs_entry_jumppad:
0x0: {  	(pc) =	sbr.rel $0x88, $3  }
0x1: {  	(tag) =	ssettag $0x0;
	lr =	simm.s32 $0x1  }
0x2: {  	[smem:$0x3F9D] =	sst lr;
	_ =	strace $0xD0000000  }
0x3: {  	_ = 	snop  }
0x4: {  	_ = 	snop  }
0x5: {  	_ = 	snop  }
0x6: {  	_ = 	snop  }
0x7: {  	_ = 	snop  }
__scs_overlays_trampoline_lowered:
0x8: {  	[smem:$0x3FAC] =	sst s0  }
0x9: {  	[smem:$0x3FAD] =	sst s1  }
0xa: {  	[smem:$0x3FAE] =	sst s2  }
0xb: {  	[smem:$0x3FAF] =	sst s3  }
0xc: {  	[smem:$0x3FB0] =	sst s4  }
0xd: {  	[smem:$0x3FB1] =	sst s5  }
0xe: {  	[smem:$0x3FB2] =	sst s6  }
0xf: {  	[smem:$0x3FB3] =	sst s7  }
0x10: {  	[smem:$0x3FB4] =	sst s8  }
0x11: {  	[smem:$0x3FB5] =	sst s9;
	s0 =	simm.s32 @!p0 $0x0  }
0x12: {  	s1 =	sld [smem:$0x3F9B];
	s0 =	simm.s32 @p0 $0x1  }
0x13: {  	[smem:$0x3FB6] =	sst s0;
	s0 =	simm.s32 @!p1 $0x0  }
0x14: {  	s2 =	sld [smem:$0x3F9A];
	s0 =	simm.s32 @p1 $0x1  }
0x15: {  	[smem:$0x3FB7] =	sst s0;
	s0 =	simm.s32 @!p2 $0x0  }
0x16: {  	s3 =	sld [smem:$0x3FDB];
	s0 =	simm.s32 @p2 $0x1  }
0x17: {  	s4 =	simm.s32 $0x1BF5;
	[smem:$0x3FB9] =	sst s0  }
0x18: {  	s0 =	sld [smem:$0x3F9C];
	_ =	swait.ge [sflag:s4], $0x0  }
0x19: {  	s7 =	sld [smem:$0x3F9D]  }
0x1a: {  	s8 =	sadd.s32 $0xFFFFE003, lr  }
0x1b: {  	s9 =	sadd.s32 $0xFFFFFEF7, lr;
	s5 =	simm.s32 $0xFFFFFFFF;
	p2 =	slt.u32 s8, $0xFFFFF086  }
0x1c: {  	p1 =	slt.u32 s9, $0xF7A;
	s5 =	simm.s32 @!p2 $0x0  }
0x1d: {  	s5 =	simm.s32 @p1 $0x1;
	p0 =	seq.s32 s7, s2  }
0x1e: {  	s7 =	smul.u32 @!p0 $0xF7A, s2;
	p2 =	seq.s32 @!p0 s5, $0x0  }
0x1f: {  	s9 =	smul.u32 $0xF7A, s1;
	s8 =	simm.s32 @!p0 $0x1BF5;
	p2 =	por !p2, p0  }
0x20: {  	[sflag:s8] =	ssyncset.s32 @!p0 $0xFFFFF086;
	s6 =	sadd.s32 @!p0 s3, s7;
	s7 =	simm.s32 @!p0 $0x108  }
0x21: {  	s3 =	sadd.s32 s3, s9;
	s6 =	sadd.s32 @!p0 $0x88, s6;
	s7 =	simm.s32 @p2 $0x1082  }
0x22: {  	[simem:s7], [sflag:s8] =	dma.local @!p0 [hbm:s6], $0xF7A  }
0x23: {  	s9 =	sor.u32 $0xD0000000, s2;
	s6 =	simm.s32 $0x108;
	_ =	swait.ge @!p0 [sflag:s8], $0x0  }
0x24: {  	s3 =	sadd.s32 $0x88, s3;
	s6 =	simm.s32 @!p1 $0x1082;
	[sflag:s4] =	ssyncset.s32 $0xFFFFF086  }
0x25: {  	[simem:s6], [sflag:s4] =	dma.local [hbm:s3], $0xF7A  }
0x26: {  	[smem:$0x3F9D] =	sst s1;
	(tag) =	ssettag s2;
	_ =	strace s9  }
0x27: {  	s1 =	sld [smem:$0x3FAD]  }
0x28: {  	s2 =	sld [smem:$0x3FAE]  }
0x29: {  	s4 =	sld [smem:$0x3FB0]  }
0x2a: {  	p0 =	seq.s32 s5, $0x0;
	s5 =	sld [smem:$0x3FB1]  }
0x2b: {  	s6 =	sld [smem:$0x3FB2]  }
0x2c: {  	s7 =	sld [smem:$0x3FB3]  }
0x2d: {  	s3 =	simm.s32 $0x108;
	s8 =	sld [smem:$0x3FB4]  }
0x2e: {  	s3 =	simm.s32 @!p0 $0x1082;
	s9 =	sld [smem:$0x3FB5]  }
0x2f: {  	lr =	sadd.s32 s0, s3;
	s0 =	sld [smem:$0x3FAC]  }
0x30: {  	s3 =	sld [smem:$0x3FAF]  }
0x31: {  	[smem:$0x3FB8] =	sst s10  }
0x32: {  	s10 =	sld [smem:$0x3FB6];
	_ =	sdelay $0x3  }
0x33: {  	p0 =	seq.s32 s10, $0x1;
	s10 =	sld [smem:$0x3FB8];
	_ =	sdelay $0x3  }
0x34: {  	[smem:$0x3FB8] =	sst s10  }
0x35: {  	s10 =	sld [smem:$0x3FB7];
	_ =	sdelay $0x3  }
0x36: {  	p1 =	seq.s32 s10, $0x1;
	s10 =	sld [smem:$0x3FB8];
	_ =	sdelay $0x3  }
0x37: {  	[smem:$0x3FB8] =	sst s10  }
0x38: {  	s10 =	sld [smem:$0x3FB9]  }
0x39: {  	_ = 	snop;
	(pc) =	sbr.ind lr, $3  }
0x3a: {  	_ = 	snop  }
0x3b: {  	_ = 	snop  }
0x3c: {  	p2 =	seq.s32 s10, $0x1;
	s10 =	sld [smem:$0x3FB8]  }
0x3d: {  	_ =	shalt  }
0x3e: {  	_ =	shalt  }
0x3f: {  	_ =	shalt  }
0x40: {  	_ =	shalt  }
0x41: {  	_ =	shalt  }
0x42: {  	_ =	shalt  }
0x43: {  	_ =	shalt  }
0x44: {  	_ =	shalt  }
0x45: {  	_ =	shalt  }
0x46: {  	_ =	shalt  }
0x47: {  	_ =	shalt  }
0x48: {  	_ =	shalt  }
0x49: {  	_ =	shalt  }
0x4a: {  	_ =	shalt  }
0x4b: {  	_ =	shalt  }
0x4c: {  	_ =	shalt  }
0x4d: {  	_ =	shalt  }
0x4e: {  	_ =	shalt  }
0x4f: {  	_ =	shalt  }
0x50: {  	_ =	shalt  }
0x51: {  	_ =	shalt  }
0x52: {  	_ =	shalt  }
0x53: {  	_ =	shalt  }
0x54: {  	_ =	shalt  }
0x55: {  	_ =	shalt  }
0x56: {  	_ =	shalt  }
0x57: {  	_ =	shalt  }
0x58: {  	_ =	shalt  }
0x59: {  	_ =	shalt  }
0x5a: {  	_ =	shalt  }
0x5b: {  	_ =	shalt  }
0x5c: {  	_ =	shalt  }
0x5d: {  	_ =	shalt  }
0x5e: {  	_ =	shalt  }
0x5f: {  	_ =	shalt  }
0x60: {  	_ =	shalt  }
0x61: {  	_ =	shalt  }
0x62: {  	_ =	shalt  }
0x63: {  	_ =	shalt  }
0x64: {  	_ =	shalt  }
0x65: {  	_ =	shalt  }
0x66: {  	_ =	shalt  }
0x67: {  	_ =	shalt  }
0x68: {  	_ =	shalt  }
0x69: {  	_ =	shalt  }
0x6a: {  	_ =	shalt  }
0x6b: {  	_ =	shalt  }
0x6c: {  	_ =	shalt  }
0x6d: {  	_ =	shalt  }
0x6e: {  	_ =	shalt  }
0x6f: {  	_ =	shalt  }
0x70: {  	_ =	shalt  }
0x71: {  	_ =	shalt  }
0x72: {  	_ =	shalt  }
0x73: {  	_ =	shalt  }
0x74: {  	_ =	shalt  }
0x75: {  	_ =	shalt  }
0x76: {  	_ =	shalt  }
0x77: {  	_ =	shalt  }
0x78: {  	_ =	shalt  }
0x79: {  	_ =	shalt  }
0x7a: {  	_ =	shalt  }
0x7b: {  	_ =	shalt  }
0x7c: {  	_ =	shalt  }
0x7d: {  	_ =	shalt  }
0x7e: {  	_ =	shalt  }
0x7f: {  	_ =	shalt  }
0x80: {  	_ =	shalt  }
0x81: {  	_ =	shalt  }
0x82: {  	_ =	shalt  }
0x83: {  	_ =	shalt  }
0x84: {  	_ =	shalt  }
0x85: {  	_ =	shalt  }
0x86: {  	_ =	shalt  }
0x87: {  	_ =	shalt  }
.Lfunc_end0:
.L_simem_size_0:
called_computation.2_lowered:
.L_overlay_start_0:
0x88: {  	s2 =	sld [smem:$0x3FD9]  }
0x89: {  	s3 =	sld [smem:$0x3FFE];
	_ =	sdelay $0x1  }
0x8a: {  	s1 =	srdreg.scid  }
0x8b: {  	s0 =	sand.u32 $0x1, s1  }
0x8c: {  	s17 =	sshll.u32 s0, $0xA;
	s2 =	sadd.s32 s3, s2  }
0x8d: {  	s2 =	sadd.s32 s2, s17  }
0x8e: {  	[smem:$0x3FC4] =	sst s2  }
0x8f: {  	_ = 	snop  }
0x90: {  	s18 =	sld [smem:$0x3FC8];
	(tm) =	ssettm $0x1  }
0x91: {  	s19 =	sld [smem:$0x3FFB];
	_ =	sdelay $0x3  }
0x92: {  	_ =	strace s19  }
0x93: {  	s2 =	sld [smem:$0x3FFC];
	_ =	sdelay $0x3  }
0x94: {  	_ =	strace s2  }
0x95: {  	s2 =	sld [smem:$0x3FFD];
	_ =	sdelay $0x3  }
0x96: {  	_ =	strace s2  }
0x97: {  	_ =	strace $0x8FFFFFFF  }
0x98: {  	s20 =	sld [smem:$0x3FDB];
	_ =	sdelay $0x1  }
0x99: {  	s4 =	simm.s32 $_scs_section_size  }
0x9a: {  	s5 =	simm.s32 $_size__tile_overlayer_lowered;
	s6 =	simm.s32 $_tile_overlayer_lowered  }
0x9b: {  	s7 =	simm.s32 $0x1BFF;
	s21 =	sshll.u32 s6, $0x1;
	s4 =	sadd.s32 s4, s20  }
0x9c: {  	s22 =	simm.s32 $0x0;
	s5 =	sshll.u32 s5, $0x1;
	s6 =	sadd.s32 s21, s4  }
0x9d: {  	[timem:s22], [sflag:s7] =	dma.local [hbm:s6], s5  }
0x9e: {  	_ =	swait.ge [sflag:s7], s5  }
0x9f: {  	s5 =	ssub.s32 $0x0, s5;
	[sflag:s7] =	ssyncset.done $0x0  }
0xa0: {  	[sflag:s7] =	ssyncadd.s32 s5;
	_ =	sdelay $0x1  }
0xa1: {  	s23 =	simm.s32 $0x1B8B  }
0xa2: {  	_ =	swait.ge [sflag:s23], $0x1  }
0xa3: {  	[sflag:s23] =	ssyncset.done $0x0  }
0xa4: {  	[sflag:s23] =	ssyncadd.s32 $0xFFFFFFFF  }
0xa5: {  	s5 =	sld [smem:$0x0]  }
0xa6: {  	s6 =	sand.u32 $0xFFFFFFFE, s1  }
0xa7: {  	p0 =	sne.s32 s1, s6  }
0xa8: {  	s6 =	sshll.u32 @p0 s6, $0xE  }
0xa9: {  	s6 =	sadd.s32 @p0 $0x11B8D, s6;
	s7 =	sshll.u32 @p0 s5, $0x11  }
0xaa: {  	s6 =	sor.u32 @p0 s7, s6  }
0xab: {  	[sflag:s6] =	ssyncadd.remote.s32 @p0 $0x1;
	_ =	sdelay $0x1  }
0xac: {  	s6 =	simm.s32 @p0 $0x1B8D  }
0xad: {  	_ =	swait.eq @p0 [sflag:s6], $0x1  }
0xae: {  	[sflag:s6] =	ssyncadd.s32 @p0 $0xFFFFFFFF  }
0xaf: {  	s7 =	sshll.u32 @!p0 s1, $0xE  }
0xb0: {  	s7 =	sor.u32 @!p0 $0x4000, s7;
	s6 =	simm.s32 @!p0 $0x1B8D  }
0xb1: {  	s5 =	sshll.u32 @!p0 s5, $0x11;
	s7 =	sadd.s32 @!p0 $0x11B8D, s7;
	_ =	swait.eq @!p0 [sflag:s6], $0x1  }
0xb2: {  	s5 =	sor.u32 @!p0 s5, s7;
	[sflag:s6] =	ssyncadd.s32 @!p0 $0xFFFFFFFF  }
0xb3: {  	s25 =	simm.s32 $0x1B8E;
	s24 =	sld [smem:$0x3FFE];
	[sflag:s5] =	ssyncadd.remote.s32 @!p0 $0x1  }
0xb4: {  	s26 =	simm.s32 $execute0_lowered;
	[smem:$0x3FD2] =	sst s25  }
0xb5: {  	s6 =	sshll.u32 s26, $0x1;
	_ =	strace $0x8000004C;
	[dreg:$0x1] =	wrdreg $0xFFFFFFFF  }
0xb6: {  	s28 =	simm.s32 $_size_execute0_lowered;
	s4 =	sadd.s32 s4, s6;
	[dreg:$0x0] =	wrdreg $0x0  }
0xb7: {  	s6 =	sshll.u32 s28, $0x1;
	[dreg:$0x2] =	wrdreg s4  }
0xb8: {  	[dreg:$0x3] =	wrdreg s6  }
0xb9: {  	[dreg:$0x4] =	wrdreg $0xC0  }
0xba: {  	_ =	task [dreg:s22], $0x5FFFF  }
0xbb: {  	[dreg:$0x1] =	wrdreg $0xFFFFFFFF  }
0xbc: {  	[dreg:$0x0] =	wrdreg $0x60  }
0xbd: {  	[dreg:$0x2] =	wrdreg s18  }
0xbe: {  	[dreg:$0x3] =	wrdreg s24  }
0xbf: {  	[dreg:$0x4] =	wrdreg $0xB  }
0xc0: {  	_ =	task.clear_ibuf [dreg:s22], $0x5FFFF;
	_ =	strace $0x9000004C  }
0xc1: {  	s29 =	simm.s32 $0xB;
	_ =	strace $0x8000004E  }
0xc2: {  	_ =	swait.ge [sflag:s29], $0x1  }
0xc3: {  	[sflag:s29] =	ssyncadd.s32 $0xFFFFFFFF  }
0xc4: {  	_ =	strace $0x9000004E  }
0xc5: {  	_ =	sfence  }
0xc6: {  	s30 =	sld [smem:$0x0];
	_ =	sdelay $0x2  }
0xc7: {  	s31 =	sshll.u32 s1, $0xD;
	s1 =	sshrl.u32 s1, $0x2  }
0xc8: {  	s4 =	sand.u32 $0x4000, s31;
	s1 =	sadd.s32 s1, s30  }
0xc9: {  	s0 =	sor.u32 s4, s0;
	s1 =	sshll.u32 s1, $0x11  }
0xca: {  	s0 =	sor.u32 s1, s0  }
0xcb: {  	s0 =	sadd.s32 $0x8F2B, s0  }
0xcc: {  	[sflag:s0] =	ssyncadd.remote.s32 $0x1  }
0xcd: {  	_ =	sfence.sel $0xFFFF  }
0xce: {  	[dreg:$0x0] =	wrdreg $0xFFFFFFFF;
	(pc) =	sbr.abs _section_cstart, $3  }
0xcf: {  	[dreg:$0x1] =	wrdreg $0xFFFFFFFF  }
0xd0: {  	_ =	task.clear_ibuf [dreg:s22], $0x2FFFF;
	_ =	strace $0x9FFFFFFF  }
0xd1: {  	(tm) =	ssettm $0x7FFFFFFF  }
tec
execute0_lowered:
.L_overlay_start_1:
0x0: {  	(tag) =	ssettag $0x1  }
0x1: {  	v0 =	vimm.s32 $0x1380;
	vm0 =	vcmask $0x300  }
0x2: {  	vm14 =	vcmask $0x704;
	v0 =	vsel vm0, $0x0, v0  }
0x3: {  	vm15 =	vcmask $0xB08;
	v0 =	vsel vm14, $0x80, v0  }
0x4: {  	s3 =	rddreg [dreg:$0x0];
	s1 =	srdreg.scid;
	vm4 =	vcmask $0xF0C;
	v0 =	vsel vm15, $0x100, v0  }
0x5: {  	s0 =	stileid.u32;
	s4 =	rddreg [dreg:$0x1];
	vm5 =	vcmask $0x1310;
	v0 =	vsel vm4, $0x180, v0  }
0x6: {  	s2 =	simm.s32 $0x0;
	vm6 =	vcmask $0x1714;
	s10 =	simm.s32 $0x80;
	s11 =	simm.s32 $0x400;
	v0 =	vsel vm5, $0x200, v0  }
0x7: {  	vm7 =	vcmask $0x1B18;
	s12 =	simm.s32 $0x3800;
	s13 =	simm.s32 $0x2;
	s14 =	simm.s32 $0x0;
	v0 =	vsel vm6, $0x280, v0  }
0x8: {  	vm8 =	vcmask $0x1F1C;
	s5 =	sand.u32 $0x1, s1;
	s6 =	sshll.u32 s0, $0x1;
	s1 =	rddreg [dreg:$0x2];
	v0 =	vsel vm7, $0x300, v0  }
0x9: {  	vm9 =	vcmask $0x2320;
	[smem:$0x7FF] =	sst s2;
	s8 =	sshll.u32 s0, $0x7;
	s6 =	sor.u32 s5, s6;
	v0 =	vsel vm8, $0x380, v0  }
0xa: {  	vm10 =	vcmask $0x2724;
	_ =	strace $0x8000004D;
	s8 =	sand.u32 $0x600, s8;
	s7 =	smul.u32 $0x180, s6;
	v0 =	vsel vm9, $0x1000, v0  }
0xb: {  	vm11 =	vcmask $0x2B28;
	s5 =	ssub.s32 $0x2, s5;
	s9 =	smul.u32 $0xC00, s6;
	s6 =	sshll.u32 s6, $0x4;
	v0 =	vsel vm10, $0x1080, v0  }
0xc: {  	vm12 =	vcmask $0x2F2C;
	s30 =	sshrl.u32 s5, $0x1;
	s6 =	sand.u32 $0x70, s6;
	s7 =	sadd.s32 s7, s4;
	v0 =	vsel vm11, $0x1100, v0  }
0xd: {  	vm13 =	vcmask $0x3330;
	s4 =	sadd.s32 s8, s4;
	s9 =	sshrl.u32 s9, $0x3;
	s8 =	ssub.s32 s5, s30;
	v0 =	vsel vm12, $0x1180, v0  }
0xe: {  	vm14 =	vcmask $0x3734;
	s3 =	sadd.s32 s3, s9;
	s31 =	sadd.s32 s6, s4;
	s4 =	sadd.s32 $0x9400, s7;
	v0 =	vsel vm13, $0x1200, v0  }
0xf: {  	vm15 =	vcmask $0x3B38;
	s6 =	smax.u32 s8, $0x1;
	s7 =	simm.s32 $0xC00;
	s8 =	simm.s32 $0x1;
	v1 =	vsel vm14, $0x1280, v0  }
0x10: {  	s9 =	simm.s32 $0x1800;
	s3 =	sadd.s32 $0x6000, s3;
	s5 =	sadd.s32 $0xC400, s31;
	v0 =	vimm.f32 $0.0e+00;
	v1 =	vsel vm15, $0x1300, v1  }
.LBB2_1:
0x11: {  	[tilespmem:s2], [sflag:$0x1] =	stream.linear.gather [hbm4b:s3+s2], $0xC00, $0x38;
	[tilespmem:$0x3A00] =	vst v63  }
0x12: {  	s15 =	sand.u32 $0x1000, s2;
	s16 =	sand.u32 $0x380, s2  }
0x13: {  	s15 =	sor.u32 s16, s15  }
0x14: {  	[tilespmem:s7], [sflag:$0x1] =	stream.linear.gather [hbm4b:s4+s2], $0xC00, $0x38;
	[tilespmem:$0x3A00] =	vst v63  }
0x15: {  	[tilespmem:s15+$0x2470] =	vst v0  }
0x16: {  	[tilespmem:s15+$0x1800] =	vst v0  }
0x17: {  	[tilespmem:s15+$0x1810] =	vst v0  }
0x18: {  	[tilespmem:s15+$0x1820] =	vst v0  }
0x19: {  	[tilespmem:s15+$0x1830] =	vst v0  }
0x1a: {  	[tilespmem:s15+$0x1840] =	vst v0  }
0x1b: {  	[tilespmem:s15+$0x1850] =	vst v0  }
0x1c: {  	[tilespmem:s15+$0x1860] =	vst v0  }
0x1d: {  	[tilespmem:s15+$0x1870] =	vst v0  }
0x1e: {  	[tilespmem:s15+$0x1C00] =	vst v0  }
0x1f: {  	[tilespmem:s15+$0x1C10] =	vst v0  }
0x20: {  	[tilespmem:s15+$0x1C20] =	vst v0  }
0x21: {  	[tilespmem:s15+$0x1C30] =	vst v0  }
0x22: {  	[tilespmem:s15+$0x1C40] =	vst v0  }
0x23: {  	[tilespmem:s15+$0x1C50] =	vst v0  }
0x24: {  	[tilespmem:s15+$0x1C60] =	vst v0  }
0x25: {  	[tilespmem:s15+$0x1C70] =	vst v0  }
0x26: {  	[tilespmem:s15+$0x2000] =	vst v0  }
0x27: {  	[tilespmem:s15+$0x2010] =	vst v0  }
0x28: {  	[tilespmem:s15+$0x2020] =	vst v0  }
0x29: {  	[tilespmem:s15+$0x2030] =	vst v0  }
0x2a: {  	[tilespmem:s15+$0x2040] =	vst v0  }
0x2b: {  	[tilespmem:s15+$0x2050] =	vst v0  }
0x2c: {  	[tilespmem:s15+$0x2060] =	vst v0  }
0x2d: {  	[tilespmem:s15+$0x2070] =	vst v0  }
0x2e: {  	[tilespmem:s15+$0x2400] =	vst v0  }
0x2f: {  	[tilespmem:s15+$0x2410] =	vst v0  }
0x30: {  	[tilespmem:s15+$0x2420] =	vst v0  }
0x31: {  	[tilespmem:s15+$0x2430] =	vst v0  }
0x32: {  	s17 =	simm.s32 $0x200;
	s16 =	simm.s32 $0x80;
	[tilespmem:s15+$0x2440] =	vst v0  }
0x33: {  	s18 =	sand.u32 $0x1000, s17;
	s17 =	simm.s32 $0x400;
	s19 =	sand.u32 $0x380, s16;
	[tilespmem:s15+$0x2450] =	vst v0  }
.LBB2_2:
0x34: {  	p0 =	sne.s32 s17, $0x1E00;
	[tilespmem:s15+$0x2460] =	vst v0;
	s15 =	sor.u32 s19, s18  }
0x35: {  	[tilespmem:s15+$0x2470] =	vst v0  }
0x36: {  	[tilespmem:s15+$0x1800] =	vst v0  }
0x37: {  	[tilespmem:s15+$0x1810] =	vst v0  }
0x38: {  	[tilespmem:s15+$0x1820] =	vst v0  }
0x39: {  	[tilespmem:s15+$0x1830] =	vst v0  }
0x3a: {  	[tilespmem:s15+$0x1840] =	vst v0  }
0x3b: {  	[tilespmem:s15+$0x1850] =	vst v0  }
0x3c: {  	[tilespmem:s15+$0x1860] =	vst v0  }
0x3d: {  	[tilespmem:s15+$0x1870] =	vst v0  }
0x3e: {  	[tilespmem:s15+$0x1C00] =	vst v0  }
0x3f: {  	[tilespmem:s15+$0x1C10] =	vst v0  }
0x40: {  	[tilespmem:s15+$0x1C20] =	vst v0  }
0x41: {  	[tilespmem:s15+$0x1C30] =	vst v0  }
0x42: {  	[tilespmem:s15+$0x1C40] =	vst v0  }
0x43: {  	[tilespmem:s15+$0x1C50] =	vst v0  }
0x44: {  	[tilespmem:s15+$0x1C60] =	vst v0  }
0x45: {  	[tilespmem:s15+$0x1C70] =	vst v0  }
0x46: {  	[tilespmem:s15+$0x2000] =	vst v0  }
0x47: {  	[tilespmem:s15+$0x2010] =	vst v0  }
0x48: {  	[tilespmem:s15+$0x2020] =	vst v0  }
0x49: {  	[tilespmem:s15+$0x2030] =	vst v0  }
0x4a: {  	[tilespmem:s15+$0x2040] =	vst v0  }
0x4b: {  	[tilespmem:s15+$0x2050] =	vst v0  }
0x4c: {  	[tilespmem:s15+$0x2060] =	vst v0  }
0x4d: {  	[tilespmem:s15+$0x2070] =	vst v0  }
0x4e: {  	[tilespmem:s15+$0x2400] =	vst v0  }
.Ltmp0:
0x4f: {  	[tilespmem:s15+$0x2410] =	vst v0;
	(pc) =	sbr.rel @p0 .LBB2_2-.Ltmp0, $4  }
0x50: {  	[tilespmem:s15+$0x2420] =	vst v0  }
0x51: {  	[tilespmem:s15+$0x2430] =	vst v0  }
0x52: {  	s16 =	sadd.s32 $0x80, s16;
	[tilespmem:s15+$0x2440] =	vst v0  }
0x53: {  	s18 =	sand.u32 $0x1000, s17;
	s17 =	sadd.s32 $0x200, s17;
	s19 =	sand.u32 $0x380, s16;
	[tilespmem:s15+$0x2450] =	vst v0  }
0x54: {  	s16 =	sor.u32 s19, s18;
	[tilespmem:s15+$0x2460] =	vst v0  }
0x55: {  	[tilespmem:s16+$0x2470] =	vst v0  }
0x56: {  	[tilespmem:s16+$0x1800] =	vst v0  }
0x57: {  	[tilespmem:s16+$0x1810] =	vst v0  }
0x58: {  	[tilespmem:s16+$0x1820] =	vst v0  }
0x59: {  	[tilespmem:s16+$0x1830] =	vst v0  }
0x5a: {  	[tilespmem:s16+$0x1840] =	vst v0  }
0x5b: {  	[tilespmem:s16+$0x1850] =	vst v0  }
0x5c: {  	[tilespmem:s16+$0x1860] =	vst v0  }
0x5d: {  	[tilespmem:s16+$0x1870] =	vst v0  }
0x5e: {  	[tilespmem:s16+$0x1C00] =	vst v0  }
0x5f: {  	[tilespmem:s16+$0x1C10] =	vst v0  }
0x60: {  	[tilespmem:s16+$0x1C20] =	vst v0  }
0x61: {  	[tilespmem:s16+$0x1C30] =	vst v0  }
0x62: {  	[tilespmem:s16+$0x1C40] =	vst v0  }
0x63: {  	[tilespmem:s16+$0x1C50] =	vst v0  }
0x64: {  	[tilespmem:s16+$0x1C60] =	vst v0  }
0x65: {  	[tilespmem:s16+$0x1C70] =	vst v0  }
0x66: {  	[tilespmem:s16+$0x2000] =	vst v0  }
0x67: {  	[tilespmem:s16+$0x2010] =	vst v0  }
0x68: {  	[tilespmem:s16+$0x2020] =	vst v0  }
0x69: {  	[tilespmem:s16+$0x2030] =	vst v0  }
0x6a: {  	[tilespmem:s16+$0x2040] =	vst v0  }
0x6b: {  	[tilespmem:s16+$0x2050] =	vst v0  }
0x6c: {  	[tilespmem:s16+$0x2060] =	vst v0  }
0x6d: {  	[tilespmem:s16+$0x2070] =	vst v0  }
0x6e: {  	[tilespmem:s16+$0x2400] =	vst v0  }
0x6f: {  	[tilespmem:s16+$0x2410] =	vst v0  }
0x70: {  	[tilespmem:s16+$0x2420] =	vst v0  }
0x71: {  	[tilespmem:s16+$0x2430] =	vst v0  }
0x72: {  	[tilespmem:s16+$0x2440] =	vst v0  }
0x73: {  	[tilespmem:s16+$0x2450] =	vst v0  }
0x74: {  	[tilespmem:s16+$0x2460] =	vst v0  }
0x75: {  	_ =	swait.ge [sflag:s8], $0xC00  }
0x76: {  	[sflag:s8] =	ssyncset.done $0x0  }
0x77: {  	[sflag:s8] =	ssyncadd.s32 $0xFFFFF400  }
0x78: {  	_ =	swait.ge [sflag:s8], $0xC00  }
0x79: {  	[sflag:s8] =	ssyncset.done $0x0  }
0x7a: {  	s15 =	simm.s32 $0x0;
	s16 =	simm.s32 $0x0;
	[sflag:s8] =	ssyncadd.s32 $0xFFFFF400  }
.LBB2_4:
0x7b: {  	s17 =	sshra.s32 s16, $0x2  }
0x7c: {  	v2 =	vld [tilespmem:s17+$0x0];
	_ =	sdelay $0x4  }
0x7d: {  	v3 =	vshll.u32 v2, $0x3  }
0x7e: {  	v2 =	vand.u32 $0x7F, v2;
	v3 =	vand.u32 $0xFFFFFC00, v3  }
0x7f: {  	v2 =	vor.u32 v2, v3  }
0x80: {  	v3 =	vld [tilespmem:s17+$0xC00];
	v2 =	vadd.s32 v1, v2;
	_ =	sdelay $0x4  }
0x81: {  	[tilespmem:v2+s9+$0x0] =	vst.idx.add.f32.msk $0xffff, v3  }
0x82: {  	v2 =	vld [tilespmem:s17+$0x10];
	_ =	sdelay $0x4  }
0x83: {  	v3 =	vshll.u32 v2, $0x3  }
0x84: {  	v2 =	vand.u32 $0x7F, v2;
	v3 =	vand.u32 $0xFFFFFC00, v3  }
0x85: {  	v2 =	vor.u32 v2, v3  }
0x86: {  	v3 =	vld [tilespmem:s17+$0xC10];
	v2 =	vadd.s32 v1, v2;
	_ =	sdelay $0x4  }
0x87: {  	[tilespmem:v2+s9+$0x0] =	vst.idx.add.f32.msk $0xffff, v3  }
0x88: {  	v2 =	vld [tilespmem:s17+$0x20];
	_ =	sdelay $0x4  }
0x89: {  	v3 =	vshll.u32 v2, $0x3  }
0x8a: {  	v2 =	vand.u32 $0x7F, v2;
	v3 =	vand.u32 $0xFFFFFC00, v3  }
0x8b: {  	v2 =	vor.u32 v2, v3  }
0x8c: {  	v3 =	vld [tilespmem:s17+$0xC20];
	v2 =	vadd.s32 v1, v2;
	_ =	sdelay $0x4  }
0x8d: {  	[tilespmem:v2+s9+$0x0] =	vst.idx.add.f32.msk $0xffff, v3  }
0x8e: {  	v2 =	vld [tilespmem:s17+$0x30];
	_ =	sdelay $0x4  }
0x8f: {  	v3 =	vshll.u32 v2, $0x3  }
0x90: {  	v2 =	vand.u32 $0x7F, v2;
	v3 =	vand.u32 $0xFFFFFC00, v3  }
0x91: {  	v2 =	vor.u32 v2, v3  }
0x92: {  	v3 =	vld [tilespmem:s17+$0xC30];
	v2 =	vadd.s32 v1, v2;
	_ =	sdelay $0x4  }
0x93: {  	[tilespmem:v2+s9+$0x0] =	vst.idx.add.f32.msk $0xffff, v3  }
0x94: {  	v2 =	vld [tilespmem:s17+$0x40];
	_ =	sdelay $0x4  }
0x95: {  	v3 =	vshll.u32 v2, $0x3  }
0x96: {  	v2 =	vand.u32 $0x7F, v2;
	v3 =	vand.u32 $0xFFFFFC00, v3  }
0x97: {  	v2 =	vor.u32 v2, v3  }
0x98: {  	v3 =	vld [tilespmem:s17+$0xC40];
	v2 =	vadd.s32 v1, v2;
	_ =	sdelay $0x4  }
0x99: {  	[tilespmem:v2+s9+$0x0] =	vst.idx.add.f32.msk $0xffff, v3  }
0x9a: {  	v2 =	vld [tilespmem:s17+$0x50];
	_ =	sdelay $0x4  }
0x9b: {  	v3 =	vshll.u32 v2, $0x3  }
0x9c: {  	v2 =	vand.u32 $0x7F, v2;
	v3 =	vand.u32 $0xFFFFFC00, v3  }
0x9d: {  	v2 =	vor.u32 v2, v3  }
0x9e: {  	v3 =	vld [tilespmem:s17+$0xC50];
	v2 =	vadd.s32 v1, v2;
	_ =	sdelay $0x4  }
0x9f: {  	[tilespmem:v2+s9+$0x0] =	vst.idx.add.f32.msk $0xffff, v3  }
0xa0: {  	v2 =	vld [tilespmem:s17+$0x60];
	_ =	sdelay $0x4  }
0xa1: {  	v3 =	vshll.u32 v2, $0x3  }
0xa2: {  	v2 =	vand.u32 $0x7F, v2;
	v3 =	vand.u32 $0xFFFFFC00, v3  }
0xa3: {  	v2 =	vor.u32 v2, v3  }
0xa4: {  	v3 =	vld [tilespmem:s17+$0xC60];
	v2 =	vadd.s32 v1, v2;
	_ =	sdelay $0x4  }
0xa5: {  	[tilespmem:v2+s9+$0x0] =	vst.idx.add.f32.msk $0xffff, v3  }
0xa6: {  	v2 =	vld [tilespmem:s17+$0x70];
	_ =	sdelay $0x4  }
0xa7: {  	v3 =	vshll.u32 v2, $0x3  }
0xa8: {  	v2 =	vand.u32 $0x7F, v2;
	v3 =	vand.u32 $0xFFFFFC00, v3  }
0xa9: {  	v2 =	vor.u32 v2, v3  }
0xaa: {  	p0 =	sne.s32 s16, $0x2E00;
	v3 =	vld [tilespmem:s17+$0xC70];
	v2 =	vadd.s32 v1, v2  }
.Ltmp1:
0xab: {  	_ = 	snop;
	(pc) =	sbr.rel @p0 .LBB2_4-.Ltmp1, $2  }
0xac: {  	_ =	sdelay $0x2  }
0xad: {  	s16 =	sadd.s32 $0x200, s16;
	[tilespmem:v2+s9+$0x0] =	vst.idx.add.f32.msk $0xffff, v3  }
0xae: {  	s16 =	sand.u32 $0x70, s15;
	s30 =	sand.u32 $0xC00, s15  }
0xaf: {  	s15 =	sor.u32 s16, s30  }
0xb0: {  	v2 =	vld [tilespmem:s15+$0x1880]  }
0xb1: {  	v3 =	vld [tilespmem:s15+$0x1800];
	_ =	sdelay $0x1  }
0xb2: {  	v4 =	vld [tilespmem:s15+$0x1900];
	_ =	sdelay $0x1  }
0xb3: {  	v5 =	vld [tilespmem:s15+$0x1980]  }
0xb4: {  	v2 =	vadd.f32 v2, v3  }
0xb5: {  	v3 =	vld [tilespmem:s15+$0x1A00]  }
0xb6: {  	v2 =	vadd.f32 v4, v2  }
0xb7: {  	v56 =	vld [tilespmem:s15+$0x1A80]  }
0xb8: {  	v2 =	vadd.f32 v5, v2  }
0xb9: {  	v57 =	vld [tilespmem:s15+$0x1B00]  }
0xba: {  	v2 =	vadd.f32 v3, v2  }
0xbb: {  	v3 =	vld [tilespmem:s15+$0x1B80]  }
0xbc: {  	v2 =	vadd.f32 v56, v2  }
0xbd: {  	v58 =	vld [tilespmem:s15+$0x2800]  }
0xbe: {  	v2 =	vadd.f32 v57, v2  }
0xbf: {  	v59 =	vld [tilespmem:s15+$0x2880]  }
0xc0: {  	v2 =	vadd.f32 v3, v2  }
0xc1: {  	v3 =	vld [tilespmem:s15+$0x2900]  }
0xc2: {  	v2 =	vadd.f32 v58, v2  }
0xc3: {  	v60 =	vld [tilespmem:s15+$0x2980]  }
0xc4: {  	v2 =	vadd.f32 v59, v2  }
0xc5: {  	v61 =	vld [tilespmem:s15+$0x2A00]  }
0xc6: {  	v2 =	vadd.f32 v3, v2  }
0xc7: {  	v3 =	vld [tilespmem:s15+$0x2A80]  }
0xc8: {  	v2 =	vadd.f32 v60, v2  }
0xc9: {  	v62 =	vld [tilespmem:s15+$0x2B00]  }
0xca: {  	v2 =	vadd.f32 v61, v2  }
0xcb: {  	v63 =	vld [tilespmem:s15+$0x2B80]  }
0xcc: {  	v2 =	vadd.f32 v3, v2;
	_ =	sdelay $0x1  }
0xcd: {  	v2 =	vadd.f32 v62, v2;
	_ =	sdelay $0x1  }
0xce: {  	s31 =	simm.s32 $0x10;
	s17 =	simm.s32 $0x80;
	v2 =	vadd.f32 v63, v2  }
0xcf: {  	s16 =	sand.u32 $0x70, s31;
	s18 =	sand.u32 $0xC00, s17;
	s15 =	simm.s32 $0x3800  }
0xd0: {  	s16 =	sor.u32 s16, s18;
	s18 =	simm.s32 $0x20;
	[tilespmem:s15+$0x0] =	vst v2  }
.LBB2_6:
0xd1: {  	p0 =	sne.s32 s18, $0x1F0;
	v2 =	vld [tilespmem:s16+$0x1880]  }
0xd2: {  	v3 =	vld [tilespmem:s16+$0x1800];
	_ =	sdelay $0x1  }
0xd3: {  	v4 =	vld [tilespmem:s16+$0x1900];
	_ =	sdelay $0x1  }
0xd4: {  	v5 =	vld [tilespmem:s16+$0x1980]  }
0xd5: {  	v2 =	vadd.f32 v2, v3  }
0xd6: {  	v3 =	vld [tilespmem:s16+$0x1A00]  }
0xd7: {  	v2 =	vadd.f32 v4, v2  }
0xd8: {  	v4 =	vld [tilespmem:s16+$0x1A80]  }
0xd9: {  	v2 =	vadd.f32 v5, v2  }
0xda: {  	v5 =	vld [tilespmem:s16+$0x1B00]  }
0xdb: {  	v2 =	vadd.f32 v3, v2  }
0xdc: {  	v3 =	vld [tilespmem:s16+$0x1B80]  }
0xdd: {  	v2 =	vadd.f32 v4, v2  }
0xde: {  	v4 =	vld [tilespmem:s16+$0x2800]  }
0xdf: {  	v2 =	vadd.f32 v5, v2  }
0xe0: {  	v5 =	vld [tilespmem:s16+$0x2880]  }
0xe1: {  	v2 =	vadd.f32 v3, v2  }
0xe2: {  	v3 =	vld [tilespmem:s16+$0x2900]  }
0xe3: {  	v2 =	vadd.f32 v4, v2  }
0xe4: {  	v4 =	vld [tilespmem:s16+$0x2980]  }
0xe5: {  	v2 =	vadd.f32 v5, v2  }
0xe6: {  	v5 =	vld [tilespmem:s16+$0x2A00]  }
0xe7: {  	v2 =	vadd.f32 v3, v2  }
0xe8: {  	v3 =	vld [tilespmem:s16+$0x2A80]  }
0xe9: {  	v2 =	vadd.f32 v4, v2  }
0xea: {  	v4 =	vld [tilespmem:s16+$0x2B00]  }
0xeb: {  	v2 =	vadd.f32 v5, v2  }
0xec: {  	v5 =	vld [tilespmem:s16+$0x2B80]  }
0xed: {  	v2 =	vadd.f32 v3, v2;
	_ =	sdelay $0x1  }
.Ltmp2:
0xee: {  	v2 =	vadd.f32 v4, v2;
	(pc) =	sbr.rel @p0 .LBB2_6-.Ltmp2, $4  }
0xef: {  	_ = 	snop  }
0xf0: {  	s17 =	sadd.s32 $0x80, s17;
	v2 =	vadd.f32 v5, v2  }
0xf1: {  	s15 =	sadd.s32 $0x10, s15;
	s19 =	sand.u32 $0xC00, s17;
	s16 =	sand.u32 $0x70, s18  }
0xf2: {  	s18 =	sadd.s32 $0x10, s18;
	s16 =	sor.u32 s16, s19;
	[tilespmem:s15+$0x0] =	vst v2  }
0xf3: {  	v2 =	vld [tilespmem:s16+$0x1880]  }
0xf4: {  	v3 =	vld [tilespmem:s16+$0x1800];
	_ =	sdelay $0x1  }
0xf5: {  	v4 =	vld [tilespmem:s16+$0x1900];
	_ =	sdelay $0x1  }
0xf6: {  	v5 =	vld [tilespmem:s16+$0x1980]  }
0xf7: {  	v2 =	vadd.f32 v2, v3  }
0xf8: {  	v3 =	vld [tilespmem:s16+$0x1A00]  }
0xf9: {  	v2 =	vadd.f32 v4, v2  }
0xfa: {  	v56 =	vld [tilespmem:s16+$0x1A80]  }
0xfb: {  	v2 =	vadd.f32 v5, v2  }
0xfc: {  	v57 =	vld [tilespmem:s16+$0x1B00]  }
0xfd: {  	v2 =	vadd.f32 v3, v2  }
0xfe: {  	v3 =	vld [tilespmem:s16+$0x1B80]  }
0xff: {  	v2 =	vadd.f32 v56, v2  }
0x100: {  	v58 =	vld [tilespmem:s16+$0x2800]  }
0x101: {  	v2 =	vadd.f32 v57, v2  }
0x102: {  	v59 =	vld [tilespmem:s16+$0x2880]  }
0x103: {  	v2 =	vadd.f32 v3, v2  }
0x104: {  	v3 =	vld [tilespmem:s16+$0x2900]  }
0x105: {  	v2 =	vadd.f32 v58, v2  }
0x106: {  	v60 =	vld [tilespmem:s16+$0x2980]  }
0x107: {  	v2 =	vadd.f32 v59, v2  }
0x108: {  	v61 =	vld [tilespmem:s16+$0x2A00]  }
0x109: {  	v2 =	vadd.f32 v3, v2  }
0x10a: {  	v3 =	vld [tilespmem:s16+$0x2A80]  }
0x10b: {  	v2 =	vadd.f32 v60, v2  }
0x10c: {  	v62 =	vld [tilespmem:s16+$0x2B00]  }
0x10d: {  	v2 =	vadd.f32 v61, v2  }
0x10e: {  	v63 =	vld [tilespmem:s16+$0x2B80]  }
0x10f: {  	v2 =	vadd.f32 v3, v2;
	_ =	sdelay $0x1  }
0x110: {  	v2 =	vadd.f32 v62, v2;
	_ =	sdelay $0x1  }
0x111: {  	s14 =	sadd.s32 $0x1, s14;
	v2 =	vadd.f32 v63, v2  }
0x112: {  	s15 =	sadd.s32 $0x10, s15;
	p0 =	sne.s32 s14, s6  }
.Ltmp3:
0x113: {  	[tilespmem:s15+$0x0] =	vst v2;
	(pc) =	sbr.rel @p0 .LBB2_1-.Ltmp3, $4  }
0x114: {  	[hbm4b:s5+s10] =	stream.strided.scatter [tilespmem:s12], [sflag:$0x2], $0x200, s11, s10, $0x38;
	[tilespmem:$0x3A00] =	vst v63  }
0x115: {  	_ =	swait.ge [sflag:s13], $0x200  }
0x116: {  	[sflag:s13] =	ssyncset.done $0x0  }
0x117: {  	[sflag:s13] =	ssyncadd.s32 $0xFFFFFE00  }
0x118: {  	_ =	sfence.sel $0x180000  }
0x119: {  	[bflag:$0x0] =	sbarrier.arrive $0xFFFF  }
0x11a: {  	p0 =	sne.s32 s0, $0x0;
	_ =	strace $0x9000004D  }
0x11b: {  	s0 =	sadd.s32 @!p0 $0x100000, s1;
	[bflag:$0x2] =	sbarrier.arrive $0xFFFF  }
0x11c: {  	[sflag:s0] =	ssyncadd.tile.s32 @!p0 $0x1;
	_ =	shalt  }
.Lfunc_end2:
_tile_overlayer_lowered:
.L_overlay_start_2:
0x11d: {  	(tag) =	ssettag $0x2  }
0x11e: {  	s0 =	rddreg [dreg:$0x0];
	s2 =	stileid.u32  }
0x11f: {  	s1 =	rddreg [dreg:$0x1];
	p0 =	sne.s32 s2, $0x0  }
0x120: {  	s3 =	rddreg [dreg:$0x2];
	[bflag:$0x3] =	sbarrier.arrive $0xFFFF;
	s2 =	simm.s32 @!p0 $0x1C02  }
0x121: {  	[timem:s3], [sflag:s2] =	dma.local @!p0 [hbm:s0], s1  }
0x122: {  	s0 =	simm.s32 @!p0 $0x2  }
0x123: {  	_ =	swait.ge @!p0 [sflag:s0], s1  }
0x124: {  	s1 =	ssub.s32 @!p0 $0x0, s1;
	[sflag:s0] =	ssyncset.done @!p0 $0x0  }
0x125: {  	[sflag:s0] =	ssyncadd.s32 @!p0 s1  }
0x126: {  	[bflag:$0x3] =	sbarrier.arrive $0xFFFF  }
0x127: {  	_ =	shalt  }

// kernel: kernel.20.cloned.1.call-start
scs
__scs_entry_jumppad:
0x0: {  	(pc) =	sbr.rel $0x88, $3  }
0x1: {  	(tag) =	ssettag $0x0;
	lr =	simm.s32 $0x1  }
0x2: {  	[smem:$0x3F9D] =	sst lr;
	_ =	strace $0xD0000000  }
0x3: {  	_ = 	snop  }
0x4: {  	_ = 	snop  }
0x5: {  	_ = 	snop  }
0x6: {  	_ = 	snop  }
0x7: {  	_ = 	snop  }
__scs_overlays_trampoline_lowered:
0x8: {  	[smem:$0x3FAC] =	sst s0  }
0x9: {  	[smem:$0x3FAD] =	sst s1  }
0xa: {  	[smem:$0x3FAE] =	sst s2  }
0xb: {  	[smem:$0x3FAF] =	sst s3  }
0xc: {  	[smem:$0x3FB0] =	sst s4  }
0xd: {  	[smem:$0x3FB1] =	sst s5  }
0xe: {  	[smem:$0x3FB2] =	sst s6  }
0xf: {  	[smem:$0x3FB3] =	sst s7  }
0x10: {  	[smem:$0x3FB4] =	sst s8  }
0x11: {  	[smem:$0x3FB5] =	sst s9;
	s0 =	simm.s32 @!p0 $0x0  }
0x12: {  	s1 =	sld [smem:$0x3F9B];
	s0 =	simm.s32 @p0 $0x1  }
0x13: {  	[smem:$0x3FB6] =	sst s0;
	s0 =	simm.s32 @!p1 $0x0  }
0x14: {  	s2 =	sld [smem:$0x3F9A];
	s0 =	simm.s32 @p1 $0x1  }
0x15: {  	[smem:$0x3FB7] =	sst s0;
	s0 =	simm.s32 @!p2 $0x0  }
0x16: {  	s3 =	sld [smem:$0x3FDB];
	s0 =	simm.s32 @p2 $0x1  }
0x17: {  	s4 =	simm.s32 $0x1BF5;
	[smem:$0x3FB9] =	sst s0  }
0x18: {  	s0 =	sld [smem:$0x3F9C];
	_ =	swait.ge [sflag:s4], $0x0  }
0x19: {  	s7 =	sld [smem:$0x3F9D]  }
0x1a: {  	s8 =	sadd.s32 $0xFFFFE003, lr  }
0x1b: {  	s9 =	sadd.s32 $0xFFFFFEF7, lr;
	s5 =	simm.s32 $0xFFFFFFFF;
	p2 =	slt.u32 s8, $0xFFFFF086  }
0x1c: {  	p1 =	slt.u32 s9, $0xF7A;
	s5 =	simm.s32 @!p2 $0x0  }
0x1d: {  	s5 =	simm.s32 @p1 $0x1;
	p0 =	seq.s32 s7, s2  }
0x1e: {  	s7 =	smul.u32 @!p0 $0xF7A, s2;
	p2 =	seq.s32 @!p0 s5, $0x0  }
0x1f: {  	s9 =	smul.u32 $0xF7A, s1;
	s8 =	simm.s32 @!p0 $0x1BF5;
	p2 =	por !p2, p0  }
0x20: {  	[sflag:s8] =	ssyncset.s32 @!p0 $0xFFFFF086;
	s6 =	sadd.s32 @!p0 s3, s7;
	s7 =	simm.s32 @!p0 $0x108  }
0x21: {  	s3 =	sadd.s32 s3, s9;
	s6 =	sadd.s32 @!p0 $0x88, s6;
	s7 =	simm.s32 @p2 $0x1082  }
0x22: {  	[simem:s7], [sflag:s8] =	dma.local @!p0 [hbm:s6], $0xF7A  }
0x23: {  	s9 =	sor.u32 $0xD0000000, s2;
	s6 =	simm.s32 $0x108;
	_ =	swait.ge @!p0 [sflag:s8], $0x0  }
0x24: {  	s3 =	sadd.s32 $0x88, s3;
	s6 =	simm.s32 @!p1 $0x1082;
	[sflag:s4] =	ssyncset.s32 $0xFFFFF086  }
0x25: {  	[simem:s6], [sflag:s4] =	dma.local [hbm:s3], $0xF7A  }
0x26: {  	[smem:$0x3F9D] =	sst s1;
	(tag) =	ssettag s2;
	_ =	strace s9  }
0x27: {  	s1 =	sld [smem:$0x3FAD]  }
0x28: {  	s2 =	sld [smem:$0x3FAE]  }
0x29: {  	s4 =	sld [smem:$0x3FB0]  }
0x2a: {  	p0 =	seq.s32 s5, $0x0;
	s5 =	sld [smem:$0x3FB1]  }
0x2b: {  	s6 =	sld [smem:$0x3FB2]  }
0x2c: {  	s7 =	sld [smem:$0x3FB3]  }
0x2d: {  	s3 =	simm.s32 $0x108;
	s8 =	sld [smem:$0x3FB4]  }
0x2e: {  	s3 =	simm.s32 @!p0 $0x1082;
	s9 =	sld [smem:$0x3FB5]  }
0x2f: {  	lr =	sadd.s32 s0, s3;
	s0 =	sld [smem:$0x3FAC]  }
0x30: {  	s3 =	sld [smem:$0x3FAF]  }
0x31: {  	[smem:$0x3FB8] =	sst s10  }
0x32: {  	s10 =	sld [smem:$0x3FB6];
	_ =	sdelay $0x3  }
0x33: {  	p0 =	seq.s32 s10, $0x1;
	s10 =	sld [smem:$0x3FB8];
	_ =	sdelay $0x3  }
0x34: {  	[smem:$0x3FB8] =	sst s10  }
0x35: {  	s10 =	sld [smem:$0x3FB7];
	_ =	sdelay $0x3  }
0x36: {  	p1 =	seq.s32 s10, $0x1;
	s10 =	sld [smem:$0x3FB8];
	_ =	sdelay $0x3  }
0x37: {  	[smem:$0x3FB8] =	sst s10  }
0x38: {  	s10 =	sld [smem:$0x3FB9]  }
0x39: {  	_ = 	snop;
	(pc) =	sbr.ind lr, $3  }
0x3a: {  	_ = 	snop  }
0x3b: {  	_ = 	snop  }
0x3c: {  	p2 =	seq.s32 s10, $0x1;
	s10 =	sld [smem:$0x3FB8]  }
0x3d: {  	_ =	shalt  }
0x3e: {  	_ =	shalt  }
0x3f: {  	_ =	shalt  }
0x40: {  	_ =	shalt  }
0x41: {  	_ =	shalt  }
0x42: {  	_ =	shalt  }
0x43: {  	_ =	shalt  }
0x44: {  	_ =	shalt  }
0x45: {  	_ =	shalt  }
0x46: {  	_ =	shalt  }
0x47: {  	_ =	shalt  }
0x48: {  	_ =	shalt  }
0x49: {  	_ =	shalt  }
0x4a: {  	_ =	shalt  }
0x4b: {  	_ =	shalt  }
0x4c: {  	_ =	shalt  }
0x4d: {  	_ =	shalt  }
0x4e: {  	_ =	shalt  }
0x4f: {  	_ =	shalt  }
0x50: {  	_ =	shalt  }
0x51: {  	_ =	shalt  }
0x52: {  	_ =	shalt  }
0x53: {  	_ =	shalt  }
0x54: {  	_ =	shalt  }
0x55: {  	_ =	shalt  }
0x56: {  	_ =	shalt  }
0x57: {  	_ =	shalt  }
0x58: {  	_ =	shalt  }
0x59: {  	_ =	shalt  }
0x5a: {  	_ =	shalt  }
0x5b: {  	_ =	shalt  }
0x5c: {  	_ =	shalt  }
0x5d: {  	_ =	shalt  }
0x5e: {  	_ =	shalt  }
0x5f: {  	_ =	shalt  }
0x60: {  	_ =	shalt  }
0x61: {  	_ =	shalt  }
0x62: {  	_ =	shalt  }
0x63: {  	_ =	shalt  }
0x64: {  	_ =	shalt  }
0x65: {  	_ =	shalt  }
0x66: {  	_ =	shalt  }
0x67: {  	_ =	shalt  }
0x68: {  	_ =	shalt  }
0x69: {  	_ =	shalt  }
0x6a: {  	_ =	shalt  }
0x6b: {  	_ =	shalt  }
0x6c: {  	_ =	shalt  }
0x6d: {  	_ =	shalt  }
0x6e: {  	_ =	shalt  }
0x6f: {  	_ =	shalt  }
0x70: {  	_ =	shalt  }
0x71: {  	_ =	shalt  }
0x72: {  	_ =	shalt  }
0x73: {  	_ =	shalt  }
0x74: {  	_ =	shalt  }
0x75: {  	_ =	shalt  }
0x76: {  	_ =	shalt  }
0x77: {  	_ =	shalt  }
0x78: {  	_ =	shalt  }
0x79: {  	_ =	shalt  }
0x7a: {  	_ =	shalt  }
0x7b: {  	_ =	shalt  }
0x7c: {  	_ =	shalt  }
0x7d: {  	_ =	shalt  }
0x7e: {  	_ =	shalt  }
0x7f: {  	_ =	shalt  }
0x80: {  	_ =	shalt  }
0x81: {  	_ =	shalt  }
0x82: {  	_ =	shalt  }
0x83: {  	_ =	shalt  }
0x84: {  	_ =	shalt  }
0x85: {  	_ =	shalt  }
0x86: {  	_ =	shalt  }
0x87: {  	_ =	shalt  }
.Lfunc_end0:
.L_simem_size_0:
called_computation.3_lowered:
.L_overlay_start_0:
0x88: {  	s2 =	sld [smem:$0x3FD9]  }
0x89: {  	s3 =	sld [smem:$0x3FFE];
	_ =	sdelay $0x1  }
0x8a: {  	s1 =	srdreg.scid  }
0x8b: {  	s0 =	sand.u32 $0x1, s1  }
0x8c: {  	s17 =	sshll.u32 s0, $0xA;
	s2 =	sadd.s32 s3, s2  }
0x8d: {  	s2 =	sadd.s32 s2, s17  }
0x8e: {  	[smem:$0x3FC4] =	sst s2  }
0x8f: {  	_ = 	snop  }
0x90: {  	(tm) =	ssettm $0x1  }
0x91: {  	s18 =	sld [smem:$0x3FFB];
	_ =	sdelay $0x3  }
0x92: {  	_ =	strace s18  }
0x93: {  	s2 =	sld [smem:$0x3FFC];
	_ =	sdelay $0x3  }
0x94: {  	_ =	strace s2  }
0x95: {  	s2 =	sld [smem:$0x3FFD];
	_ =	sdelay $0x3  }
0x96: {  	_ =	strace s2  }
0x97: {  	_ =	strace $0x8FFFFFFF  }
0x98: {  	s19 =	sld [smem:$0x3FDB];
	_ =	sdelay $0x1  }
0x99: {  	s20 =	simm.s32 $_scs_section_size  }
0x9a: {  	s4 =	simm.s32 $_size__tile_overlayer_lowered;
	s5 =	simm.s32 $_tile_overlayer_lowered  }
0x9b: {  	s6 =	simm.s32 $0x1BFF;
	s21 =	sshll.u32 s5, $0x1;
	s3 =	sadd.s32 s20, s19  }
0x9c: {  	s22 =	simm.s32 $0x0;
	s4 =	sshll.u32 s4, $0x1;
	s5 =	sadd.s32 s21, s3  }
0x9d: {  	[timem:s22], [sflag:s6] =	dma.local [hbm:s5], s4  }
0x9e: {  	_ =	swait.ge [sflag:s6], s4  }
0x9f: {  	s4 =	ssub.s32 $0x0, s4;
	[sflag:s6] =	ssyncset.done $0x0  }
0xa0: {  	[sflag:s6] =	ssyncadd.s32 s4;
	_ =	sdelay $0x1  }
0xa1: {  	s23 =	simm.s32 $0x1B8B  }
0xa2: {  	_ =	swait.ge [sflag:s23], $0x1  }
0xa3: {  	[sflag:s23] =	ssyncset.done $0x0  }
0xa4: {  	[sflag:s23] =	ssyncadd.s32 $0xFFFFFFFF  }
0xa5: {  	s4 =	sld [smem:$0x0]  }
0xa6: {  	s5 =	sand.u32 $0xFFFFFFFE, s1  }
0xa7: {  	p0 =	sne.s32 s1, s5  }
0xa8: {  	s5 =	sshll.u32 @p0 s5, $0xE  }
0xa9: {  	s5 =	sadd.s32 @p0 $0x11B8D, s5;
	s6 =	sshll.u32 @p0 s4, $0x11  }
0xaa: {  	s5 =	sor.u32 @p0 s6, s5  }
0xab: {  	[sflag:s5] =	ssyncadd.remote.s32 @p0 $0x1;
	_ =	sdelay $0x1  }
0xac: {  	s5 =	simm.s32 @p0 $0x1B8D  }
0xad: {  	_ =	swait.eq @p0 [sflag:s5], $0x1  }
0xae: {  	[sflag:s5] =	ssyncadd.s32 @p0 $0xFFFFFFFF  }
0xaf: {  	s6 =	sshll.u32 @!p0 s1, $0xE  }
0xb0: {  	s6 =	sor.u32 @!p0 $0x4000, s6;
	s5 =	simm.s32 @!p0 $0x1B8D  }
0xb1: {  	s4 =	sshll.u32 @!p0 s4, $0x11;
	s6 =	sadd.s32 @!p0 $0x11B8D, s6;
	_ =	swait.eq @!p0 [sflag:s5], $0x1  }
0xb2: {  	s4 =	sor.u32 @!p0 s4, s6;
	[sflag:s5] =	ssyncadd.s32 @!p0 $0xFFFFFFFF  }
0xb3: {  	s25 =	simm.s32 $0x1B8E;
	s24 =	sld [smem:$0x3FFE];
	[sflag:s4] =	ssyncadd.remote.s32 @!p0 $0x1  }
0xb4: {  	s26 =	simm.s32 $execute0_lowered;
	[smem:$0x3FD2] =	sst s25  }
0xb5: {  	s5 =	sshll.u32 s26, $0x1;
	_ =	strace $0x8000004F;
	[dreg:$0x1] =	wrdreg $0xFFFFFFFF  }
0xb6: {  	s28 =	simm.s32 $_size_execute0_lowered;
	s3 =	sadd.s32 s3, s5;
	[dreg:$0x0] =	wrdreg $0x0  }
0xb7: {  	s5 =	sshll.u32 s28, $0x1;
	[dreg:$0x2] =	wrdreg s3  }
0xb8: {  	[dreg:$0x3] =	wrdreg s5  }
0xb9: {  	[dreg:$0x4] =	wrdreg $0xC0  }
0xba: {  	_ =	task [dreg:s22], $0x5FFFF  }
0xbb: {  	[dreg:$0x1] =	wrdreg $0xFFFFFFFF  }
0xbc: {  	[dreg:$0x0] =	wrdreg $0x60  }
0xbd: {  	[dreg:$0x2] =	wrdreg s24  }
0xbe: {  	[dreg:$0x3] =	wrdreg $0xC  }
0xbf: {  	_ =	task.clear_ibuf [dreg:s22], $0x4FFFF;
	_ =	strace $0x9000004F  }
0xc0: {  	s29 =	simm.s32 $0xC;
	_ =	strace $0x80000051  }
0xc1: {  	_ =	swait.ge [sflag:s29], $0x1  }
0xc2: {  	[sflag:s29] =	ssyncadd.s32 $0xFFFFFFFF  }
0xc3: {  	_ =	strace $0x90000051  }
0xc4: {  	_ =	sfence  }
0xc5: {  	s30 =	sld [smem:$0x0];
	_ =	sdelay $0x2  }
0xc6: {  	s31 =	sshll.u32 s1, $0xD;
	s1 =	sshrl.u32 s1, $0x2  }
0xc7: {  	s4 =	sand.u32 $0x4000, s31;
	s1 =	sadd.s32 s1, s30  }
0xc8: {  	s0 =	sor.u32 s4, s0;
	s1 =	sshll.u32 s1, $0x11  }
0xc9: {  	s0 =	sor.u32 s1, s0  }
0xca: {  	s0 =	sadd.s32 $0x8F2B, s0  }
0xcb: {  	[sflag:s0] =	ssyncadd.remote.s32 $0x1  }
0xcc: {  	_ =	sfence.sel $0xFFFF  }
0xcd: {  	[dreg:$0x0] =	wrdreg $0xFFFFFFFF;
	(pc) =	sbr.abs _section_cstart, $3  }
0xce: {  	[dreg:$0x1] =	wrdreg $0xFFFFFFFF  }
0xcf: {  	_ =	task.clear_ibuf [dreg:s22], $0x2FFFF;
	_ =	strace $0x9FFFFFFF  }
0xd0: {  	(tm) =	ssettm $0x7FFFFFFF  }
0xd1: {  	_ =	shalt  }
tec
execute0_lowered:
.L_overlay_start_1:
0x0: {  	(tag) =	ssettag $0x1  }
0x1: {  	v0 =	vimm.s32 $0x1380;
	vm0 =	vcmask $0x300  }
0x2: {  	vm14 =	vcmask $0x704;
	v0 =	vsel vm0, $0x0, v0  }
0x3: {  	vm15 =	vcmask $0xB08;
	v0 =	vsel vm14, $0x80, v0  }
0x4: {  	vm4 =	vcmask $0xF0C;
	v0 =	vsel vm15, $0x100, v0  }
0x5: {  	vm5 =	vcmask $0x1310;
	v0 =	vsel vm4, $0x180, v0  }
0x6: {  	s1 =	srdreg.scid;
	vm6 =	vcmask $0x1714;
	v0 =	vsel vm5, $0x200, v0  }
0x7: {  	s0 =	stileid.u32;
	vm7 =	vcmask $0x1B18;
	s4 =	rddreg [dreg:$0x0];
	s8 =	simm.s32 $0x1;
	v0 =	vsel vm6, $0x280, v0  }
0x8: {  	vm8 =	vcmask $0x1F1C;
	s9 =	simm.s32 $0x800;
	s10 =	simm.s32 $0x80;
	s11 =	simm.s32 $0x2800;
	v0 =	vsel vm7, $0x300, v0  }
0x9: {  	vm9 =	vcmask $0x2320;
	s12 =	simm.s32 $0x2;
	s13 =	simm.s32 $0x0;
	s3 =	sand.u32 $0x1, s1;
	v0 =	vsel vm8, $0x380, v0  }
0xa: {  	vm10 =	vcmask $0x2724;
	s30 =	sshll.u32 s0, $0x8;
	s6 =	sshll.u32 s0, $0xA;
	s2 =	sshll.u32 s3, $0x7;
	v0 =	vsel vm9, $0x1000, v0  }
0xb: {  	vm11 =	vcmask $0x2B28;
	s1 =	rddreg [dreg:$0x1];
	s3 =	ssub.s32 $0x2, s3;
	s5 =	sor.u32 s2, s30;
	v0 =	vsel vm10, $0x1080, v0  }
0xc: {  	vm12 =	vcmask $0x2F2C;
	s2 =	simm.s32 $0x0;
	s31 =	sshrl.u32 s3, $0x1;
	s6 =	sor.u32 s6, s5;
	v0 =	vsel vm11, $0x1100, v0  }
0xd: {  	vm13 =	vcmask $0x3330;
	[smem:$0x7FF] =	sst s2;
	s5 =	sadd.s32 s5, s4;
	s6 =	sand.u32 $0x3380, s6;
	v0 =	vsel vm12, $0x1180, v0  }
0xe: {  	vm14 =	vcmask $0x3734;
	s7 =	ssub.s32 s3, s31;
	_ =	strace $0x80000050;
	s6 =	sshrl.u32 s6, $0x3;
	v0 =	vsel vm13, $0x1200, v0  }
0xf: {  	vm15 =	vcmask $0x3B38;
	s3 =	sadd.s32 $0x16C00, s5;
	s6 =	sadd.s32 s6, s4;
	s4 =	sadd.s32 $0xCC00, s5;
	v1 =	vsel vm14, $0x1280, v0  }
0x10: {  	s5 =	sadd.s32 $0x17C00, s6;
	s6 =	smax.u32 s7, $0x1;
	s7 =	simm.s32 $0x400;
	v0 =	vimm.f32 $0.0e+00;
	v1 =	vsel vm15, $0x1300, v1  }
.LBB2_1:
0x11: {  	[tilespmem:s2], [sflag:$0x1] =	stream.linear.gather [hbm4b:s3+s2], $0x400, $0x38;
	[tilespmem:$0x2A00] =	vst v63  }
0x12: {  	s14 =	sand.u32 $0x1000, s2;
	s15 =	sand.u32 $0x380, s2  }
0x13: {  	s14 =	sor.u32 s15, s14  }
0x14: {  	[tilespmem:s7], [sflag:$0x1] =	stream.linear.gather [hbm4b:s4+s2], $0x400, $0x38;
	[tilespmem:$0x2A00] =	vst v63  }
0x15: {  	[tilespmem:s14+$0x1470] =	vst v0  }
0x16: {  	[tilespmem:s14+$0x800] =	vst v0  }
0x17: {  	[tilespmem:s14+$0x810] =	vst v0  }
0x18: {  	[tilespmem:s14+$0x820] =	vst v0  }
0x19: {  	[tilespmem:s14+$0x830] =	vst v0  }
0x1a: {  	[tilespmem:s14+$0x840] =	vst v0  }
0x1b: {  	[tilespmem:s14+$0x850] =	vst v0  }
0x1c: {  	[tilespmem:s14+$0x860] =	vst v0  }
0x1d: {  	[tilespmem:s14+$0x870] =	vst v0  }
0x1e: {  	[tilespmem:s14+$0xC00] =	vst v0  }
0x1f: {  	[tilespmem:s14+$0xC10] =	vst v0  }
0x20: {  	[tilespmem:s14+$0xC20] =	vst v0  }
0x21: {  	[tilespmem:s14+$0xC30] =	vst v0  }
0x22: {  	[tilespmem:s14+$0xC40] =	vst v0  }
0x23: {  	[tilespmem:s14+$0xC50] =	vst v0  }
0x24: {  	[tilespmem:s14+$0xC60] =	vst v0  }
0x25: {  	[tilespmem:s14+$0xC70] =	vst v0  }
0x26: {  	[tilespmem:s14+$0x1000] =	vst v0  }
0x27: {  	[tilespmem:s14+$0x1010] =	vst v0  }
0x28: {  	[tilespmem:s14+$0x1020] =	vst v0  }
0x29: {  	[tilespmem:s14+$0x1030] =	vst v0  }
0x2a: {  	[tilespmem:s14+$0x1040] =	vst v0  }
0x2b: {  	[tilespmem:s14+$0x1050] =	vst v0  }
0x2c: {  	[tilespmem:s14+$0x1060] =	vst v0  }
0x2d: {  	[tilespmem:s14+$0x1070] =	vst v0  }
0x2e: {  	[tilespmem:s14+$0x1400] =	vst v0  }
0x2f: {  	[tilespmem:s14+$0x1410] =	vst v0  }
0x30: {  	[tilespmem:s14+$0x1420] =	vst v0  }
0x31: {  	[tilespmem:s14+$0x1430] =	vst v0  }
0x32: {  	s16 =	simm.s32 $0x200;
	s15 =	simm.s32 $0x80;
	[tilespmem:s14+$0x1440] =	vst v0  }
0x33: {  	s17 =	sand.u32 $0x1000, s16;
	s16 =	simm.s32 $0x400;
	s18 =	sand.u32 $0x380, s15;
	[tilespmem:s14+$0x1450] =	vst v0  }
.LBB2_2:
0x34: {  	p0 =	sne.s32 s16, $0x1E00;
	[tilespmem:s14+$0x1460] =	vst v0;
	s14 =	sor.u32 s18, s17  }
0x35: {  	[tilespmem:s14+$0x1470] =	vst v0  }
0x36: {  	[tilespmem:s14+$0x800] =	vst v0  }
0x37: {  	[tilespmem:s14+$0x810] =	vst v0  }
0x38: {  	[tilespmem:s14+$0x820] =	vst v0  }
0x39: {  	[tilespmem:s14+$0x830] =	vst v0  }
0x3a: {  	[tilespmem:s14+$0x840] =	vst v0  }
0x3b: {  	[tilespmem:s14+$0x850] =	vst v0  }
0x3c: {  	[tilespmem:s14+$0x860] =	vst v0  }
0x3d: {  	[tilespmem:s14+$0x870] =	vst v0  }
0x3e: {  	[tilespmem:s14+$0xC00] =	vst v0  }
0x3f: {  	[tilespmem:s14+$0xC10] =	vst v0  }
0x40: {  	[tilespmem:s14+$0xC20] =	vst v0  }
0x41: {  	[tilespmem:s14+$0xC30] =	vst v0  }
0x42: {  	[tilespmem:s14+$0xC40] =	vst v0  }
0x43: {  	[tilespmem:s14+$0xC50] =	vst v0  }
0x44: {  	[tilespmem:s14+$0xC60] =	vst v0  }
0x45: {  	[tilespmem:s14+$0xC70] =	vst v0  }
0x46: {  	[tilespmem:s14+$0x1000] =	vst v0  }
0x47: {  	[tilespmem:s14+$0x1010] =	vst v0  }
0x48: {  	[tilespmem:s14+$0x1020] =	vst v0  }
0x49: {  	[tilespmem:s14+$0x1030] =	vst v0  }
0x4a: {  	[tilespmem:s14+$0x1040] =	vst v0  }
0x4b: {  	[tilespmem:s14+$0x1050] =	vst v0  }
0x4c: {  	[tilespmem:s14+$0x1060] =	vst v0  }
0x4d: {  	[tilespmem:s14+$0x1070] =	vst v0  }
0x4e: {  	[tilespmem:s14+$0x1400] =	vst v0  }
.Ltmp0:
0x4f: {  	[tilespmem:s14+$0x1410] =	vst v0;
	(pc) =	sbr.rel @p0 .LBB2_2-.Ltmp0, $4  }
0x50: {  	[tilespmem:s14+$0x1420] =	vst v0  }
0x51: {  	[tilespmem:s14+$0x1430] =	vst v0  }
0x52: {  	s15 =	sadd.s32 $0x80, s15;
	[tilespmem:s14+$0x1440] =	vst v0  }
0x53: {  	s17 =	sand.u32 $0x1000, s16;
	s16 =	sadd.s32 $0x200, s16;
	s18 =	sand.u32 $0x380, s15;
	[tilespmem:s14+$0x1450] =	vst v0  }
0x54: {  	s15 =	sor.u32 s18, s17;
	[tilespmem:s14+$0x1460] =	vst v0  }
0x55: {  	[tilespmem:s15+$0x1470] =	vst v0  }
0x56: {  	[tilespmem:s15+$0x800] =	vst v0  }
0x57: {  	[tilespmem:s15+$0x810] =	vst v0  }
0x58: {  	[tilespmem:s15+$0x820] =	vst v0  }
0x59: {  	[tilespmem:s15+$0x830] =	vst v0  }
0x5a: {  	[tilespmem:s15+$0x840] =	vst v0  }
0x5b: {  	[tilespmem:s15+$0x850] =	vst v0  }
0x5c: {  	[tilespmem:s15+$0x860] =	vst v0  }
0x5d: {  	[tilespmem:s15+$0x870] =	vst v0  }
0x5e: {  	[tilespmem:s15+$0xC00] =	vst v0  }
0x5f: {  	[tilespmem:s15+$0xC10] =	vst v0  }
0x60: {  	[tilespmem:s15+$0xC20] =	vst v0  }
0x61: {  	[tilespmem:s15+$0xC30] =	vst v0  }
0x62: {  	[tilespmem:s15+$0xC40] =	vst v0  }
0x63: {  	[tilespmem:s15+$0xC50] =	vst v0  }
0x64: {  	[tilespmem:s15+$0xC60] =	vst v0  }
0x65: {  	[tilespmem:s15+$0xC70] =	vst v0  }
0x66: {  	[tilespmem:s15+$0x1000] =	vst v0  }
0x67: {  	[tilespmem:s15+$0x1010] =	vst v0  }
0x68: {  	[tilespmem:s15+$0x1020] =	vst v0  }
0x69: {  	[tilespmem:s15+$0x1030] =	vst v0  }
0x6a: {  	[tilespmem:s15+$0x1040] =	vst v0  }
0x6b: {  	[tilespmem:s15+$0x1050] =	vst v0  }
0x6c: {  	[tilespmem:s15+$0x1060] =	vst v0  }
0x6d: {  	[tilespmem:s15+$0x1070] =	vst v0  }
0x6e: {  	[tilespmem:s15+$0x1400] =	vst v0  }
0x6f: {  	[tilespmem:s15+$0x1410] =	vst v0  }
0x70: {  	[tilespmem:s15+$0x1420] =	vst v0  }
0x71: {  	[tilespmem:s15+$0x1430] =	vst v0  }
0x72: {  	[tilespmem:s15+$0x1440] =	vst v0  }
0x73: {  	[tilespmem:s15+$0x1450] =	vst v0  }
0x74: {  	[tilespmem:s15+$0x1460] =	vst v0  }
0x75: {  	_ =	swait.ge [sflag:s8], $0x400  }
0x76: {  	[sflag:s8] =	ssyncset.done $0x0  }
0x77: {  	[sflag:s8] =	ssyncadd.s32 $0xFFFFFC00  }
0x78: {  	_ =	swait.ge [sflag:s8], $0x400  }
0x79: {  	[sflag:s8] =	ssyncset.done $0x0  }
0x7a: {  	s14 =	simm.s32 $0x0;
	s15 =	simm.s32 $0x0;
	[sflag:s8] =	ssyncadd.s32 $0xFFFFFC00  }
.LBB2_4:
0x7b: {  	s16 =	sshra.s32 s15, $0x2  }
0x7c: {  	v2 =	vld [tilespmem:s16+$0x0];
	_ =	sdelay $0x4  }
0x7d: {  	v3 =	vshll.u32 v2, $0x3  }
0x7e: {  	v2 =	vand.u32 $0x7F, v2;
	v3 =	vand.u32 $0xFFFFFC00, v3  }
0x7f: {  	v2 =	vor.u32 v2, v3  }
0x80: {  	v3 =	vld [tilespmem:s16+$0x400];
	v2 =	vadd.s32 v1, v2;
	_ =	sdelay $0x4  }
0x81: {  	[tilespmem:v2+s9+$0x0] =	vst.idx.add.f32.msk $0xffff, v3  }
0x82: {  	v2 =	vld [tilespmem:s16+$0x10];
	_ =	sdelay $0x4  }
0x83: {  	v3 =	vshll.u32 v2, $0x3  }
0x84: {  	v2 =	vand.u32 $0x7F, v2;
	v3 =	vand.u32 $0xFFFFFC00, v3  }
0x85: {  	v2 =	vor.u32 v2, v3  }
0x86: {  	v3 =	vld [tilespmem:s16+$0x410];
	v2 =	vadd.s32 v1, v2;
	_ =	sdelay $0x4  }
0x87: {  	[tilespmem:v2+s9+$0x0] =	vst.idx.add.f32.msk $0xffff, v3  }
0x88: {  	v2 =	vld [tilespmem:s16+$0x20];
	_ =	sdelay $0x4  }
0x89: {  	v3 =	vshll.u32 v2, $0x3  }
0x8a: {  	v2 =	vand.u32 $0x7F, v2;
	v3 =	vand.u32 $0xFFFFFC00, v3  }
0x8b: {  	v2 =	vor.u32 v2, v3  }
0x8c: {  	v3 =	vld [tilespmem:s16+$0x420];
	v2 =	vadd.s32 v1, v2;
	_ =	sdelay $0x4  }
0x8d: {  	[tilespmem:v2+s9+$0x0] =	vst.idx.add.f32.msk $0xffff, v3  }
0x8e: {  	v2 =	vld [tilespmem:s16+$0x30];
	_ =	sdelay $0x4  }
0x8f: {  	v3 =	vshll.u32 v2, $0x3  }
0x90: {  	v2 =	vand.u32 $0x7F, v2;
	v3 =	vand.u32 $0xFFFFFC00, v3  }
0x91: {  	v2 =	vor.u32 v2, v3  }
0x92: {  	v3 =	vld [tilespmem:s16+$0x430];
	v2 =	vadd.s32 v1, v2;
	_ =	sdelay $0x4  }
0x93: {  	[tilespmem:v2+s9+$0x0] =	vst.idx.add.f32.msk $0xffff, v3  }
0x94: {  	v2 =	vld [tilespmem:s16+$0x40];
	_ =	sdelay $0x4  }
0x95: {  	v3 =	vshll.u32 v2, $0x3  }
0x96: {  	v2 =	vand.u32 $0x7F, v2;
	v3 =	vand.u32 $0xFFFFFC00, v3  }
0x97: {  	v2 =	vor.u32 v2, v3  }
0x98: {  	v3 =	vld [tilespmem:s16+$0x440];
	v2 =	vadd.s32 v1, v2;
	_ =	sdelay $0x4  }
0x99: {  	[tilespmem:v2+s9+$0x0] =	vst.idx.add.f32.msk $0xffff, v3  }
0x9a: {  	v2 =	vld [tilespmem:s16+$0x50];
	_ =	sdelay $0x4  }
0x9b: {  	v3 =	vshll.u32 v2, $0x3  }
0x9c: {  	v2 =	vand.u32 $0x7F, v2;
	v3 =	vand.u32 $0xFFFFFC00, v3  }
0x9d: {  	v2 =	vor.u32 v2, v3  }
0x9e: {  	v3 =	vld [tilespmem:s16+$0x450];
	v2 =	vadd.s32 v1, v2;
	_ =	sdelay $0x4  }
0x9f: {  	[tilespmem:v2+s9+$0x0] =	vst.idx.add.f32.msk $0xffff, v3  }
0xa0: {  	v2 =	vld [tilespmem:s16+$0x60];
	_ =	sdelay $0x4  }
0xa1: {  	v3 =	vshll.u32 v2, $0x3  }
0xa2: {  	v2 =	vand.u32 $0x7F, v2;
	v3 =	vand.u32 $0xFFFFFC00, v3  }
0xa3: {  	v2 =	vor.u32 v2, v3  }
0xa4: {  	v3 =	vld [tilespmem:s16+$0x460];
	v2 =	vadd.s32 v1, v2;
	_ =	sdelay $0x4  }
0xa5: {  	[tilespmem:v2+s9+$0x0] =	vst.idx.add.f32.msk $0xffff, v3  }
0xa6: {  	v2 =	vld [tilespmem:s16+$0x70];
	_ =	sdelay $0x4  }
0xa7: {  	v3 =	vshll.u32 v2, $0x3  }
0xa8: {  	v2 =	vand.u32 $0x7F, v2;
	v3 =	vand.u32 $0xFFFFFC00, v3  }
0xa9: {  	v2 =	vor.u32 v2, v3  }
0xaa: {  	p0 =	sne.s32 s15, $0xE00;
	v3 =	vld [tilespmem:s16+$0x470];
	v2 =	vadd.s32 v1, v2  }
.Ltmp1:
0xab: {  	_ = 	snop;
	(pc) =	sbr.rel @p0 .LBB2_4-.Ltmp1, $2  }
0xac: {  	_ =	sdelay $0x2  }
0xad: {  	s15 =	sadd.s32 $0x200, s15;
	[tilespmem:v2+s9+$0x0] =	vst.idx.add.f32.msk $0xffff, v3  }
0xae: {  	s15 =	sand.u32 $0x70, s14;
	s30 =	sand.u32 $0xC00, s14  }
0xaf: {  	s14 =	sor.u32 s15, s30  }
0xb0: {  	v2 =	vld [tilespmem:s14+$0x880]  }
0xb1: {  	v3 =	vld [tilespmem:s14+$0x800];
	_ =	sdelay $0x1  }
0xb2: {  	v4 =	vld [tilespmem:s14+$0x900];
	_ =	sdelay $0x1  }
0xb3: {  	v5 =	vld [tilespmem:s14+$0x980]  }
0xb4: {  	v2 =	vadd.f32 v2, v3  }
0xb5: {  	v3 =	vld [tilespmem:s14+$0xA00]  }
0xb6: {  	v2 =	vadd.f32 v4, v2  }
0xb7: {  	v56 =	vld [tilespmem:s14+$0xA80]  }
0xb8: {  	v2 =	vadd.f32 v5, v2  }
0xb9: {  	v57 =	vld [tilespmem:s14+$0xB00]  }
0xba: {  	v2 =	vadd.f32 v3, v2  }
0xbb: {  	v3 =	vld [tilespmem:s14+$0xB80]  }
0xbc: {  	v2 =	vadd.f32 v56, v2  }
0xbd: {  	v58 =	vld [tilespmem:s14+$0x1800]  }
0xbe: {  	v2 =	vadd.f32 v57, v2  }
0xbf: {  	v59 =	vld [tilespmem:s14+$0x1880]  }
0xc0: {  	v2 =	vadd.f32 v3, v2  }
0xc1: {  	v3 =	vld [tilespmem:s14+$0x1900]  }
0xc2: {  	v2 =	vadd.f32 v58, v2  }
0xc3: {  	v60 =	vld [tilespmem:s14+$0x1980]  }
0xc4: {  	v2 =	vadd.f32 v59, v2  }
0xc5: {  	v61 =	vld [tilespmem:s14+$0x1A00]  }
0xc6: {  	v2 =	vadd.f32 v3, v2  }
0xc7: {  	v3 =	vld [tilespmem:s14+$0x1A80]  }
0xc8: {  	v2 =	vadd.f32 v60, v2  }
0xc9: {  	v62 =	vld [tilespmem:s14+$0x1B00]  }
0xca: {  	v2 =	vadd.f32 v61, v2  }
0xcb: {  	v63 =	vld [tilespmem:s14+$0x1B80]  }
0xcc: {  	v2 =	vadd.f32 v3, v2;
	_ =	sdelay $0x1  }
0xcd: {  	v2 =	vadd.f32 v62, v2;
	_ =	sdelay $0x1  }
0xce: {  	s31 =	simm.s32 $0x10;
	s16 =	simm.s32 $0x80;
	v2 =	vadd.f32 v63, v2  }
0xcf: {  	s15 =	sand.u32 $0x70, s31;
	s17 =	sand.u32 $0xC00, s16;
	s14 =	simm.s32 $0x2800  }
0xd0: {  	s15 =	sor.u32 s15, s17;
	s17 =	simm.s32 $0x20;
	[tilespmem:s14+$0x0] =	vst v2  }
.LBB2_6:
0xd1: {  	p0 =	sne.s32 s17, $0x1F0;
	v2 =	vld [tilespmem:s15+$0x880]  }
0xd2: {  	v3 =	vld [tilespmem:s15+$0x800];
	_ =	sdelay $0x1  }
0xd3: {  	v4 =	vld [tilespmem:s15+$0x900];
	_ =	sdelay $0x1  }
0xd4: {  	v5 =	vld [tilespmem:s15+$0x980]  }
0xd5: {  	v2 =	vadd.f32 v2, v3  }
0xd6: {  	v3 =	vld [tilespmem:s15+$0xA00]  }
0xd7: {  	v2 =	vadd.f32 v4, v2  }
0xd8: {  	v4 =	vld [tilespmem:s15+$0xA80]  }
0xd9: {  	v2 =	vadd.f32 v5, v2  }
0xda: {  	v5 =	vld [tilespmem:s15+$0xB00]  }
0xdb: {  	v2 =	vadd.f32 v3, v2  }
0xdc: {  	v3 =	vld [tilespmem:s15+$0xB80]  }
0xdd: {  	v2 =	vadd.f32 v4, v2  }
0xde: {  	v4 =	vld [tilespmem:s15+$0x1800]  }
0xdf: {  	v2 =	vadd.f32 v5, v2  }
0xe0: {  	v5 =	vld [tilespmem:s15+$0x1880]  }
0xe1: {  	v2 =	vadd.f32 v3, v2  }
0xe2: {  	v3 =	vld [tilespmem:s15+$0x1900]  }
0xe3: {  	v2 =	vadd.f32 v4, v2  }
0xe4: {  	v4 =	vld [tilespmem:s15+$0x1980]  }
0xe5: {  	v2 =	vadd.f32 v5, v2  }
0xe6: {  	v5 =	vld [tilespmem:s15+$0x1A00]  }
0xe7: {  	v2 =	vadd.f32 v3, v2  }
0xe8: {  	v3 =	vld [tilespmem:s15+$0x1A80]  }
0xe9: {  	v2 =	vadd.f32 v4, v2  }
0xea: {  	v4 =	vld [tilespmem:s15+$0x1B00]  }
0xeb: {  	v2 =	vadd.f32 v5, v2  }
0xec: {  	v5 =	vld [tilespmem:s15+$0x1B80]  }
0xed: {  	v2 =	vadd.f32 v3, v2;
	_ =	sdelay $0x1  }
.Ltmp2:
0xee: {  	v2 =	vadd.f32 v4, v2;
	(pc) =	sbr.rel @p0 .LBB2_6-.Ltmp2, $4  }
0xef: {  	_ = 	snop  }
0xf0: {  	s16 =	sadd.s32 $0x80, s16;
	v2 =	vadd.f32 v5, v2  }
0xf1: {  	s14 =	sadd.s32 $0x10, s14;
	s18 =	sand.u32 $0xC00, s16;
	s15 =	sand.u32 $0x70, s17  }
0xf2: {  	s17 =	sadd.s32 $0x10, s17;
	s15 =	sor.u32 s15, s18;
	[tilespmem:s14+$0x0] =	vst v2  }
0xf3: {  	v2 =	vld [tilespmem:s15+$0x880]  }
0xf4: {  	v3 =	vld [tilespmem:s15+$0x800];
	_ =	sdelay $0x1  }
0xf5: {  	v4 =	vld [tilespmem:s15+$0x900];
	_ =	sdelay $0x1  }
0xf6: {  	v5 =	vld [tilespmem:s15+$0x980]  }
0xf7: {  	v2 =	vadd.f32 v2, v3  }
0xf8: {  	v3 =	vld [tilespmem:s15+$0xA00]  }
0xf9: {  	v2 =	vadd.f32 v4, v2  }
0xfa: {  	v56 =	vld [tilespmem:s15+$0xA80]  }
0xfb: {  	v2 =	vadd.f32 v5, v2  }
0xfc: {  	v57 =	vld [tilespmem:s15+$0xB00]  }
0xfd: {  	v2 =	vadd.f32 v3, v2  }
0xfe: {  	v3 =	vld [tilespmem:s15+$0xB80]  }
0xff: {  	v2 =	vadd.f32 v56, v2  }
0x100: {  	v58 =	vld [tilespmem:s15+$0x1800]  }
0x101: {  	v2 =	vadd.f32 v57, v2  }
0x102: {  	v59 =	vld [tilespmem:s15+$0x1880]  }
0x103: {  	v2 =	vadd.f32 v3, v2  }
0x104: {  	v3 =	vld [tilespmem:s15+$0x1900]  }
0x105: {  	v2 =	vadd.f32 v58, v2  }
0x106: {  	v60 =	vld [tilespmem:s15+$0x1980]  }
0x107: {  	v2 =	vadd.f32 v59, v2  }
0x108: {  	v61 =	vld [tilespmem:s15+$0x1A00]  }
0x109: {  	v2 =	vadd.f32 v3, v2  }
0x10a: {  	v3 =	vld [tilespmem:s15+$0x1A80]  }
0x10b: {  	v2 =	vadd.f32 v60, v2  }
0x10c: {  	v62 =	vld [tilespmem:s15+$0x1B00]  }
0x10d: {  	v2 =	vadd.f32 v61, v2  }
0x10e: {  	v63 =	vld [tilespmem:s15+$0x1B80]  }
0x10f: {  	v2 =	vadd.f32 v3, v2;
	_ =	sdelay $0x1  }
0x110: {  	v2 =	vadd.f32 v62, v2;
	_ =	sdelay $0x1  }
0x111: {  	s13 =	sadd.s32 $0x1, s13;
	v2 =	vadd.f32 v63, v2  }
0x112: {  	s14 =	sadd.s32 $0x10, s14;
	p0 =	sne.s32 s13, s6  }
.Ltmp3:
0x113: {  	[tilespmem:s14+$0x0] =	vst v2;
	(pc) =	sbr.rel @p0 .LBB2_1-.Ltmp3, $4  }
0x114: {  	[hbm4b:s5+s10] =	stream.strided.scatter [tilespmem:s11], [sflag:$0x2], $0x200, s7, s10, $0x38;
	[tilespmem:$0x2A00] =	vst v63  }
0x115: {  	_ =	swait.ge [sflag:s12], $0x200  }
0x116: {  	[sflag:s12] =	ssyncset.done $0x0  }
0x117: {  	[sflag:s12] =	ssyncadd.s32 $0xFFFFFE00  }
0x118: {  	_ =	sfence.sel $0x180000  }
0x119: {  	[bflag:$0x0] =	sbarrier.arrive $0xFFFF  }
0x11a: {  	p0 =	sne.s32 s0, $0x0;
	_ =	strace $0x90000050  }
0x11b: {  	s0 =	sadd.s32 @!p0 $0x100000, s1;
	[bflag:$0x2] =	sbarrier.arrive $0xFFFF  }
0x11c: {  	[sflag:s0] =	ssyncadd.tile.s32 @!p0 $0x1;
	_ =	shalt  }
.Lfunc_end2:
_tile_overlayer_lowered:
.L_overlay_start_2:
0x11d: {  	(tag) =	ssettag $0x2  }
0x11e: {  	s0 =	rddreg [dreg:$0x0];
	s2 =	stileid.u32  }
0x11f: {  	s1 =	rddreg [dreg:$0x1];
	p0 =	sne.s32 s2, $0x0  }
0x120: {  	s3 =	rddreg [dreg:$0x2];
	[bflag:$0x3] =	sbarrier.arrive $0xFFFF;
	s2 =	simm.s32 @!p0 $0x1C02  }
0x121: {  	[timem:s3], [sflag:s2] =	dma.local @!p0 [hbm:s0], s1  }
0x122: {  	s0 =	simm.s32 @!p0 $0x2  }
0x123: {  	_ =	swait.ge @!p0 [sflag:s0], s1  }
0x124: {  	s1 =	ssub.s32 @!p0 $0x0, s1;
	[sflag:s0] =	ssyncset.done @!p0 $0x0  }
0x125: {  	[sflag:s0] =	ssyncadd.s32 @!p0 s1  }
0x126: {  	[bflag:$0x3] =	sbarrier.arrive $0xFFFF  }
0x127: {  	_ =	shalt  }

</sc_bundles>
